<compile_context>
chip_gen: v7x
topology: tpu7x:2x2x1
jax: 0.10.2.dev20260603
libtpu: 0.0.44.dev20260713+nightly
codegen_flags: <defaults>
</compile_context>

<pallas_src>
import functools

import jax
import jax.numpy as jnp
from jax import lax
from jax.experimental import pallas as pl
from jax.experimental.pallas import tpu as pltpu
from jax.experimental.pallas import tpu_sc as plsc

_LAMBDA = 0.001
_L = 16
_NC = 2
_NS = 16
_NW = _NC * _NS
_B = 16384
_BPW = _B // _NW
_CHUNK = 128
_NCHUNK = _BPW // _CHUNK
_F = 16
_GPC = _CHUNK // _L
_CL = _L * 128
_V = 1000000


def _sc_body(u0_ref, i0_ref, r_ref, eu_ref, ei_ref, ub_ref, ib_ref, avg_ref,
             dummy_ref, dummyb_ref, out_ref,
             uidx_v, iidx_v, r_v, u3_v, i3_v, ubias_v, ibias_v,
             avg_v, res_v, rsem, bsem):
    c = lax.axis_index("c")
    s = lax.axis_index("s")
    wid = s * _NC + c

    pltpu.sync_copy(u0_ref.at[wid], uidx_v)
    pltpu.sync_copy(i0_ref.at[wid], iidx_v)
    pltpu.sync_copy(r_ref.at[wid], r_v)
    pltpu.sync_copy(avg_ref, avg_v)

    lane = lax.iota(jnp.int32, _L)
    avgv = avg_v[...]
    zero = jnp.zeros((_L,), jnp.float32)

    def load_grp(g):
        j = g // _GPC
        o = (g - j * _GPC) * _L
        return uidx_v[j, pl.ds(o, _L)], iidx_v[j, pl.ds(o, _L)]

    def body(g, carry):
        sse, u2, i2 = carry
        uvec, ivec = load_grp(g)
        for k in range(_L):
            ru = uvec[k]
            ri = ivec[k]
            r0u = pl.multiple_of(
                lax.shift_left(lax.shift_right_logical(ru, 7), 7), 128)
            r0i = pl.multiple_of(
                lax.shift_left(lax.shift_right_logical(ri, 7), 7), 128)
            slot = pl.ds(k * 128, 128)
            pltpu.async_copy(eu_ref.at[:, :, pl.ds(r0u, 128)],
                             u3_v.at[:, :, slot], rsem)
            pltpu.async_copy(ei_ref.at[:, :, pl.ds(r0i, 128)],
                             i3_v.at[:, :, slot], rsem)
            pltpu.async_copy(ub_ref.at[:, pl.ds(r0u, 128)],
                             ubias_v.at[:, slot], bsem)
            pltpu.async_copy(ib_ref.at[:, pl.ds(r0i, 128)],
                             ibias_v.at[:, slot], bsem)
        pltpu.make_async_copy(dummy_ref, u3_v, rsem).wait()
        pltpu.make_async_copy(dummy_ref, i3_v, rsem).wait()
        pltpu.make_async_copy(dummyb_ref, ubias_v, bsem).wait()
        pltpu.make_async_copy(dummyb_ref, ibias_v, bsem).wait()

        lslot = lane * 128
        slu = lslot + lax.bitwise_and(uvec, 127)
        sli = lslot + lax.bitwise_and(ivec, 127)
        zero16 = jnp.zeros((_L,), jnp.int32)
        sdot = zero
        for f in range(_F):
            dt = jnp.full((_L,), f // 8, jnp.int32)
            ds_ = jnp.full((_L,), f % 8, jnp.int32)
            cu = plsc.load_gather(u3_v, [dt, ds_, slu])
            ci = plsc.load_gather(i3_v, [dt, ds_, sli])
            sdot = sdot + cu * ci
            u2 = u2 + cu * cu
            i2 = i2 + ci * ci
        ubv = plsc.load_gather(ubias_v, [zero16, slu])
        ibv = plsc.load_gather(ibias_v, [zero16, sli])
        e = sdot + ubv + ibv + avgv - r_v[pl.ds(g * _L, _L)]
        sse = sse + e * e
        return sse, u2, i2

    sse, u2, i2 = lax.fori_loop(
        0, _BPW // _L, body, (zero, zero, zero))

    sse_s = jnp.sum(sse)
    u2_s = jnp.sum(u2)
    i2_s = jnp.sum(i2)
    res = jnp.where(lane == 0, sse_s,
                    jnp.where(lane == 1, u2_s,
                              jnp.where(lane == 2, i2_s, 0.0)))
    res_v[...] = res
    pltpu.sync_copy(res_v, out_ref.at[wid])


@jax.jit
def kernel(user0, item_i0, ratings, embed_user, embed_item, user_bias_w,
           item_bias_w, avg_rating):
    u0 = user0.reshape(_NW, _NCHUNK, _CHUNK)
    i0 = item_i0.reshape(_NW, _NCHUNK, _CHUNK)
    r = ratings.astype(jnp.float32).reshape(_NW, _BPW)
    eu = embed_user.T.reshape(2, 8, _V)
    ei = embed_item.T.reshape(2, 8, _V)
    ub = user_bias_w.T
    ib = item_bias_w.T
    avg16 = jnp.broadcast_to(avg_rating.astype(jnp.float32), (_L,))
    dummy = jnp.zeros((2, 8, _CL), jnp.float32)
    dummyb = jnp.zeros((1, _CL), jnp.float32)

    mesh = plsc.VectorSubcoreMesh(core_axis_name="c", subcore_axis_name="s")
    sc_call = pl.kernel(
        _sc_body,
        mesh=mesh,
        compiler_params=pltpu.CompilerParams(
            needs_layout_passes=False, use_tc_tiling_on_sc=True),
        out_type=jax.ShapeDtypeStruct((_NW, _L), jnp.float32),
        scratch_types=[
            pltpu.VMEM((_NCHUNK, _CHUNK), jnp.int32),
            pltpu.VMEM((_NCHUNK, _CHUNK), jnp.int32),
            pltpu.VMEM((_BPW,), jnp.float32),
            pltpu.VMEM((2, 8, _CL), jnp.float32),
            pltpu.VMEM((2, 8, _CL), jnp.float32),
            pltpu.VMEM((1, _CL), jnp.float32),
            pltpu.VMEM((1, _CL), jnp.float32),
            pltpu.VMEM((_L,), jnp.float32),
            pltpu.VMEM((_L,), jnp.float32),
            pltpu.SemaphoreType.DMA,
            pltpu.SemaphoreType.DMA,
        ],
    )
    parts = sc_call(u0, i0, r, eu, ei, ub, ib, avg16, dummy, dummyb)

    sse = parts[:, 0].sum()
    u2 = parts[:, 1].sum()
    i2 = parts[:, 2].sum()
    task_loss = sse / _B
    l2 = _LAMBDA * (u2 / (_B * _F)) + _LAMBDA * (i2 / (_B * _F))
    loss = task_loss + l2
    return (loss, task_loss, l2)

# --- scband reference (transcript-rebuilt; emitter-appended) ---
"""Pipeline reference for scband-bpr-bias-20727512170646 (READ-ONLY COPY).

The authoritative reference and input builder live on the scoring server;
editing this copy changes nothing except your own understanding.
"""

import jax, jax.numpy as jnp
import numpy as np

LAMADA = 0.001
USER_SIZE = 1000000
ITEM_SIZE = 1000000
FACTOR_NUM = 16
BATCH = 16384


def setup_inputs(seed: int = 0) -> dict:
    key = jax.random.key(seed)
    k1, k2, k3, k4, k5, k6, k7 = jax.random.split(key, 7)
    user0 = jax.random.randint(k1, (BATCH,), 0, USER_SIZE, dtype=jnp.int32)
    item_i0 = jax.random.randint(k2, (BATCH,), 0, ITEM_SIZE, dtype=jnp.int32)
    ratings = jax.random.uniform(k3, (BATCH,), dtype=jnp.float32)
    embed_user = jax.random.normal(k4, (USER_SIZE, FACTOR_NUM), dtype=jnp.float32) * 0.01
    embed_item = jax.random.normal(k5, (ITEM_SIZE, FACTOR_NUM), dtype=jnp.float32) * 0.01
    user_bias_w = jax.random.normal(k6, (USER_SIZE, 1), dtype=jnp.float32) * 0.005
    item_bias_w = jax.random.normal(k7, (USER_SIZE, 1), dtype=jnp.float32) * 0.005
    avg_rating = jnp.array([3.5], dtype=jnp.float32)
    return {
        'user0': user0,
        'item_i0': item_i0,
        'ratings': ratings,
        'embed_user': embed_user,
        'embed_item': embed_item,
        'user_bias_w': user_bias_w,
        'item_bias_w': item_bias_w,
        'avg_rating': avg_rating,
    }


def reference(user0, item_i0, ratings, embed_user, embed_item, user_bias_w, item_bias_w, avg_rating):
    user = jnp.take(embed_user, user0, axis=0)
    item_i = jnp.take(embed_item, item_i0, axis=0)
    user_bias = jnp.take(user_bias_w, user0, axis=0)
    item_bias = jnp.take(item_bias_w, item_i0, axis=0)
    ratings = ratings.astype(jnp.float32)
    prediction_i = (user * item_i).sum(axis=-1) + jnp.squeeze(user_bias, axis=1) + jnp.squeeze(item_bias, axis=1) + avg_rating
    l2_regulization = LAMADA * jnp.mean(user ** 2) + LAMADA * jnp.mean(item_i ** 2)
    task_loss = jnp.mean((prediction_i - ratings) ** 2)
    loss = task_loss + l2_regulization
    return (loss, task_loss, l2_regulization)

if __name__ == "__main__":
    import jax
    _d = setup_inputs()
    print(jax.jit(kernel)(*tuple(_d.values())))

</pallas_src>

<mosaic_0001>
#map = affine_map<(d0, d1) -> (0, 0, 0)>
#map1 = affine_map<(d0, d1) -> (0, 0)>
#map2 = affine_map<(d0, d1) -> (0)>
module attributes {stable_mosaic.version = 14 : i64} {
  func.func @_sc_body(%arg0: i32, %arg1: i32, %arg2: memref<32x4x128xi32, #tpu.memory_space<hbm>>, %arg3: memref<32x4x128xi32, #tpu.memory_space<hbm>>, %arg4: memref<32x512xf32, #tpu.memory_space<hbm>>, %arg5: memref<2x8x1000000xf32, #tpu.memory_space<hbm>>, %arg6: memref<2x8x1000000xf32, #tpu.memory_space<hbm>>, %arg7: memref<1x1000000xf32, #tpu.memory_space<hbm>>, %arg8: memref<1x1000000xf32, #tpu.memory_space<hbm>>, %arg9: memref<16xf32, #tpu.memory_space<hbm>>, %arg10: memref<2x8x2048xf32, #tpu.memory_space<hbm>>, %arg11: memref<1x2048xf32, #tpu.memory_space<hbm>>, %arg12: memref<32x16xf32, #tpu.memory_space<hbm>>, %arg13: memref<4x128xi32, #tpu.memory_space<vmem>>, %arg14: memref<4x128xi32, #tpu.memory_space<vmem>>, %arg15: memref<512xf32, #tpu.memory_space<vmem>>, %arg16: memref<2x8x2048xf32, #tpu.memory_space<vmem>>, %arg17: memref<2x8x2048xf32, #tpu.memory_space<vmem>>, %arg18: memref<1x2048xf32, #tpu.memory_space<vmem>>, %arg19: memref<1x2048xf32, #tpu.memory_space<vmem>>, %arg20: memref<16xf32, #tpu.memory_space<vmem>>, %arg21: memref<16xf32, #tpu.memory_space<vmem>>, %arg22: memref<!tpu.dma_semaphore, #tpu.memory_space<semaphore_mem>>, %arg23: memref<!tpu.dma_semaphore, #tpu.memory_space<semaphore_mem>>) attributes {dimension_semantics = [#tpu.dimension_semantics<core_parallel>, #tpu.dimension_semantics<subcore_parallel>], iteration_bounds = array<i64: 2, 16>, scalar_prefetch = 0 : i64, scratch_operands = 11 : i64, tpu.core_type = #tpu.core_type<sc_vector_subcore>, window_params = [{transform_indices = #map}, {transform_indices = #map}, {transform_indices = #map1}, {transform_indices = #map}, {transform_indices = #map}, {transform_indices = #map1}, {transform_indices = #map1}, {transform_indices = #map2}, {transform_indices = #map}, {transform_indices = #map1}, {transform_indices = #map1}]} {
    %mul3A = arith.constant 2 : i32
    %mul3A_0 = arith.muli %arg1, %mul3A : i32
    %add3A = arith.addi %mul3A_0, %arg0 : i32
    "tpu.region"() ({
      %run_scoped3A = tpu.sem_alloc : memref<!tpu.dma_semaphore, #tpu.memory_space<semaphore_mem>>
      %dma_start3A = arith.constant 0 : i32
      %dma_start3A_34 = arith.constant 0 : i32
      %dma_start3A_35 = tpu.memref_slice %arg2[%add3A, %dma_start3A, %dma_start3A_34] : memref<32x4x128xi32, #tpu.memory_space<hbm>> -> memref<1x4x128xi32, #tpu.memory_space<hbm>>
      %dma_start3A_36 = tpu.memref_squeeze %dma_start3A_35 : memref<1x4x128xi32, #tpu.memory_space<hbm>> -> memref<4x128xi32, #tpu.memory_space<hbm>>
      %dma_start3A_37 = arith.constant 0 : i32
      %dma_start3A_38 = arith.constant 0 : i32
      %dma_start3A_39 = tpu.memref_slice %arg2[%add3A, %dma_start3A_37, %dma_start3A_38] : memref<32x4x128xi32, #tpu.memory_space<hbm>> -> memref<1x4x128xi32, #tpu.memory_space<hbm>>
      %dma_start3A_40 = tpu.memref_squeeze %dma_start3A_39 : memref<1x4x128xi32, #tpu.memory_space<hbm>> -> memref<4x128xi32, #tpu.memory_space<hbm>>
      tpu.enqueue_dma source(%dma_start3A_40 : memref<4x128xi32, #tpu.memory_space<hbm>>) target(%arg13 : memref<4x128xi32, #tpu.memory_space<vmem>>) target_semaphore(%run_scoped3A : memref<!tpu.dma_semaphore, #tpu.memory_space<semaphore_mem>>)
      %dma_wait3A = arith.constant 0 : i32
      %dma_wait3A_41 = arith.constant 0 : i32
      %dma_wait3A_42 = tpu.memref_slice %arg2[%add3A, %dma_wait3A, %dma_wait3A_41] : memref<32x4x128xi32, #tpu.memory_space<hbm>> -> memref<1x4x128xi32, #tpu.memory_space<hbm>>
      %dma_wait3A_43 = tpu.memref_squeeze %dma_wait3A_42 : memref<1x4x128xi32, #tpu.memory_space<hbm>> -> memref<4x128xi32, #tpu.memory_space<hbm>>
      %dma_wait3A_44 = arith.constant 0 : i32
      %dma_wait3A_45 = arith.constant 0 : i32
      %dma_wait3A_46 = tpu.memref_slice %arg2[%add3A, %dma_wait3A_44, %dma_wait3A_45] : memref<32x4x128xi32, #tpu.memory_space<hbm>> -> memref<1x4x128xi32, #tpu.memory_space<hbm>>
      %dma_wait3A_47 = tpu.memref_squeeze %dma_wait3A_46 : memref<1x4x128xi32, #tpu.memory_space<hbm>> -> memref<4x128xi32, #tpu.memory_space<hbm>>
      tpu.wait_dma2 semaphore(%run_scoped3A : memref<!tpu.dma_semaphore, #tpu.memory_space<semaphore_mem>>) src(%dma_wait3A_47 : memref<4x128xi32, #tpu.memory_space<hbm>>) dst(%arg13 : memref<4x128xi32, #tpu.memory_space<vmem>>)
      tpu.yield
    }) : () -> ()
    "tpu.region"() ({
      %run_scoped3A = tpu.sem_alloc : memref<!tpu.dma_semaphore, #tpu.memory_space<semaphore_mem>>
      %dma_start3A = arith.constant 0 : i32
      %dma_start3A_34 = arith.constant 0 : i32
      %dma_start3A_35 = tpu.memref_slice %arg3[%add3A, %dma_start3A, %dma_start3A_34] : memref<32x4x128xi32, #tpu.memory_space<hbm>> -> memref<1x4x128xi32, #tpu.memory_space<hbm>>
      %dma_start3A_36 = tpu.memref_squeeze %dma_start3A_35 : memref<1x4x128xi32, #tpu.memory_space<hbm>> -> memref<4x128xi32, #tpu.memory_space<hbm>>
      %dma_start3A_37 = arith.constant 0 : i32
      %dma_start3A_38 = arith.constant 0 : i32
      %dma_start3A_39 = tpu.memref_slice %arg3[%add3A, %dma_start3A_37, %dma_start3A_38] : memref<32x4x128xi32, #tpu.memory_space<hbm>> -> memref<1x4x128xi32, #tpu.memory_space<hbm>>
      %dma_start3A_40 = tpu.memref_squeeze %dma_start3A_39 : memref<1x4x128xi32, #tpu.memory_space<hbm>> -> memref<4x128xi32, #tpu.memory_space<hbm>>
      tpu.enqueue_dma source(%dma_start3A_40 : memref<4x128xi32, #tpu.memory_space<hbm>>) target(%arg14 : memref<4x128xi32, #tpu.memory_space<vmem>>) target_semaphore(%run_scoped3A : memref<!tpu.dma_semaphore, #tpu.memory_space<semaphore_mem>>)
      %dma_wait3A = arith.constant 0 : i32
      %dma_wait3A_41 = arith.constant 0 : i32
      %dma_wait3A_42 = tpu.memref_slice %arg3[%add3A, %dma_wait3A, %dma_wait3A_41] : memref<32x4x128xi32, #tpu.memory_space<hbm>> -> memref<1x4x128xi32, #tpu.memory_space<hbm>>
      %dma_wait3A_43 = tpu.memref_squeeze %dma_wait3A_42 : memref<1x4x128xi32, #tpu.memory_space<hbm>> -> memref<4x128xi32, #tpu.memory_space<hbm>>
      %dma_wait3A_44 = arith.constant 0 : i32
      %dma_wait3A_45 = arith.constant 0 : i32
      %dma_wait3A_46 = tpu.memref_slice %arg3[%add3A, %dma_wait3A_44, %dma_wait3A_45] : memref<32x4x128xi32, #tpu.memory_space<hbm>> -> memref<1x4x128xi32, #tpu.memory_space<hbm>>
      %dma_wait3A_47 = tpu.memref_squeeze %dma_wait3A_46 : memref<1x4x128xi32, #tpu.memory_space<hbm>> -> memref<4x128xi32, #tpu.memory_space<hbm>>
      tpu.wait_dma2 semaphore(%run_scoped3A : memref<!tpu.dma_semaphore, #tpu.memory_space<semaphore_mem>>) src(%dma_wait3A_47 : memref<4x128xi32, #tpu.memory_space<hbm>>) dst(%arg14 : memref<4x128xi32, #tpu.memory_space<vmem>>)
      tpu.yield
    }) : () -> ()
    "tpu.region"() ({
      %run_scoped3A = tpu.sem_alloc : memref<!tpu.dma_semaphore, #tpu.memory_space<semaphore_mem>>
      %dma_start3A = arith.constant 0 : i32
      %dma_start3A_34 = tpu.memref_slice %arg4[%add3A, %dma_start3A] : memref<32x512xf32, #tpu.memory_space<hbm>> -> memref<1x512xf32, #tpu.memory_space<hbm>>
      %dma_start3A_35 = tpu.memref_squeeze %dma_start3A_34 : memref<1x512xf32, #tpu.memory_space<hbm>> -> memref<512xf32, #tpu.memory_space<hbm>>
      %dma_start3A_36 = arith.constant 0 : i32
      %dma_start3A_37 = tpu.memref_slice %arg4[%add3A, %dma_start3A_36] : memref<32x512xf32, #tpu.memory_space<hbm>> -> memref<1x512xf32, #tpu.memory_space<hbm>>
      %dma_start3A_38 = tpu.memref_squeeze %dma_start3A_37 : memref<1x512xf32, #tpu.memory_space<hbm>> -> memref<512xf32, #tpu.memory_space<hbm>>
      tpu.enqueue_dma source(%dma_start3A_38 : memref<512xf32, #tpu.memory_space<hbm>>) target(%arg15 : memref<512xf32, #tpu.memory_space<vmem>>) target_semaphore(%run_scoped3A : memref<!tpu.dma_semaphore, #tpu.memory_space<semaphore_mem>>)
      %dma_wait3A = arith.constant 0 : i32
      %dma_wait3A_39 = tpu.memref_slice %arg4[%add3A, %dma_wait3A] : memref<32x512xf32, #tpu.memory_space<hbm>> -> memref<1x512xf32, #tpu.memory_space<hbm>>
      %dma_wait3A_40 = tpu.memref_squeeze %dma_wait3A_39 : memref<1x512xf32, #tpu.memory_space<hbm>> -> memref<512xf32, #tpu.memory_space<hbm>>
      %dma_wait3A_41 = arith.constant 0 : i32
      %dma_wait3A_42 = tpu.memref_slice %arg4[%add3A, %dma_wait3A_41] : memref<32x512xf32, #tpu.memory_space<hbm>> -> memref<1x512xf32, #tpu.memory_space<hbm>>
      %dma_wait3A_43 = tpu.memref_squeeze %dma_wait3A_42 : memref<1x512xf32, #tpu.memory_space<hbm>> -> memref<512xf32, #tpu.memory_space<hbm>>
      tpu.wait_dma2 semaphore(%run_scoped3A : memref<!tpu.dma_semaphore, #tpu.memory_space<semaphore_mem>>) src(%dma_wait3A_43 : memref<512xf32, #tpu.memory_space<hbm>>) dst(%arg15 : memref<512xf32, #tpu.memory_space<vmem>>)
      tpu.yield
    }) : () -> ()
    "tpu.region"() ({
      %run_scoped3A = tpu.sem_alloc : memref<!tpu.dma_semaphore, #tpu.memory_space<semaphore_mem>>
      tpu.enqueue_dma source(%arg9 : memref<16xf32, #tpu.memory_space<hbm>>) target(%arg20 : memref<16xf32, #tpu.memory_space<vmem>>) target_semaphore(%run_scoped3A : memref<!tpu.dma_semaphore, #tpu.memory_space<semaphore_mem>>)
      tpu.wait_dma2 semaphore(%run_scoped3A : memref<!tpu.dma_semaphore, #tpu.memory_space<semaphore_mem>>) src(%arg9 : memref<16xf32, #tpu.memory_space<hbm>>) dst(%arg20 : memref<16xf32, #tpu.memory_space<vmem>>)
      tpu.yield
    }) : () -> ()
    %iota3A = tpu.iota {dimensions = array<i32: 0>} : vector<16xi32>
    %get3A = arith.constant 0 : index
    %get3A_1 = tpu.vector_load %arg20[%get3A] {strides = array<i32>} : memref<16xf32, #tpu.memory_space<vmem>>, vector<16xf32>,
    %broadcast_in_dim3A = arith.constant 0.000000e+00 : f32
    %broadcast_in_dim3A_2 = vector.broadcast %broadcast_in_dim3A : f32 to vector<16xf32>
    %scan3A = arith.constant 0 : i32
    %scan3A_3 = arith.constant 32 : i32
    %scan3A_4 = arith.addi %scan3A, %scan3A_3 : i32
    %scan3A_5 = arith.constant 1 : i32
    %scan3A_6:3 = scf.for %scan3A_34 = %scan3A to %scan3A_4 step %scan3A_5 iter_args(%scan3A_35 = %broadcast_in_dim3A_2, %scan3A_36 = %broadcast_in_dim3A_2, %scan3A_37 = %broadcast_in_dim3A_2) -> (vector<16xf32>, vector<16xf32>, vector<16xf32>)  : i32 {
      %jit3A_38 = arith.constant 8 : i32
      %div3A = arith.divsi %scan3A_34, %jit3A_38 : i32
      %sign3A = arith.constant 0 : i32
      %sign3A_39 = arith.cmpi sgt, %scan3A_34, %sign3A : i32
      %sign3A_40 = arith.extui %sign3A_39 : i1 to i32
      %sign3A_41 = arith.constant 0 : i32
      %sign3A_42 = arith.cmpi slt, %scan3A_34, %sign3A_41 : i32
      %sign3A_43 = arith.extui %sign3A_42 : i1 to i32
      %sign3A_44 = arith.subi %sign3A_40, %sign3A_43 : i32
      %sign3A_45 = arith.constant 0 : i32
      %sign3A_46 = arith.cmpi sgt, %jit3A_38, %sign3A_45 : i32
      %sign3A_47 = arith.extui %sign3A_46 : i1 to i32
      %sign3A_48 = arith.constant 0 : i32
      %sign3A_49 = arith.cmpi slt, %jit3A_38, %sign3A_48 : i32
      %sign3A_50 = arith.extui %sign3A_49 : i1 to i32
      %sign3A_51 = arith.subi %sign3A_47, %sign3A_50 : i32
      %ne3A = arith.cmpi ne, %sign3A_44, %sign3A_51 : i32
      %rem3A = arith.remsi %scan3A_34, %jit3A_38 : i32
      %ne3A_52 = arith.constant 0 : i32
      %ne3A_53 = arith.cmpi ne, %rem3A, %ne3A_52 : i32
      %and3A = arith.andi %ne3A, %ne3A_53 : i1
      %sub3A = arith.constant 1 : i32
      %sub3A_54 = arith.subi %div3A, %sub3A : i32
      %select_n3A_55 = arith.select %and3A, %sub3A_54, %div3A : i32
      %mul3A_56 = arith.constant 8 : i32
      %mul3A_57 = arith.muli %select_n3A_55, %mul3A_56 : i32
      %sub3A_58 = arith.subi %scan3A_34, %mul3A_57 : i32
      %mul3A_59 = arith.constant 16 : i32
      %mul3A_60 = arith.muli %sub3A_58, %mul3A_59 : i32
      %get3A_61 = arith.index_cast %select_n3A_55 : i32 to index
      %get3A_62 = arith.index_cast %mul3A_60 : i32 to index
      %get3A_63 = tpu.vector_load %arg13[%get3A_61, %get3A_62] {strides = array<i32>} : memref<4x128xi32, #tpu.memory_space<vmem>>, vector<16xi32>,
      %get3A_64 = arith.index_cast %select_n3A_55 : i32 to index
      %get3A_65 = arith.index_cast %mul3A_60 : i32 to index
      %get3A_66 = tpu.vector_load %arg14[%get3A_64, %get3A_65] {strides = array<i32>} : memref<4x128xi32, #tpu.memory_space<vmem>>, vector<16xi32>,
      %slice3A = vector.extract_strided_slice %get3A_63 {offsets = [0], sizes = [1], strides = [1]} : vector<16xi32> to vector<1xi32>
      %squeeze3A = vector.extract %slice3A[0] : i32 from vector<1xi32>
      %slice3A_67 = vector.extract_strided_slice %get3A_66 {offsets = [0], sizes = [1], strides = [1]} : vector<16xi32> to vector<1xi32>
      %squeeze3A_68 = vector.extract %slice3A_67[0] : i32 from vector<1xi32>
      %shift_right_logical3A = arith.constant 7 : i32
      %shift_right_logical3A_69 = arith.shrui %squeeze3A, %shift_right_logical3A : i32
      %shift_left3A = arith.constant 7 : i32
      %shift_left3A_70 = arith.shli %shift_right_logical3A_69, %shift_left3A : i32
      %multiple_of3A = tpu.assume_multiple %shift_left3A_70, 128 : i32
      %shift_right_logical3A_71 = arith.constant 7 : i32
      %shift_right_logical3A_72 = arith.shrui %squeeze3A_68, %shift_right_logical3A_71 : i32
      %shift_left3A_73 = arith.constant 7 : i32
      %shift_left3A_74 = arith.shli %shift_right_logical3A_72, %shift_left3A_73 : i32
      %multiple_of3A_75 = tpu.assume_multiple %shift_left3A_74, 128 : i32
      %dma_start3A = arith.constant 0 : i32
      %dma_start3A_76 = arith.constant 0 : i32
      %dma_start3A_77 = arith.constant 0 : i32
      %dma_start3A_78 = tpu.memref_slice %arg16[%dma_start3A, %dma_start3A_76, %dma_start3A_77] : memref<2x8x2048xf32, #tpu.memory_space<vmem>> -> memref<2x8x128xf32, #tpu.memory_space<vmem>>
      %dma_start3A_79 = arith.constant 0 : i32
      %dma_start3A_80 = arith.constant 0 : i32
      %dma_start3A_81 = tpu.memref_slice %arg5[%dma_start3A_79, %dma_start3A_80, %multiple_of3A] : memref<2x8x1000000xf32, #tpu.memory_space<hbm>> -> memref<2x8x128xf32, #tpu.memory_space<hbm>>
      %dma_start3A_82 = arith.constant 0 : i32
      %dma_start3A_83 = arith.constant 0 : i32
      %dma_start3A_84 = arith.constant 0 : i32
      %dma_start3A_85 = tpu.memref_slice %arg16[%dma_start3A_82, %dma_start3A_83, %dma_start3A_84] : memref<2x8x2048xf32, #tpu.memory_space<vmem>> -> memref<2x8x128xf32, #tpu.memory_space<vmem>>
      %dma_start3A_86 = arith.constant 0 : i32
      %dma_start3A_87 = arith.constant 0 : i32
      %dma_start3A_88 = tpu.memref_slice %arg5[%dma_start3A_86, %dma_start3A_87, %multiple_of3A] : memref<2x8x1000000xf32, #tpu.memory_space<hbm>> -> memref<2x8x128xf32, #tpu.memory_space<hbm>>
      tpu.enqueue_dma source(%dma_start3A_88 : memref<2x8x128xf32, #tpu.memory_space<hbm>>) target(%dma_start3A_85 : memref<2x8x128xf32, #tpu.memory_space<vmem>>) target_semaphore(%arg22 : memref<!tpu.dma_semaphore, #tpu.memory_space<semaphore_mem>>)
      %dma_start3A_89 = arith.constant 0 : i32
      %dma_start3A_90 = arith.constant 0 : i32
      %dma_start3A_91 = arith.constant 0 : i32
      %dma_start3A_92 = tpu.memref_slice %arg17[%dma_start3A_89, %dma_start3A_90, %dma_start3A_91] : memref<2x8x2048xf32, #tpu.memory_space<vmem>> -> memref<2x8x128xf32, #tpu.memory_space<vmem>>
      %dma_start3A_93 = arith.constant 0 : i32
      %dma_start3A_94 = arith.constant 0 : i32
      %dma_start3A_95 = tpu.memref_slice %arg6[%dma_start3A_93, %dma_start3A_94, %multiple_of3A_75] : memref<2x8x1000000xf32, #tpu.memory_space<hbm>> -> memref<2x8x128xf32, #tpu.memory_space<hbm>>
      %dma_start3A_96 = arith.constant 0 : i32
      %dma_start3A_97 = arith.constant 0 : i32
      %dma_start3A_98 = arith.constant 0 : i32
      %dma_start3A_99 = tpu.memref_slice %arg17[%dma_start3A_96, %dma_start3A_97, %dma_start3A_98] : memref<2x8x2048xf32, #tpu.memory_space<vmem>> -> memref<2x8x128xf32, #tpu.memory_space<vmem>>
      %dma_start3A_100 = arith.constant 0 : i32
      %dma_start3A_101 = arith.constant 0 : i32
      %dma_start3A_102 = tpu.memref_slice %arg6[%dma_start3A_100, %dma_start3A_101, %multiple_of3A_75] : memref<2x8x1000000xf32, #tpu.memory_space<hbm>> -> memref<2x8x128xf32, #tpu.memory_space<hbm>>
      tpu.enqueue_dma source(%dma_start3A_102 : memref<2x8x128xf32, #tpu.memory_space<hbm>>) target(%dma_start3A_99 : memref<2x8x128xf32, #tpu.memory_space<vmem>>) target_semaphore(%arg22 : memref<!tpu.dma_semaphore, #tpu.memory_space<semaphore_mem>>)
      %dma_start3A_103 = arith.constant 0 : i32
      %dma_start3A_104 = arith.constant 0 : i32
      %dma_start3A_105 = tpu.memref_slice %arg18[%dma_start3A_103, %dma_start3A_104] : memref<1x2048xf32, #tpu.memory_space<vmem>> -> memref<1x128xf32, #tpu.memory_space<vmem>>
      %dma_start3A_106 = arith.constant 0 : i32
      %dma_start3A_107 = tpu.memref_slice %arg7[%dma_start3A_106, %multiple_of3A] : memref<1x1000000xf32, #tpu.memory_space<hbm>> -> memref<1x128xf32, #tpu.memory_space<hbm>>
      %dma_start3A_108 = arith.constant 0 : i32
      %dma_start3A_109 = arith.constant 0 : i32
      %dma_start3A_110 = tpu.memref_slice %arg18[%dma_start3A_108, %dma_start3A_109] : memref<1x2048xf32, #tpu.memory_space<vmem>> -> memref<1x128xf32, #tpu.memory_space<vmem>>
      %dma_start3A_111 = arith.constant 0 : i32
      %dma_start3A_112 = tpu.memref_slice %arg7[%dma_start3A_111, %multiple_of3A] : memref<1x1000000xf32, #tpu.memory_space<hbm>> -> memref<1x128xf32, #tpu.memory_space<hbm>>
      tpu.enqueue_dma source(%dma_start3A_112 : memref<1x128xf32, #tpu.memory_space<hbm>>) target(%dma_start3A_110 : memref<1x128xf32, #tpu.memory_space<vmem>>) target_semaphore(%arg23 : memref<!tpu.dma_semaphore, #tpu.memory_space<semaphore_mem>>)
      %dma_start3A_113 = arith.constant 0 : i32
      %dma_start3A_114 = arith.constant 0 : i32
      %dma_start3A_115 = tpu.memref_slice %arg19[%dma_start3A_113, %dma_start3A_114] : memref<1x2048xf32, #tpu.memory_space<vmem>> -> memref<1x128xf32, #tpu.memory_space<vmem>>
      %dma_start3A_116 = arith.constant 0 : i32
      %dma_start3A_117 = tpu.memref_slice %arg8[%dma_start3A_116, %multiple_of3A_75] : memref<1x1000000xf32, #tpu.memory_space<hbm>> -> memref<1x128xf32, #tpu.memory_space<hbm>>
      %dma_start3A_118 = arith.constant 0 : i32
      %dma_start3A_119 = arith.constant 0 : i32
      %dma_start3A_120 = tpu.memref_slice %arg19[%dma_start3A_118, %dma_start3A_119] : memref<1x2048xf32, #tpu.memory_space<vmem>> -> memref<1x128xf32, #tpu.memory_space<vmem>>
      %dma_start3A_121 = arith.constant 0 : i32
      %dma_start3A_122 = tpu.memref_slice %arg8[%dma_start3A_121, %multiple_of3A_75] : memref<1x1000000xf32, #tpu.memory_space<hbm>> -> memref<1x128xf32, #tpu.memory_space<hbm>>
      tpu.enqueue_dma source(%dma_start3A_122 : memref<1x128xf32, #tpu.memory_space<hbm>>) target(%dma_start3A_120 : memref<1x128xf32, #tpu.memory_space<vmem>>) target_semaphore(%arg23 : memref<!tpu.dma_semaphore, #tpu.memory_space<semaphore_mem>>)
      %slice3A_123 = vector.extract_strided_slice %get3A_63 {offsets = [1], sizes = [1], strides = [1]} : vector<16xi32> to vector<1xi32>
      %squeeze3A_124 = vector.extract %slice3A_123[0] : i32 from vector<1xi32>
      %slice3A_125 = vector.extract_strided_slice %get3A_66 {offsets = [1], sizes = [1], strides = [1]} : vector<16xi32> to vector<1xi32>
      %squeeze3A_126 = vector.extract %slice3A_125[0] : i32 from vector<1xi32>
      %shift_right_logical3A_127 = arith.constant 7 : i32
      %shift_right_logical3A_128 = arith.shrui %squeeze3A_124, %shift_right_logical3A_127 : i32
      %shift_left3A_129 = arith.constant 7 : i32
      %shift_left3A_130 = arith.shli %shift_right_logical3A_128, %shift_left3A_129 : i32
      %multiple_of3A_131 = tpu.assume_multiple %shift_left3A_130, 128 : i32
      %shift_right_logical3A_132 = arith.constant 7 : i32
      %shift_right_logical3A_133 = arith.shrui %squeeze3A_126, %shift_right_logical3A_132 : i32
      %shift_left3A_134 = arith.constant 7 : i32
      %shift_left3A_135 = arith.shli %shift_right_logical3A_133, %shift_left3A_134 : i32
      %multiple_of3A_136 = tpu.assume_multiple %shift_left3A_135, 128 : i32
      %dma_start3A_137 = arith.constant 0 : i32
      %dma_start3A_138 = arith.constant 0 : i32
      %dma_start3A_139 = arith.constant 128 : i32
      %dma_start3A_140 = tpu.memref_slice %arg16[%dma_start3A_137, %dma_start3A_138, %dma_start3A_139] : memref<2x8x2048xf32, #tpu.memory_space<vmem>> -> memref<2x8x128xf32, #tpu.memory_space<vmem>>
      %dma_start3A_141 = arith.constant 0 : i32
      %dma_start3A_142 = arith.constant 0 : i32
      %dma_start3A_143 = tpu.memref_slice %arg5[%dma_start3A_141, %dma_start3A_142, %multiple_of3A_131] : memref<2x8x1000000xf32, #tpu.memory_space<hbm>> -> memref<2x8x128xf32, #tpu.memory_space<hbm>>
      %dma_start3A_144 = arith.constant 0 : i32
      %dma_start3A_145 = arith.constant 0 : i32
      %dma_start3A_146 = arith.constant 128 : i32
      %dma_start3A_147 = tpu.memref_slice %arg16[%dma_start3A_144, %dma_start3A_145, %dma_start3A_146] : memref<2x8x2048xf32, #tpu.memory_space<vmem>> -> memref<2x8x128xf32, #tpu.memory_space<vmem>>
      %dma_start3A_148 = arith.constant 0 : i32
      %dma_start3A_149 = arith.constant 0 : i32
      %dma_start3A_150 = tpu.memref_slice %arg5[%dma_start3A_148, %dma_start3A_149, %multiple_of3A_131] : memref<2x8x1000000xf32, #tpu.memory_space<hbm>> -> memref<2x8x128xf32, #tpu.memory_space<hbm>>
      tpu.enqueue_dma source(%dma_start3A_150 : memref<2x8x128xf32, #tpu.memory_space<hbm>>) target(%dma_start3A_147 : memref<2x8x128xf32, #tpu.memory_space<vmem>>) target_semaphore(%arg22 : memref<!tpu.dma_semaphore, #tpu.memory_space<semaphore_mem>>)
      %dma_start3A_151 = arith.constant 0 : i32
      %dma_start3A_152 = arith.constant 0 : i32
      %dma_start3A_153 = arith.constant 128 : i32
      %dma_start3A_154 = tpu.memref_slice %arg17[%dma_start3A_151, %dma_start3A_152, %dma_start3A_153] : memref<2x8x2048xf32, #tpu.memory_space<vmem>> -> memref<2x8x128xf32, #tpu.memory_space<vmem>>
      %dma_start3A_155 = arith.constant 0 : i32
      %dma_start3A_156 = arith.constant 0 : i32
      %dma_start3A_157 = tpu.memref_slice %arg6[%dma_start3A_155, %dma_start3A_156, %multiple_of3A_136] : memref<2x8x1000000xf32, #tpu.memory_space<hbm>> -> memref<2x8x128xf32, #tpu.memory_space<hbm>>
      %dma_start3A_158 = arith.constant 0 : i32
      %dma_start3A_159 = arith.constant 0 : i32
      %dma_start3A_160 = arith.constant 128 : i32
      %dma_start3A_161 = tpu.memref_slice %arg17[%dma_start3A_158, %dma_start3A_159, %dma_start3A_160] : memref<2x8x2048xf32, #tpu.memory_space<vmem>> -> memref<2x8x128xf32, #tpu.memory_space<vmem>>
      %dma_start3A_162 = arith.constant 0 : i32
      %dma_start3A_163 = arith.constant 0 : i32
      %dma_start3A_164 = tpu.memref_slice %arg6[%dma_start3A_162, %dma_start3A_163, %multiple_of3A_136] : memref<2x8x1000000xf32, #tpu.memory_space<hbm>> -> memref<2x8x128xf32, #tpu.memory_space<hbm>>
      tpu.enqueue_dma source(%dma_start3A_164 : memref<2x8x128xf32, #tpu.memory_space<hbm>>) target(%dma_start3A_161 : memref<2x8x128xf32, #tpu.memory_space<vmem>>) target_semaphore(%arg22 : memref<!tpu.dma_semaphore, #tpu.memory_space<semaphore_mem>>)
      %dma_start3A_165 = arith.constant 0 : i32
      %dma_start3A_166 = arith.constant 128 : i32
      %dma_start3A_167 = tpu.memref_slice %arg18[%dma_start3A_165, %dma_start3A_166] : memref<1x2048xf32, #tpu.memory_space<vmem>> -> memref<1x128xf32, #tpu.memory_space<vmem>>
      %dma_start3A_168 = arith.constant 0 : i32
      %dma_start3A_169 = tpu.memref_slice %arg7[%dma_start3A_168, %multiple_of3A_131] : memref<1x1000000xf32, #tpu.memory_space<hbm>> -> memref<1x128xf32, #tpu.memory_space<hbm>>
      %dma_start3A_170 = arith.constant 0 : i32
      %dma_start3A_171 = arith.constant 128 : i32
      %dma_start3A_172 = tpu.memref_slice %arg18[%dma_start3A_170, %dma_start3A_171] : memref<1x2048xf32, #tpu.memory_space<vmem>> -> memref<1x128xf32, #tpu.memory_space<vmem>>
      %dma_start3A_173 = arith.constant 0 : i32
      %dma_start3A_174 = tpu.memref_slice %arg7[%dma_start3A_173, %multiple_of3A_131] : memref<1x1000000xf32, #tpu.memory_space<hbm>> -> memref<1x128xf32, #tpu.memory_space<hbm>>
      tpu.enqueue_dma source(%dma_start3A_174 : memref<1x128xf32, #tpu.memory_space<hbm>>) target(%dma_start3A_172 : memref<1x128xf32, #tpu.memory_space<vmem>>) target_semaphore(%arg23 : memref<!tpu.dma_semaphore, #tpu.memory_space<semaphore_mem>>)
      %dma_start3A_175 = arith.constant 0 : i32
      %dma_start3A_176 = arith.constant 128 : i32
      %dma_start3A_177 = tpu.memref_slice %arg19[%dma_start3A_175, %dma_start3A_176] : memref<1x2048xf32, #tpu.memory_space<vmem>> -> memref<1x128xf32, #tpu.memory_space<vmem>>
      %dma_start3A_178 = arith.constant 0 : i32
      %dma_start3A_179 = tpu.memref_slice %arg8[%dma_start3A_178, %multiple_of3A_136] : memref<1x1000000xf32, #tpu.memory_space<hbm>> -> memref<1x128xf32, #tpu.memory_space<hbm>>
      %dma_start3A_180 = arith.constant 0 : i32
      %dma_start3A_181 = arith.constant 128 : i32
      %dma_start3A_182 = tpu.memref_slice %arg19[%dma_start3A_180, %dma_start3A_181] : memref<1x2048xf32, #tpu.memory_space<vmem>> -> memref<1x128xf32, #tpu.memory_space<vmem>>
      %dma_start3A_183 = arith.constant 0 : i32
      %dma_start3A_184 = tpu.memref_slice %arg8[%dma_start3A_183, %multiple_of3A_136] : memref<1x1000000xf32, #tpu.memory_space<hbm>> -> memref<1x128xf32, #tpu.memory_space<hbm>>
      tpu.enqueue_dma source(%dma_start3A_184 : memref<1x128xf32, #tpu.memory_space<hbm>>) target(%dma_start3A_182 : memref<1x128xf32, #tpu.memory_space<vmem>>) target_semaphore(%arg23 : memref<!tpu.dma_semaphore, #tpu.memory_space<semaphore_mem>>)
      %slice3A_185 = vector.extract_strided_slice %get3A_63 {offsets = [2], sizes = [1], strides = [1]} : vector<16xi32> to vector<1xi32>
      %squeeze3A_186 = vector.extract %slice3A_185[0] : i32 from vector<1xi32>
      %slice3A_187 = vector.extract_strided_slice %get3A_66 {offsets = [2], sizes = [1], strides = [1]} : vector<16xi32> to vector<1xi32>
      %squeeze3A_188 = vector.extract %slice3A_187[0] : i32 from vector<1xi32>
      %shift_right_logical3A_189 = arith.constant 7 : i32
      %shift_right_logical3A_190 = arith.shrui %squeeze3A_186, %shift_right_logical3A_189 : i32
      %shift_left3A_191 = arith.constant 7 : i32
      %shift_left3A_192 = arith.shli %shift_right_logical3A_190, %shift_left3A_191 : i32
      %multiple_of3A_193 = tpu.assume_multiple %shift_left3A_192, 128 : i32
      %shift_right_logical3A_194 = arith.constant 7 : i32
      %shift_right_logical3A_195 = arith.shrui %squeeze3A_188, %shift_right_logical3A_194 : i32
      %shift_left3A_196 = arith.constant 7 : i32
      %shift_left3A_197 = arith.shli %shift_right_logical3A_195, %shift_left3A_196 : i32
      %multiple_of3A_198 = tpu.assume_multiple %shift_left3A_197, 128 : i32
      %dma_start3A_199 = arith.constant 0 : i32
      %dma_start3A_200 = arith.constant 0 : i32
      %dma_start3A_201 = arith.constant 256 : i32
      %dma_start3A_202 = tpu.memref_slice %arg16[%dma_start3A_199, %dma_start3A_200, %dma_start3A_201] : memref<2x8x2048xf32, #tpu.memory_space<vmem>> -> memref<2x8x128xf32, #tpu.memory_space<vmem>>
      %dma_start3A_203 = arith.constant 0 : i32
      %dma_start3A_204 = arith.constant 0 : i32
      %dma_start3A_205 = tpu.memref_slice %arg5[%dma_start3A_203, %dma_start3A_204, %multiple_of3A_193] : memref<2x8x1000000xf32, #tpu.memory_space<hbm>> -> memref<2x8x128xf32, #tpu.memory_space<hbm>>
      %dma_start3A_206 = arith.constant 0 : i32
      %dma_start3A_207 = arith.constant 0 : i32
      %dma_start3A_208 = arith.constant 256 : i32
      %dma_start3A_209 = tpu.memref_slice %arg16[%dma_start3A_206, %dma_start3A_207, %dma_start3A_208] : memref<2x8x2048xf32, #tpu.memory_space<vmem>> -> memref<2x8x128xf32, #tpu.memory_space<vmem>>
      %dma_start3A_210 = arith.constant 0 : i32
      %dma_start3A_211 = arith.constant 0 : i32
      %dma_start3A_212 = tpu.memref_slice %arg5[%dma_start3A_210, %dma_start3A_211, %multiple_of3A_193] : memref<2x8x1000000xf32, #tpu.memory_space<hbm>> -> memref<2x8x128xf32, #tpu.memory_space<hbm>>
      tpu.enqueue_dma source(%dma_start3A_212 : memref<2x8x128xf32, #tpu.memory_space<hbm>>) target(%dma_start3A_209 : memref<2x8x128xf32, #tpu.memory_space<vmem>>) target_semaphore(%arg22 : memref<!tpu.dma_semaphore, #tpu.memory_space<semaphore_mem>>)
      %dma_start3A_213 = arith.constant 0 : i32
      %dma_start3A_214 = arith.constant 0 : i32
      %dma_start3A_215 = arith.constant 256 : i32
      %dma_start3A_216 = tpu.memref_slice %arg17[%dma_start3A_213, %dma_start3A_214, %dma_start3A_215] : memref<2x8x2048xf32, #tpu.memory_space<vmem>> -> memref<2x8x128xf32, #tpu.memory_space<vmem>>
      %dma_start3A_217 = arith.constant 0 : i32
      %dma_start3A_218 = arith.constant 0 : i32
      %dma_start3A_219 = tpu.memref_slice %arg6[%dma_start3A_217, %dma_start3A_218, %multiple_of3A_198] : memref<2x8x1000000xf32, #tpu.memory_space<hbm>> -> memref<2x8x128xf32, #tpu.memory_space<hbm>>
      %dma_start3A_220 = arith.constant 0 : i32
      %dma_start3A_221 = arith.constant 0 : i32
      %dma_start3A_222 = arith.constant 256 : i32
      %dma_start3A_223 = tpu.memref_slice %arg17[%dma_start3A_220, %dma_start3A_221, %dma_start3A_222] : memref<2x8x2048xf32, #tpu.memory_space<vmem>> -> memref<2x8x128xf32, #tpu.memory_space<vmem>>
      %dma_start3A_224 = arith.constant 0 : i32
      %dma_start3A_225 = arith.constant 0 : i32
      %dma_start3A_226 = tpu.memref_slice %arg6[%dma_start3A_224, %dma_start3A_225, %multiple_of3A_198] : memref<2x8x1000000xf32, #tpu.memory_space<hbm>> -> memref<2x8x128xf32, #tpu.memory_space<hbm>>
      tpu.enqueue_dma source(%dma_start3A_226 : memref<2x8x128xf32, #tpu.memory_space<hbm>>) target(%dma_start3A_223 : memref<2x8x128xf32, #tpu.memory_space<vmem>>) target_semaphore(%arg22 : memref<!tpu.dma_semaphore, #tpu.memory_space<semaphore_mem>>)
      %dma_start3A_227 = arith.constant 0 : i32
      %dma_start3A_228 = arith.constant 256 : i32
      %dma_start3A_229 = tpu.memref_slice %arg18[%dma_start3A_227, %dma_start3A_228] : memref<1x2048xf32, #tpu.memory_space<vmem>> -> memref<1x128xf32, #tpu.memory_space<vmem>>
      %dma_start3A_230 = arith.constant 0 : i32
      %dma_start3A_231 = tpu.memref_slice %arg7[%dma_start3A_230, %multiple_of3A_193] : memref<1x1000000xf32, #tpu.memory_space<hbm>> -> memref<1x128xf32, #tpu.memory_space<hbm>>
      %dma_start3A_232 = arith.constant 0 : i32
      %dma_start3A_233 = arith.constant 256 : i32
      %dma_start3A_234 = tpu.memref_slice %arg18[%dma_start3A_232, %dma_start3A_233] : memref<1x2048xf32, #tpu.memory_space<vmem>> -> memref<1x128xf32, #tpu.memory_space<vmem>>
      %dma_start3A_235 = arith.constant 0 : i32
      %dma_start3A_236 = tpu.memref_slice %arg7[%dma_start3A_235, %multiple_of3A_193] : memref<1x1000000xf32, #tpu.memory_space<hbm>> -> memref<1x128xf32, #tpu.memory_space<hbm>>
      tpu.enqueue_dma source(%dma_start3A_236 : memref<1x128xf32, #tpu.memory_space<hbm>>) target(%dma_start3A_234 : memref<1x128xf32, #tpu.memory_space<vmem>>) target_semaphore(%arg23 : memref<!tpu.dma_semaphore, #tpu.memory_space<semaphore_mem>>)
      %dma_start3A_237 = arith.constant 0 : i32
      %dma_start3A_238 = arith.constant 256 : i32
      %dma_start3A_239 = tpu.memref_slice %arg19[%dma_start3A_237, %dma_start3A_238] : memref<1x2048xf32, #tpu.memory_space<vmem>> -> memref<1x128xf32, #tpu.memory_space<vmem>>
      %dma_start3A_240 = arith.constant 0 : i32
      %dma_start3A_241 = tpu.memref_slice %arg8[%dma_start3A_240, %multiple_of3A_198] : memref<1x1000000xf32, #tpu.memory_space<hbm>> -> memref<1x128xf32, #tpu.memory_space<hbm>>
      %dma_start3A_242 = arith.constant 0 : i32
      %dma_start3A_243 = arith.constant 256 : i32
      %dma_start3A_244 = tpu.memref_slice %arg19[%dma_start3A_242, %dma_start3A_243] : memref<1x2048xf32, #tpu.memory_space<vmem>> -> memref<1x128xf32, #tpu.memory_space<vmem>>
      %dma_start3A_245 = arith.constant 0 : i32
      %dma_start3A_246 = tpu.memref_slice %arg8[%dma_start3A_245, %multiple_of3A_198] : memref<1x1000000xf32, #tpu.memory_space<hbm>> -> memref<1x128xf32, #tpu.memory_space<hbm>>
      tpu.enqueue_dma source(%dma_start3A_246 : memref<1x128xf32, #tpu.memory_space<hbm>>) target(%dma_start3A_244 : memref<1x128xf32, #tpu.memory_space<vmem>>) target_semaphore(%arg23 : memref<!tpu.dma_semaphore, #tpu.memory_space<semaphore_mem>>)
      %slice3A_247 = vector.extract_strided_slice %get3A_63 {offsets = [3], sizes = [1], strides = [1]} : vector<16xi32> to vector<1xi32>
      %squeeze3A_248 = vector.extract %slice3A_247[0] : i32 from vector<1xi32>
      %slice3A_249 = vector.extract_strided_slice %get3A_66 {offsets = [3], sizes = [1], strides = [1]} : vector<16xi32> to vector<1xi32>
      %squeeze3A_250 = vector.extract %slice3A_249[0] : i32 from vector<1xi32>
      %shift_right_logical3A_251 = arith.constant 7 : i32
      %shift_right_logical3A_252 = arith.shrui %squeeze3A_248, %shift_right_logical3A_251 : i32
      %shift_left3A_253 = arith.constant 7 : i32
      %shift_left3A_254 = arith.shli %shift_right_logical3A_252, %shift_left3A_253 : i32
      %multiple_of3A_255 = tpu.assume_multiple %shift_left3A_254, 128 : i32
      %shift_right_logical3A_256 = arith.constant 7 : i32
      %shift_right_logical3A_257 = arith.shrui %squeeze3A_250, %shift_right_logical3A_256 : i32
      %shift_left3A_258 = arith.constant 7 : i32
      %shift_left3A_259 = arith.shli %shift_right_logical3A_257, %shift_left3A_258 : i32
      %multiple_of3A_260 = tpu.assume_multiple %shift_left3A_259, 128 : i32
      %dma_start3A_261 = arith.constant 0 : i32
      %dma_start3A_262 = arith.constant 0 : i32
      %dma_start3A_263 = arith.constant 384 : i32
      %dma_start3A_264 = tpu.memref_slice %arg16[%dma_start3A_261, %dma_start3A_262, %dma_start3A_263] : memref<2x8x2048xf32, #tpu.memory_space<vmem>> -> memref<2x8x128xf32, #tpu.memory_space<vmem>>
      %dma_start3A_265 = arith.constant 0 : i32
      %dma_start3A_266 = arith.constant 0 : i32
      %dma_start3A_267 = tpu.memref_slice %arg5[%dma_start3A_265, %dma_start3A_266, %multiple_of3A_255] : memref<2x8x1000000xf32, #tpu.memory_space<hbm>> -> memref<2x8x128xf32, #tpu.memory_space<hbm>>
      %dma_start3A_268 = arith.constant 0 : i32
      %dma_start3A_269 = arith.constant 0 : i32
      %dma_start3A_270 = arith.constant 384 : i32
      %dma_start3A_271 = tpu.memref_slice %arg16[%dma_start3A_268, %dma_start3A_269, %dma_start3A_270] : memref<2x8x2048xf32, #tpu.memory_space<vmem>> -> memref<2x8x128xf32, #tpu.memory_space<vmem>>
      %dma_start3A_272 = arith.constant 0 : i32
      %dma_start3A_273 = arith.constant 0 : i32
      %dma_start3A_274 = tpu.memref_slice %arg5[%dma_start3A_272, %dma_start3A_273, %multiple_of3A_255] : memref<2x8x1000000xf32, #tpu.memory_space<hbm>> -> memref<2x8x128xf32, #tpu.memory_space<hbm>>
      tpu.enqueue_dma source(%dma_start3A_274 : memref<2x8x128xf32, #tpu.memory_space<hbm>>) target(%dma_start3A_271 : memref<2x8x128xf32, #tpu.memory_space<vmem>>) target_semaphore(%arg22 : memref<!tpu.dma_semaphore, #tpu.memory_space<semaphore_mem>>)
      %dma_start3A_275 = arith.constant 0 : i32
      %dma_start3A_276 = arith.constant 0 : i32
      %dma_start3A_277 = arith.constant 384 : i32
      %dma_start3A_278 = tpu.memref_slice %arg17[%dma_start3A_275, %dma_start3A_276, %dma_start3A_277] : memref<2x8x2048xf32, #tpu.memory_space<vmem>> -> memref<2x8x128xf32, #tpu.memory_space<vmem>>
      %dma_start3A_279 = arith.constant 0 : i32
      %dma_start3A_280 = arith.constant 0 : i32
      %dma_start3A_281 = tpu.memref_slice %arg6[%dma_start3A_279, %dma_start3A_280, %multiple_of3A_260] : memref<2x8x1000000xf32, #tpu.memory_space<hbm>> -> memref<2x8x128xf32, #tpu.memory_space<hbm>>
      %dma_start3A_282 = arith.constant 0 : i32
      %dma_start3A_283 = arith.constant 0 : i32
      %dma_start3A_284 = arith.constant 384 : i32
      %dma_start3A_285 = tpu.memref_slice %arg17[%dma_start3A_282, %dma_start3A_283, %dma_start3A_284] : memref<2x8x2048xf32, #tpu.memory_space<vmem>> -> memref<2x8x128xf32, #tpu.memory_space<vmem>>
      %dma_start3A_286 = arith.constant 0 : i32
      %dma_start3A_287 = arith.constant 0 : i32
      %dma_start3A_288 = tpu.memref_slice %arg6[%dma_start3A_286, %dma_start3A_287, %multiple_of3A_260] : memref<2x8x1000000xf32, #tpu.memory_space<hbm>> -> memref<2x8x128xf32, #tpu.memory_space<hbm>>
      tpu.enqueue_dma source(%dma_start3A_288 : memref<2x8x128xf32, #tpu.memory_space<hbm>>) target(%dma_start3A_285 : memref<2x8x128xf32, #tpu.memory_space<vmem>>) target_semaphore(%arg22 : memref<!tpu.dma_semaphore, #tpu.memory_space<semaphore_mem>>)
      %dma_start3A_289 = arith.constant 0 : i32
      %dma_start3A_290 = arith.constant 384 : i32
      %dma_start3A_291 = tpu.memref_slice %arg18[%dma_start3A_289, %dma_start3A_290] : memref<1x2048xf32, #tpu.memory_space<vmem>> -> memref<1x128xf32, #tpu.memory_space<vmem>>
      %dma_start3A_292 = arith.constant 0 : i32
      %dma_start3A_293 = tpu.memref_slice %arg7[%dma_start3A_292, %multiple_of3A_255] : memref<1x1000000xf32, #tpu.memory_space<hbm>> -> memref<1x128xf32, #tpu.memory_space<hbm>>
      %dma_start3A_294 = arith.constant 0 : i32
      %dma_start3A_295 = arith.constant 384 : i32
      %dma_start3A_296 = tpu.memref_slice %arg18[%dma_start3A_294, %dma_start3A_295] : memref<1x2048xf32, #tpu.memory_space<vmem>> -> memref<1x128xf32, #tpu.memory_space<vmem>>
      %dma_start3A_297 = arith.constant 0 : i32
      %dma_start3A_298 = tpu.memref_slice %arg7[%dma_start3A_297, %multiple_of3A_255] : memref<1x1000000xf32, #tpu.memory_space<hbm>> -> memref<1x128xf32, #tpu.memory_space<hbm>>
      tpu.enqueue_dma source(%dma_start3A_298 : memref<1x128xf32, #tpu.memory_space<hbm>>) target(%dma_start3A_296 : memref<1x128xf32, #tpu.memory_space<vmem>>) target_semaphore(%arg23 : memref<!tpu.dma_semaphore, #tpu.memory_space<semaphore_mem>>)
      %dma_start3A_299 = arith.constant 0 : i32
      %dma_start3A_300 = arith.constant 384 : i32
      %dma_start3A_301 = tpu.memref_slice %arg19[%dma_start3A_299, %dma_start3A_300] : memref<1x2048xf32, #tpu.memory_space<vmem>> -> memref<1x128xf32, #tpu.memory_space<vmem>>
      %dma_start3A_302 = arith.constant 0 : i32
      %dma_start3A_303 = tpu.memref_slice %arg8[%dma_start3A_302, %multiple_of3A_260] : memref<1x1000000xf32, #tpu.memory_space<hbm>> -> memref<1x128xf32, #tpu.memory_space<hbm>>
      %dma_start3A_304 = arith.constant 0 : i32
      %dma_start3A_305 = arith.constant 384 : i32
      %dma_start3A_306 = tpu.memref_slice %arg19[%dma_start3A_304, %dma_start3A_305] : memref<1x2048xf32, #tpu.memory_space<vmem>> -> memref<1x128xf32, #tpu.memory_space<vmem>>
      %dma_start3A_307 = arith.constant 0 : i32
      %dma_start3A_308 = tpu.memref_slice %arg8[%dma_start3A_307, %multiple_of3A_260] : memref<1x1000000xf32, #tpu.memory_space<hbm>> -> memref<1x128xf32, #tpu.memory_space<hbm>>
      tpu.enqueue_dma source(%dma_start3A_308 : memref<1x128xf32, #tpu.memory_space<hbm>>) target(%dma_start3A_306 : memref<1x128xf32, #tpu.memory_space<vmem>>) target_semaphore(%arg23 : memref<!tpu.dma_semaphore, #tpu.memory_space<semaphore_mem>>)
      %slice3A_309 = vector.extract_strided_slice %get3A_63 {offsets = [4], sizes = [1], strides = [1]} : vector<16xi32> to vector<1xi32>
      %squeeze3A_310 = vector.extract %slice3A_309[0] : i32 from vector<1xi32>
      %slice3A_311 = vector.extract_strided_slice %get3A_66 {offsets = [4], sizes = [1], strides = [1]} : vector<16xi32> to vector<1xi32>
      %squeeze3A_312 = vector.extract %slice3A_311[0] : i32 from vector<1xi32>
      %shift_right_logical3A_313 = arith.constant 7 : i32
      %shift_right_logical3A_314 = arith.shrui %squeeze3A_310, %shift_right_logical3A_313 : i32
      %shift_left3A_315 = arith.constant 7 : i32
      %shift_left3A_316 = arith.shli %shift_right_logical3A_314, %shift_left3A_315 : i32
      %multiple_of3A_317 = tpu.assume_multiple %shift_left3A_316, 128 : i32
      %shift_right_logical3A_318 = arith.constant 7 : i32
      %shift_right_logical3A_319 = arith.shrui %squeeze3A_312, %shift_right_logical3A_318 : i32
      %shift_left3A_320 = arith.constant 7 : i32
      %shift_left3A_321 = arith.shli %shift_right_logical3A_319, %shift_left3A_320 : i32
      %multiple_of3A_322 = tpu.assume_multiple %shift_left3A_321, 128 : i32
      %dma_start3A_323 = arith.constant 0 : i32
      %dma_start3A_324 = arith.constant 0 : i32
      %dma_start3A_325 = arith.constant 512 : i32
      %dma_start3A_326 = tpu.memref_slice %arg16[%dma_start3A_323, %dma_start3A_324, %dma_start3A_325] : memref<2x8x2048xf32, #tpu.memory_space<vmem>> -> memref<2x8x128xf32, #tpu.memory_space<vmem>>
      %dma_start3A_327 = arith.constant 0 : i32
      %dma_start3A_328 = arith.constant 0 : i32
      %dma_start3A_329 = tpu.memref_slice %arg5[%dma_start3A_327, %dma_start3A_328, %multiple_of3A_317] : memref<2x8x1000000xf32, #tpu.memory_space<hbm>> -> memref<2x8x128xf32, #tpu.memory_space<hbm>>
      %dma_start3A_330 = arith.constant 0 : i32
      %dma_start3A_331 = arith.constant 0 : i32
      %dma_start3A_332 = arith.constant 512 : i32
      %dma_start3A_333 = tpu.memref_slice %arg16[%dma_start3A_330, %dma_start3A_331, %dma_start3A_332] : memref<2x8x2048xf32, #tpu.memory_space<vmem>> -> memref<2x8x128xf32, #tpu.memory_space<vmem>>
      %dma_start3A_334 = arith.constant 0 : i32
      %dma_start3A_335 = arith.constant 0 : i32
      %dma_start3A_336 = tpu.memref_slice %arg5[%dma_start3A_334, %dma_start3A_335, %multiple_of3A_317] : memref<2x8x1000000xf32, #tpu.memory_space<hbm>> -> memref<2x8x128xf32, #tpu.memory_space<hbm>>
      tpu.enqueue_dma source(%dma_start3A_336 : memref<2x8x128xf32, #tpu.memory_space<hbm>>) target(%dma_start3A_333 : memref<2x8x128xf32, #tpu.memory_space<vmem>>) target_semaphore(%arg22 : memref<!tpu.dma_semaphore, #tpu.memory_space<semaphore_mem>>)
      %dma_start3A_337 = arith.constant 0 : i32
      %dma_start3A_338 = arith.constant 0 : i32
      %dma_start3A_339 = arith.constant 512 : i32
      %dma_start3A_340 = tpu.memref_slice %arg17[%dma_start3A_337, %dma_start3A_338, %dma_start3A_339] : memref<2x8x2048xf32, #tpu.memory_space<vmem>> -> memref<2x8x128xf32, #tpu.memory_space<vmem>>
      %dma_start3A_341 = arith.constant 0 : i32
      %dma_start3A_342 = arith.constant 0 : i32
      %dma_start3A_343 = tpu.memref_slice %arg6[%dma_start3A_341, %dma_start3A_342, %multiple_of3A_322] : memref<2x8x1000000xf32, #tpu.memory_space<hbm>> -> memref<2x8x128xf32, #tpu.memory_space<hbm>>
      %dma_start3A_344 = arith.constant 0 : i32
      %dma_start3A_345 = arith.constant 0 : i32
      %dma_start3A_346 = arith.constant 512 : i32
      %dma_start3A_347 = tpu.memref_slice %arg17[%dma_start3A_344, %dma_start3A_345, %dma_start3A_346] : memref<2x8x2048xf32, #tpu.memory_space<vmem>> -> memref<2x8x128xf32, #tpu.memory_space<vmem>>
      %dma_start3A_348 = arith.constant 0 : i32
      %dma_start3A_349 = arith.constant 0 : i32
      %dma_start3A_350 = tpu.memref_slice %arg6[%dma_start3A_348, %dma_start3A_349, %multiple_of3A_322] : memref<2x8x1000000xf32, #tpu.memory_space<hbm>> -> memref<2x8x128xf32, #tpu.memory_space<hbm>>
      tpu.enqueue_dma source(%dma_start3A_350 : memref<2x8x128xf32, #tpu.memory_space<hbm>>) target(%dma_start3A_347 : memref<2x8x128xf32, #tpu.memory_space<vmem>>) target_semaphore(%arg22 : memref<!tpu.dma_semaphore, #tpu.memory_space<semaphore_mem>>)
      %dma_start3A_351 = arith.constant 0 : i32
      %dma_start3A_352 = arith.constant 512 : i32
      %dma_start3A_353 = tpu.memref_slice %arg18[%dma_start3A_351, %dma_start3A_352] : memref<1x2048xf32, #tpu.memory_space<vmem>> -> memref<1x128xf32, #tpu.memory_space<vmem>>
      %dma_start3A_354 = arith.constant 0 : i32
      %dma_start3A_355 = tpu.memref_slice %arg7[%dma_start3A_354, %multiple_of3A_317] : memref<1x1000000xf32, #tpu.memory_space<hbm>> -> memref<1x128xf32, #tpu.memory_space<hbm>>
      %dma_start3A_356 = arith.constant 0 : i32
      %dma_start3A_357 = arith.constant 512 : i32
      %dma_start3A_358 = tpu.memref_slice %arg18[%dma_start3A_356, %dma_start3A_357] : memref<1x2048xf32, #tpu.memory_space<vmem>> -> memref<1x128xf32, #tpu.memory_space<vmem>>
      %dma_start3A_359 = arith.constant 0 : i32
      %dma_start3A_360 = tpu.memref_slice %arg7[%dma_start3A_359, %multiple_of3A_317] : memref<1x1000000xf32, #tpu.memory_space<hbm>> -> memref<1x128xf32, #tpu.memory_space<hbm>>
      tpu.enqueue_dma source(%dma_start3A_360 : memref<1x128xf32, #tpu.memory_space<hbm>>) target(%dma_start3A_358 : memref<1x128xf32, #tpu.memory_space<vmem>>) target_semaphore(%arg23 : memref<!tpu.dma_semaphore, #tpu.memory_space<semaphore_mem>>)
      %dma_start3A_361 = arith.constant 0 : i32
      %dma_start3A_362 = arith.constant 512 : i32
      %dma_start3A_363 = tpu.memref_slice %arg19[%dma_start3A_361, %dma_start3A_362] : memref<1x2048xf32, #tpu.memory_space<vmem>> -> memref<1x128xf32, #tpu.memory_space<vmem>>
      %dma_start3A_364 = arith.constant 0 : i32
      %dma_start3A_365 = tpu.memref_slice %arg8[%dma_start3A_364, %multiple_of3A_322] : memref<1x1000000xf32, #tpu.memory_space<hbm>> -> memref<1x128xf32, #tpu.memory_space<hbm>>
      %dma_start3A_366 = arith.constant 0 : i32
      %dma_start3A_367 = arith.constant 512 : i32
      %dma_start3A_368 = tpu.memref_slice %arg19[%dma_start3A_366, %dma_start3A_367] : memref<1x2048xf32, #tpu.memory_space<vmem>> -> memref<1x128xf32, #tpu.memory_space<vmem>>
      %dma_start3A_369 = arith.constant 0 : i32
      %dma_start3A_370 = tpu.memref_slice %arg8[%dma_start3A_369, %multiple_of3A_322] : memref<1x1000000xf32, #tpu.memory_space<hbm>> -> memref<1x128xf32, #tpu.memory_space<hbm>>
      tpu.enqueue_dma source(%dma_start3A_370 : memref<1x128xf32, #tpu.memory_space<hbm>>) target(%dma_start3A_368 : memref<1x128xf32, #tpu.memory_space<vmem>>) target_semaphore(%arg23 : memref<!tpu.dma_semaphore, #tpu.memory_space<semaphore_mem>>)
      %slice3A_371 = vector.extract_strided_slice %get3A_63 {offsets = [5], sizes = [1], strides = [1]} : vector<16xi32> to vector<1xi32>
      %squeeze3A_372 = vector.extract %slice3A_371[0] : i32 from vector<1xi32>
      %slice3A_373 = vector.extract_strided_slice %get3A_66 {offsets = [5], sizes = [1], strides = [1]} : vector<16xi32> to vector<1xi32>
      %squeeze3A_374 = vector.extract %slice3A_373[0] : i32 from vector<1xi32>
      %shift_right_logical3A_375 = arith.constant 7 : i32
      %shift_right_logical3A_376 = arith.shrui %squeeze3A_372, %shift_right_logical3A_375 : i32
      %shift_left3A_377 = arith.constant 7 : i32
      %shift_left3A_378 = arith.shli %shift_right_logical3A_376, %shift_left3A_377 : i32
      %multiple_of3A_379 = tpu.assume_multiple %shift_left3A_378, 128 : i32
      %shift_right_logical3A_380 = arith.constant 7 : i32
      %shift_right_logical3A_381 = arith.shrui %squeeze3A_374, %shift_right_logical3A_380 : i32
      %shift_left3A_382 = arith.constant 7 : i32
      %shift_left3A_383 = arith.shli %shift_right_logical3A_381, %shift_left3A_382 : i32
      %multiple_of3A_384 = tpu.assume_multiple %shift_left3A_383, 128 : i32
      %dma_start3A_385 = arith.constant 0 : i32
      %dma_start3A_386 = arith.constant 0 : i32
      %dma_start3A_387 = arith.constant 640 : i32
      %dma_start3A_388 = tpu.memref_slice %arg16[%dma_start3A_385, %dma_start3A_386, %dma_start3A_387] : memref<2x8x2048xf32, #tpu.memory_space<vmem>> -> memref<2x8x128xf32, #tpu.memory_space<vmem>>
      %dma_start3A_389 = arith.constant 0 : i32
      %dma_start3A_390 = arith.constant 0 : i32
      %dma_start3A_391 = tpu.memref_slice %arg5[%dma_start3A_389, %dma_start3A_390, %multiple_of3A_379] : memref<2x8x1000000xf32, #tpu.memory_space<hbm>> -> memref<2x8x128xf32, #tpu.memory_space<hbm>>
      %dma_start3A_392 = arith.constant 0 : i32
      %dma_start3A_393 = arith.constant 0 : i32
      %dma_start3A_394 = arith.constant 640 : i32
      %dma_start3A_395 = tpu.memref_slice %arg16[%dma_start3A_392, %dma_start3A_393, %dma_start3A_394] : memref<2x8x2048xf32, #tpu.memory_space<vmem>> -> memref<2x8x128xf32, #tpu.memory_space<vmem>>
      %dma_start3A_396 = arith.constant 0 : i32
      %dma_start3A_397 = arith.constant 0 : i32
      %dma_start3A_398 = tpu.memref_slice %arg5[%dma_start3A_396, %dma_start3A_397, %multiple_of3A_379] : memref<2x8x1000000xf32, #tpu.memory_space<hbm>> -> memref<2x8x128xf32, #tpu.memory_space<hbm>>
      tpu.enqueue_dma source(%dma_start3A_398 : memref<2x8x128xf32, #tpu.memory_space<hbm>>) target(%dma_start3A_395 : memref<2x8x128xf32, #tpu.memory_space<vmem>>) target_semaphore(%arg22 : memref<!tpu.dma_semaphore, #tpu.memory_space<semaphore_mem>>)
      %dma_start3A_399 = arith.constant 0 : i32
      %dma_start3A_400 = arith.constant 0 : i32
      %dma_start3A_401 = arith.constant 640 : i32
      %dma_start3A_402 = tpu.memref_slice %arg17[%dma_start3A_399, %dma_start3A_400, %dma_start3A_401] : memref<2x8x2048xf32, #tpu.memory_space<vmem>> -> memref<2x8x128xf32, #tpu.memory_space<vmem>>
      %dma_start3A_403 = arith.constant 0 : i32
      %dma_start3A_404 = arith.constant 0 : i32
      %dma_start3A_405 = tpu.memref_slice %arg6[%dma_start3A_403, %dma_start3A_404, %multiple_of3A_384] : memref<2x8x1000000xf32, #tpu.memory_space<hbm>> -> memref<2x8x128xf32, #tpu.memory_space<hbm>>
      %dma_start3A_406 = arith.constant 0 : i32
      %dma_start3A_407 = arith.constant 0 : i32
      %dma_start3A_408 = arith.constant 640 : i32
      %dma_start3A_409 = tpu.memref_slice %arg17[%dma_start3A_406, %dma_start3A_407, %dma_start3A_408] : memref<2x8x2048xf32, #tpu.memory_space<vmem>> -> memref<2x8x128xf32, #tpu.memory_space<vmem>>
      %dma_start3A_410 = arith.constant 0 : i32
      %dma_start3A_411 = arith.constant 0 : i32
      %dma_start3A_412 = tpu.memref_slice %arg6[%dma_start3A_410, %dma_start3A_411, %multiple_of3A_384] : memref<2x8x1000000xf32, #tpu.memory_space<hbm>> -> memref<2x8x128xf32, #tpu.memory_space<hbm>>
      tpu.enqueue_dma source(%dma_start3A_412 : memref<2x8x128xf32, #tpu.memory_space<hbm>>) target(%dma_start3A_409 : memref<2x8x128xf32, #tpu.memory_space<vmem>>) target_semaphore(%arg22 : memref<!tpu.dma_semaphore, #tpu.memory_space<semaphore_mem>>)
      %dma_start3A_413 = arith.constant 0 : i32
      %dma_start3A_414 = arith.constant 640 : i32
      %dma_start3A_415 = tpu.memref_slice %arg18[%dma_start3A_413, %dma_start3A_414] : memref<1x2048xf32, #tpu.memory_space<vmem>> -> memref<1x128xf32, #tpu.memory_space<vmem>>
      %dma_start3A_416 = arith.constant 0 : i32
      %dma_start3A_417 = tpu.memref_slice %arg7[%dma_start3A_416, %multiple_of3A_379] : memref<1x1000000xf32, #tpu.memory_space<hbm>> -> memref<1x128xf32, #tpu.memory_space<hbm>>
      %dma_start3A_418 = arith.constant 0 : i32
      %dma_start3A_419 = arith.constant 640 : i32
      %dma_start3A_420 = tpu.memref_slice %arg18[%dma_start3A_418, %dma_start3A_419] : memref<1x2048xf32, #tpu.memory_space<vmem>> -> memref<1x128xf32, #tpu.memory_space<vmem>>
      %dma_start3A_421 = arith.constant 0 : i32
      %dma_start3A_422 = tpu.memref_slice %arg7[%dma_start3A_421, %multiple_of3A_379] : memref<1x1000000xf32, #tpu.memory_space<hbm>> -> memref<1x128xf32, #tpu.memory_space<hbm>>
      tpu.enqueue_dma source(%dma_start3A_422 : memref<1x128xf32, #tpu.memory_space<hbm>>) target(%dma_start3A_420 : memref<1x128xf32, #tpu.memory_space<vmem>>) target_semaphore(%arg23 : memref<!tpu.dma_semaphore, #tpu.memory_space<semaphore_mem>>)
      %dma_start3A_423 = arith.constant 0 : i32
      %dma_start3A_424 = arith.constant 640 : i32
      %dma_start3A_425 = tpu.memref_slice %arg19[%dma_start3A_423, %dma_start3A_424] : memref<1x2048xf32, #tpu.memory_space<vmem>> -> memref<1x128xf32, #tpu.memory_space<vmem>>
      %dma_start3A_426 = arith.constant 0 : i32
      %dma_start3A_427 = tpu.memref_slice %arg8[%dma_start3A_426, %multiple_of3A_384] : memref<1x1000000xf32, #tpu.memory_space<hbm>> -> memref<1x128xf32, #tpu.memory_space<hbm>>
      %dma_start3A_428 = arith.constant 0 : i32
      %dma_start3A_429 = arith.constant 640 : i32
      %dma_start3A_430 = tpu.memref_slice %arg19[%dma_start3A_428, %dma_start3A_429] : memref<1x2048xf32, #tpu.memory_space<vmem>> -> memref<1x128xf32, #tpu.memory_space<vmem>>
      %dma_start3A_431 = arith.constant 0 : i32
      %dma_start3A_432 = tpu.memref_slice %arg8[%dma_start3A_431, %multiple_of3A_384] : memref<1x1000000xf32, #tpu.memory_space<hbm>> -> memref<1x128xf32, #tpu.memory_space<hbm>>
      tpu.enqueue_dma source(%dma_start3A_432 : memref<1x128xf32, #tpu.memory_space<hbm>>) target(%dma_start3A_430 : memref<1x128xf32, #tpu.memory_space<vmem>>) target_semaphore(%arg23 : memref<!tpu.dma_semaphore, #tpu.memory_space<semaphore_mem>>)
      %slice3A_433 = vector.extract_strided_slice %get3A_63 {offsets = [6], sizes = [1], strides = [1]} : vector<16xi32> to vector<1xi32>
      %squeeze3A_434 = vector.extract %slice3A_433[0] : i32 from vector<1xi32>
      %slice3A_435 = vector.extract_strided_slice %get3A_66 {offsets = [6], sizes = [1], strides = [1]} : vector<16xi32> to vector<1xi32>
      %squeeze3A_436 = vector.extract %slice3A_435[0] : i32 from vector<1xi32>
      %shift_right_logical3A_437 = arith.constant 7 : i32
      %shift_right_logical3A_438 = arith.shrui %squeeze3A_434, %shift_right_logical3A_437 : i32
      %shift_left3A_439 = arith.constant 7 : i32
      %shift_left3A_440 = arith.shli %shift_right_logical3A_438, %shift_left3A_439 : i32
      %multiple_of3A_441 = tpu.assume_multiple %shift_left3A_440, 128 : i32
      %shift_right_logical3A_442 = arith.constant 7 : i32
      %shift_right_logical3A_443 = arith.shrui %squeeze3A_436, %shift_right_logical3A_442 : i32
      %shift_left3A_444 = arith.constant 7 : i32
      %shift_left3A_445 = arith.shli %shift_right_logical3A_443, %shift_left3A_444 : i32
      %multiple_of3A_446 = tpu.assume_multiple %shift_left3A_445, 128 : i32
      %dma_start3A_447 = arith.constant 0 : i32
      %dma_start3A_448 = arith.constant 0 : i32
      %dma_start3A_449 = arith.constant 768 : i32
      %dma_start3A_450 = tpu.memref_slice %arg16[%dma_start3A_447, %dma_start3A_448, %dma_start3A_449] : memref<2x8x2048xf32, #tpu.memory_space<vmem>> -> memref<2x8x128xf32, #tpu.memory_space<vmem>>
      %dma_start3A_451 = arith.constant 0 : i32
      %dma_start3A_452 = arith.constant 0 : i32
      %dma_start3A_453 = tpu.memref_slice %arg5[%dma_start3A_451, %dma_start3A_452, %multiple_of3A_441] : memref<2x8x1000000xf32, #tpu.memory_space<hbm>> -> memref<2x8x128xf32, #tpu.memory_space<hbm>>
      %dma_start3A_454 = arith.constant 0 : i32
      %dma_start3A_455 = arith.constant 0 : i32
      %dma_start3A_456 = arith.constant 768 : i32
      %dma_start3A_457 = tpu.memref_slice %arg16[%dma_start3A_454, %dma_start3A_455, %dma_start3A_456] : memref<2x8x2048xf32, #tpu.memory_space<vmem>> -> memref<2x8x128xf32, #tpu.memory_space<vmem>>
      %dma_start3A_458 = arith.constant 0 : i32
      %dma_start3A_459 = arith.constant 0 : i32
      %dma_start3A_460 = tpu.memref_slice %arg5[%dma_start3A_458, %dma_start3A_459, %multiple_of3A_441] : memref<2x8x1000000xf32, #tpu.memory_space<hbm>> -> memref<2x8x128xf32, #tpu.memory_space<hbm>>
      tpu.enqueue_dma source(%dma_start3A_460 : memref<2x8x128xf32, #tpu.memory_space<hbm>>) target(%dma_start3A_457 : memref<2x8x128xf32, #tpu.memory_space<vmem>>) target_semaphore(%arg22 : memref<!tpu.dma_semaphore, #tpu.memory_space<semaphore_mem>>)
      %dma_start3A_461 = arith.constant 0 : i32
      %dma_start3A_462 = arith.constant 0 : i32
      %dma_start3A_463 = arith.constant 768 : i32
      %dma_start3A_464 = tpu.memref_slice %arg17[%dma_start3A_461, %dma_start3A_462, %dma_start3A_463] : memref<2x8x2048xf32, #tpu.memory_space<vmem>> -> memref<2x8x128xf32, #tpu.memory_space<vmem>>
      %dma_start3A_465 = arith.constant 0 : i32
      %dma_start3A_466 = arith.constant 0 : i32
      %dma_start3A_467 = tpu.memref_slice %arg6[%dma_start3A_465, %dma_start3A_466, %multiple_of3A_446] : memref<2x8x1000000xf32, #tpu.memory_space<hbm>> -> memref<2x8x128xf32, #tpu.memory_space<hbm>>
      %dma_start3A_468 = arith.constant 0 : i32
      %dma_start3A_469 = arith.constant 0 : i32
      %dma_start3A_470 = arith.constant 768 : i32
      %dma_start3A_471 = tpu.memref_slice %arg17[%dma_start3A_468, %dma_start3A_469, %dma_start3A_470] : memref<2x8x2048xf32, #tpu.memory_space<vmem>> -> memref<2x8x128xf32, #tpu.memory_space<vmem>>
      %dma_start3A_472 = arith.constant 0 : i32
      %dma_start3A_473 = arith.constant 0 : i32
      %dma_start3A_474 = tpu.memref_slice %arg6[%dma_start3A_472, %dma_start3A_473, %multiple_of3A_446] : memref<2x8x1000000xf32, #tpu.memory_space<hbm>> -> memref<2x8x128xf32, #tpu.memory_space<hbm>>
      tpu.enqueue_dma source(%dma_start3A_474 : memref<2x8x128xf32, #tpu.memory_space<hbm>>) target(%dma_start3A_471 : memref<2x8x128xf32, #tpu.memory_space<vmem>>) target_semaphore(%arg22 : memref<!tpu.dma_semaphore, #tpu.memory_space<semaphore_mem>>)
      %dma_start3A_475 = arith.constant 0 : i32
      %dma_start3A_476 = arith.constant 768 : i32
      %dma_start3A_477 = tpu.memref_slice %arg18[%dma_start3A_475, %dma_start3A_476] : memref<1x2048xf32, #tpu.memory_space<vmem>> -> memref<1x128xf32, #tpu.memory_space<vmem>>
      %dma_start3A_478 = arith.constant 0 : i32
      %dma_start3A_479 = tpu.memref_slice %arg7[%dma_start3A_478, %multiple_of3A_441] : memref<1x1000000xf32, #tpu.memory_space<hbm>> -> memref<1x128xf32, #tpu.memory_space<hbm>>
      %dma_start3A_480 = arith.constant 0 : i32
      %dma_start3A_481 = arith.constant 768 : i32
      %dma_start3A_482 = tpu.memref_slice %arg18[%dma_start3A_480, %dma_start3A_481] : memref<1x2048xf32, #tpu.memory_space<vmem>> -> memref<1x128xf32, #tpu.memory_space<vmem>>
      %dma_start3A_483 = arith.constant 0 : i32
      %dma_start3A_484 = tpu.memref_slice %arg7[%dma_start3A_483, %multiple_of3A_441] : memref<1x1000000xf32, #tpu.memory_space<hbm>> -> memref<1x128xf32, #tpu.memory_space<hbm>>
      tpu.enqueue_dma source(%dma_start3A_484 : memref<1x128xf32, #tpu.memory_space<hbm>>) target(%dma_start3A_482 : memref<1x128xf32, #tpu.memory_space<vmem>>) target_semaphore(%arg23 : memref<!tpu.dma_semaphore, #tpu.memory_space<semaphore_mem>>)
      %dma_start3A_485 = arith.constant 0 : i32
      %dma_start3A_486 = arith.constant 768 : i32
      %dma_start3A_487 = tpu.memref_slice %arg19[%dma_start3A_485, %dma_start3A_486] : memref<1x2048xf32, #tpu.memory_space<vmem>> -> memref<1x128xf32, #tpu.memory_space<vmem>>
      %dma_start3A_488 = arith.constant 0 : i32
      %dma_start3A_489 = tpu.memref_slice %arg8[%dma_start3A_488, %multiple_of3A_446] : memref<1x1000000xf32, #tpu.memory_space<hbm>> -> memref<1x128xf32, #tpu.memory_space<hbm>>
      %dma_start3A_490 = arith.constant 0 : i32
      %dma_start3A_491 = arith.constant 768 : i32
      %dma_start3A_492 = tpu.memref_slice %arg19[%dma_start3A_490, %dma_start3A_491] : memref<1x2048xf32, #tpu.memory_space<vmem>> -> memref<1x128xf32, #tpu.memory_space<vmem>>
      %dma_start3A_493 = arith.constant 0 : i32
      %dma_start3A_494 = tpu.memref_slice %arg8[%dma_start3A_493, %multiple_of3A_446] : memref<1x1000000xf32, #tpu.memory_space<hbm>> -> memref<1x128xf32, #tpu.memory_space<hbm>>
      tpu.enqueue_dma source(%dma_start3A_494 : memref<1x128xf32, #tpu.memory_space<hbm>>) target(%dma_start3A_492 : memref<1x128xf32, #tpu.memory_space<vmem>>) target_semaphore(%arg23 : memref<!tpu.dma_semaphore, #tpu.memory_space<semaphore_mem>>)
      %slice3A_495 = vector.extract_strided_slice %get3A_63 {offsets = [7], sizes = [1], strides = [1]} : vector<16xi32> to vector<1xi32>
      %squeeze3A_496 = vector.extract %slice3A_495[0] : i32 from vector<1xi32>
      %slice3A_497 = vector.extract_strided_slice %get3A_66 {offsets = [7], sizes = [1], strides = [1]} : vector<16xi32> to vector<1xi32>
      %squeeze3A_498 = vector.extract %slice3A_497[0] : i32 from vector<1xi32>
      %shift_right_logical3A_499 = arith.constant 7 : i32
      %shift_right_logical3A_500 = arith.shrui %squeeze3A_496, %shift_right_logical3A_499 : i32
      %shift_left3A_501 = arith.constant 7 : i32
      %shift_left3A_502 = arith.shli %shift_right_logical3A_500, %shift_left3A_501 : i32
      %multiple_of3A_503 = tpu.assume_multiple %shift_left3A_502, 128 : i32
      %shift_right_logical3A_504 = arith.constant 7 : i32
      %shift_right_logical3A_505 = arith.shrui %squeeze3A_498, %shift_right_logical3A_504 : i32
      %shift_left3A_506 = arith.constant 7 : i32
      %shift_left3A_507 = arith.shli %shift_right_logical3A_505, %shift_left3A_506 : i32
      %multiple_of3A_508 = tpu.assume_multiple %shift_left3A_507, 128 : i32
      %dma_start3A_509 = arith.constant 0 : i32
      %dma_start3A_510 = arith.constant 0 : i32
      %dma_start3A_511 = arith.constant 896 : i32
      %dma_start3A_512 = tpu.memref_slice %arg16[%dma_start3A_509, %dma_start3A_510, %dma_start3A_511] : memref<2x8x2048xf32, #tpu.memory_space<vmem>> -> memref<2x8x128xf32, #tpu.memory_space<vmem>>
      %dma_start3A_513 = arith.constant 0 : i32
      %dma_start3A_514 = arith.constant 0 : i32
      %dma_start3A_515 = tpu.memref_slice %arg5[%dma_start3A_513, %dma_start3A_514, %multiple_of3A_503] : memref<2x8x1000000xf32, #tpu.memory_space<hbm>> -> memref<2x8x128xf32, #tpu.memory_space<hbm>>
      %dma_start3A_516 = arith.constant 0 : i32
      %dma_start3A_517 = arith.constant 0 : i32
      %dma_start3A_518 = arith.constant 896 : i32
      %dma_start3A_519 = tpu.memref_slice %arg16[%dma_start3A_516, %dma_start3A_517, %dma_start3A_518] : memref<2x8x2048xf32, #tpu.memory_space<vmem>> -> memref<2x8x128xf32, #tpu.memory_space<vmem>>
      %dma_start3A_520 = arith.constant 0 : i32
      %dma_start3A_521 = arith.constant 0 : i32
      %dma_start3A_522 = tpu.memref_slice %arg5[%dma_start3A_520, %dma_start3A_521, %multiple_of3A_503] : memref<2x8x1000000xf32, #tpu.memory_space<hbm>> -> memref<2x8x128xf32, #tpu.memory_space<hbm>>
      tpu.enqueue_dma source(%dma_start3A_522 : memref<2x8x128xf32, #tpu.memory_space<hbm>>) target(%dma_start3A_519 : memref<2x8x128xf32, #tpu.memory_space<vmem>>) target_semaphore(%arg22 : memref<!tpu.dma_semaphore, #tpu.memory_space<semaphore_mem>>)
      %dma_start3A_523 = arith.constant 0 : i32
      %dma_start3A_524 = arith.constant 0 : i32
      %dma_start3A_525 = arith.constant 896 : i32
      %dma_start3A_526 = tpu.memref_slice %arg17[%dma_start3A_523, %dma_start3A_524, %dma_start3A_525] : memref<2x8x2048xf32, #tpu.memory_space<vmem>> -> memref<2x8x128xf32, #tpu.memory_space<vmem>>
      %dma_start3A_527 = arith.constant 0 : i32
      %dma_start3A_528 = arith.constant 0 : i32
      %dma_start3A_529 = tpu.memref_slice %arg6[%dma_start3A_527, %dma_start3A_528, %multiple_of3A_508] : memref<2x8x1000000xf32, #tpu.memory_space<hbm>> -> memref<2x8x128xf32, #tpu.memory_space<hbm>>
      %dma_start3A_530 = arith.constant 0 : i32
      %dma_start3A_531 = arith.constant 0 : i32
      %dma_start3A_532 = arith.constant 896 : i32
      %dma_start3A_533 = tpu.memref_slice %arg17[%dma_start3A_530, %dma_start3A_531, %dma_start3A_532] : memref<2x8x2048xf32, #tpu.memory_space<vmem>> -> memref<2x8x128xf32, #tpu.memory_space<vmem>>
      %dma_start3A_534 = arith.constant 0 : i32
      %dma_start3A_535 = arith.constant 0 : i32
      %dma_start3A_536 = tpu.memref_slice %arg6[%dma_start3A_534, %dma_start3A_535, %multiple_of3A_508] : memref<2x8x1000000xf32, #tpu.memory_space<hbm>> -> memref<2x8x128xf32, #tpu.memory_space<hbm>>
      tpu.enqueue_dma source(%dma_start3A_536 : memref<2x8x128xf32, #tpu.memory_space<hbm>>) target(%dma_start3A_533 : memref<2x8x128xf32, #tpu.memory_space<vmem>>) target_semaphore(%arg22 : memref<!tpu.dma_semaphore, #tpu.memory_space<semaphore_mem>>)
      %dma_start3A_537 = arith.constant 0 : i32
      %dma_start3A_538 = arith.constant 896 : i32
      %dma_start3A_539 = tpu.memref_slice %arg18[%dma_start3A_537, %dma_start3A_538] : memref<1x2048xf32, #tpu.memory_space<vmem>> -> memref<1x128xf32, #tpu.memory_space<vmem>>
      %dma_start3A_540 = arith.constant 0 : i32
      %dma_start3A_541 = tpu.memref_slice %arg7[%dma_start3A_540, %multiple_of3A_503] : memref<1x1000000xf32, #tpu.memory_space<hbm>> -> memref<1x128xf32, #tpu.memory_space<hbm>>
      %dma_start3A_542 = arith.constant 0 : i32
      %dma_start3A_543 = arith.constant 896 : i32
      %dma_start3A_544 = tpu.memref_slice %arg18[%dma_start3A_542, %dma_start3A_543] : memref<1x2048xf32, #tpu.memory_space<vmem>> -> memref<1x128xf32, #tpu.memory_space<vmem>>
      %dma_start3A_545 = arith.constant 0 : i32
      %dma_start3A_546 = tpu.memref_slice %arg7[%dma_start3A_545, %multiple_of3A_503] : memref<1x1000000xf32, #tpu.memory_space<hbm>> -> memref<1x128xf32, #tpu.memory_space<hbm>>
      tpu.enqueue_dma source(%dma_start3A_546 : memref<1x128xf32, #tpu.memory_space<hbm>>) target(%dma_start3A_544 : memref<1x128xf32, #tpu.memory_space<vmem>>) target_semaphore(%arg23 : memref<!tpu.dma_semaphore, #tpu.memory_space<semaphore_mem>>)
      %dma_start3A_547 = arith.constant 0 : i32
      %dma_start3A_548 = arith.constant 896 : i32
      %dma_start3A_549 = tpu.memref_slice %arg19[%dma_start3A_547, %dma_start3A_548] : memref<1x2048xf32, #tpu.memory_space<vmem>> -> memref<1x128xf32, #tpu.memory_space<vmem>>
      %dma_start3A_550 = arith.constant 0 : i32
      %dma_start3A_551 = tpu.memref_slice %arg8[%dma_start3A_550, %multiple_of3A_508] : memref<1x1000000xf32, #tpu.memory_space<hbm>> -> memref<1x128xf32, #tpu.memory_space<hbm>>
      %dma_start3A_552 = arith.constant 0 : i32
      %dma_start3A_553 = arith.constant 896 : i32
      %dma_start3A_554 = tpu.memref_slice %arg19[%dma_start3A_552, %dma_start3A_553] : memref<1x2048xf32, #tpu.memory_space<vmem>> -> memref<1x128xf32, #tpu.memory_space<vmem>>
      %dma_start3A_555 = arith.constant 0 : i32
      %dma_start3A_556 = tpu.memref_slice %arg8[%dma_start3A_555, %multiple_of3A_508] : memref<1x1000000xf32, #tpu.memory_space<hbm>> -> memref<1x128xf32, #tpu.memory_space<hbm>>
      tpu.enqueue_dma source(%dma_start3A_556 : memref<1x128xf32, #tpu.memory_space<hbm>>) target(%dma_start3A_554 : memref<1x128xf32, #tpu.memory_space<vmem>>) target_semaphore(%arg23 : memref<!tpu.dma_semaphore, #tpu.memory_space<semaphore_mem>>)
      %slice3A_557 = vector.extract_strided_slice %get3A_63 {offsets = [8], sizes = [1], strides = [1]} : vector<16xi32> to vector<1xi32>
      %squeeze3A_558 = vector.extract %slice3A_557[0] : i32 from vector<1xi32>
      %slice3A_559 = vector.extract_strided_slice %get3A_66 {offsets = [8], sizes = [1], strides = [1]} : vector<16xi32> to vector<1xi32>
      %squeeze3A_560 = vector.extract %slice3A_559[0] : i32 from vector<1xi32>
      %shift_right_logical3A_561 = arith.constant 7 : i32
      %shift_right_logical3A_562 = arith.shrui %squeeze3A_558, %shift_right_logical3A_561 : i32
      %shift_left3A_563 = arith.constant 7 : i32
      %shift_left3A_564 = arith.shli %shift_right_logical3A_562, %shift_left3A_563 : i32
      %multiple_of3A_565 = tpu.assume_multiple %shift_left3A_564, 128 : i32
      %shift_right_logical3A_566 = arith.constant 7 : i32
      %shift_right_logical3A_567 = arith.shrui %squeeze3A_560, %shift_right_logical3A_566 : i32
      %shift_left3A_568 = arith.constant 7 : i32
      %shift_left3A_569 = arith.shli %shift_right_logical3A_567, %shift_left3A_568 : i32
      %multiple_of3A_570 = tpu.assume_multiple %shift_left3A_569, 128 : i32
      %dma_start3A_571 = arith.constant 0 : i32
      %dma_start3A_572 = arith.constant 0 : i32
      %dma_start3A_573 = arith.constant 1024 : i32
      %dma_start3A_574 = tpu.memref_slice %arg16[%dma_start3A_571, %dma_start3A_572, %dma_start3A_573] : memref<2x8x2048xf32, #tpu.memory_space<vmem>> -> memref<2x8x128xf32, #tpu.memory_space<vmem>>
      %dma_start3A_575 = arith.constant 0 : i32
      %dma_start3A_576 = arith.constant 0 : i32
      %dma_start3A_577 = tpu.memref_slice %arg5[%dma_start3A_575, %dma_start3A_576, %multiple_of3A_565] : memref<2x8x1000000xf32, #tpu.memory_space<hbm>> -> memref<2x8x128xf32, #tpu.memory_space<hbm>>
      %dma_start3A_578 = arith.constant 0 : i32
      %dma_start3A_579 = arith.constant 0 : i32
      %dma_start3A_580 = arith.constant 1024 : i32
      %dma_start3A_581 = tpu.memref_slice %arg16[%dma_start3A_578, %dma_start3A_579, %dma_start3A_580] : memref<2x8x2048xf32, #tpu.memory_space<vmem>> -> memref<2x8x128xf32, #tpu.memory_space<vmem>>
      %dma_start3A_582 = arith.constant 0 : i32
      %dma_start3A_583 = arith.constant 0 : i32
      %dma_start3A_584 = tpu.memref_slice %arg5[%dma_start3A_582, %dma_start3A_583, %multiple_of3A_565] : memref<2x8x1000000xf32, #tpu.memory_space<hbm>> -> memref<2x8x128xf32, #tpu.memory_space<hbm>>
      tpu.enqueue_dma source(%dma_start3A_584 : memref<2x8x128xf32, #tpu.memory_space<hbm>>) target(%dma_start3A_581 : memref<2x8x128xf32, #tpu.memory_space<vmem>>) target_semaphore(%arg22 : memref<!tpu.dma_semaphore, #tpu.memory_space<semaphore_mem>>)
      %dma_start3A_585 = arith.constant 0 : i32
      %dma_start3A_586 = arith.constant 0 : i32
      %dma_start3A_587 = arith.constant 1024 : i32
      %dma_start3A_588 = tpu.memref_slice %arg17[%dma_start3A_585, %dma_start3A_586, %dma_start3A_587] : memref<2x8x2048xf32, #tpu.memory_space<vmem>> -> memref<2x8x128xf32, #tpu.memory_space<vmem>>
      %dma_start3A_589 = arith.constant 0 : i32
      %dma_start3A_590 = arith.constant 0 : i32
      %dma_start3A_591 = tpu.memref_slice %arg6[%dma_start3A_589, %dma_start3A_590, %multiple_of3A_570] : memref<2x8x1000000xf32, #tpu.memory_space<hbm>> -> memref<2x8x128xf32, #tpu.memory_space<hbm>>
      %dma_start3A_592 = arith.constant 0 : i32
      %dma_start3A_593 = arith.constant 0 : i32
      %dma_start3A_594 = arith.constant 1024 : i32
      %dma_start3A_595 = tpu.memref_slice %arg17[%dma_start3A_592, %dma_start3A_593, %dma_start3A_594] : memref<2x8x2048xf32, #tpu.memory_space<vmem>> -> memref<2x8x128xf32, #tpu.memory_space<vmem>>
      %dma_start3A_596 = arith.constant 0 : i32
      %dma_start3A_597 = arith.constant 0 : i32
      %dma_start3A_598 = tpu.memref_slice %arg6[%dma_start3A_596, %dma_start3A_597, %multiple_of3A_570] : memref<2x8x1000000xf32, #tpu.memory_space<hbm>> -> memref<2x8x128xf32, #tpu.memory_space<hbm>>
      tpu.enqueue_dma source(%dma_start3A_598 : memref<2x8x128xf32, #tpu.memory_space<hbm>>) target(%dma_start3A_595 : memref<2x8x128xf32, #tpu.memory_space<vmem>>) target_semaphore(%arg22 : memref<!tpu.dma_semaphore, #tpu.memory_space<semaphore_mem>>)
      %dma_start3A_599 = arith.constant 0 : i32
      %dma_start3A_600 = arith.constant 1024 : i32
      %dma_start3A_601 = tpu.memref_slice %arg18[%dma_start3A_599, %dma_start3A_600] : memref<1x2048xf32, #tpu.memory_space<vmem>> -> memref<1x128xf32, #tpu.memory_space<vmem>>
      %dma_start3A_602 = arith.constant 0 : i32
      %dma_start3A_603 = tpu.memref_slice %arg7[%dma_start3A_602, %multiple_of3A_565] : memref<1x1000000xf32, #tpu.memory_space<hbm>> -> memref<1x128xf32, #tpu.memory_space<hbm>>
      %dma_start3A_604 = arith.constant 0 : i32
      %dma_start3A_605 = arith.constant 1024 : i32
      %dma_start3A_606 = tpu.memref_slice %arg18[%dma_start3A_604, %dma_start3A_605] : memref<1x2048xf32, #tpu.memory_space<vmem>> -> memref<1x128xf32, #tpu.memory_space<vmem>>
      %dma_start3A_607 = arith.constant 0 : i32
      %dma_start3A_608 = tpu.memref_slice %arg7[%dma_start3A_607, %multiple_of3A_565] : memref<1x1000000xf32, #tpu.memory_space<hbm>> -> memref<1x128xf32, #tpu.memory_space<hbm>>
      tpu.enqueue_dma source(%dma_start3A_608 : memref<1x128xf32, #tpu.memory_space<hbm>>) target(%dma_start3A_606 : memref<1x128xf32, #tpu.memory_space<vmem>>) target_semaphore(%arg23 : memref<!tpu.dma_semaphore, #tpu.memory_space<semaphore_mem>>)
      %dma_start3A_609 = arith.constant 0 : i32
      %dma_start3A_610 = arith.constant 1024 : i32
      %dma_start3A_611 = tpu.memref_slice %arg19[%dma_start3A_609, %dma_start3A_610] : memref<1x2048xf32, #tpu.memory_space<vmem>> -> memref<1x128xf32, #tpu.memory_space<vmem>>
      %dma_start3A_612 = arith.constant 0 : i32
      %dma_start3A_613 = tpu.memref_slice %arg8[%dma_start3A_612, %multiple_of3A_570] : memref<1x1000000xf32, #tpu.memory_space<hbm>> -> memref<1x128xf32, #tpu.memory_space<hbm>>
      %dma_start3A_614 = arith.constant 0 : i32
      %dma_start3A_615 = arith.constant 1024 : i32
      %dma_start3A_616 = tpu.memref_slice %arg19[%dma_start3A_614, %dma_start3A_615] : memref<1x2048xf32, #tpu.memory_space<vmem>> -> memref<1x128xf32, #tpu.memory_space<vmem>>
      %dma_start3A_617 = arith.constant 0 : i32
      %dma_start3A_618 = tpu.memref_slice %arg8[%dma_start3A_617, %multiple_of3A_570] : memref<1x1000000xf32, #tpu.memory_space<hbm>> -> memref<1x128xf32, #tpu.memory_space<hbm>>
      tpu.enqueue_dma source(%dma_start3A_618 : memref<1x128xf32, #tpu.memory_space<hbm>>) target(%dma_start3A_616 : memref<1x128xf32, #tpu.memory_space<vmem>>) target_semaphore(%arg23 : memref<!tpu.dma_semaphore, #tpu.memory_space<semaphore_mem>>)
      %slice3A_619 = vector.extract_strided_slice %get3A_63 {offsets = [9], sizes = [1], strides = [1]} : vector<16xi32> to vector<1xi32>
      %squeeze3A_620 = vector.extract %slice3A_619[0] : i32 from vector<1xi32>
      %slice3A_621 = vector.extract_strided_slice %get3A_66 {offsets = [9], sizes = [1], strides = [1]} : vector<16xi32> to vector<1xi32>
      %squeeze3A_622 = vector.extract %slice3A_621[0] : i32 from vector<1xi32>
      %shift_right_logical3A_623 = arith.constant 7 : i32
      %shift_right_logical3A_624 = arith.shrui %squeeze3A_620, %shift_right_logical3A_623 : i32
      %shift_left3A_625 = arith.constant 7 : i32
      %shift_left3A_626 = arith.shli %shift_right_logical3A_624, %shift_left3A_625 : i32
      %multiple_of3A_627 = tpu.assume_multiple %shift_left3A_626, 128 : i32
      %shift_right_logical3A_628 = arith.constant 7 : i32
      %shift_right_logical3A_629 = arith.shrui %squeeze3A_622, %shift_right_logical3A_628 : i32
      %shift_left3A_630 = arith.constant 7 : i32
      %shift_left3A_631 = arith.shli %shift_right_logical3A_629, %shift_left3A_630 : i32
      %multiple_of3A_632 = tpu.assume_multiple %shift_left3A_631, 128 : i32
      %dma_start3A_633 = arith.constant 0 : i32
      %dma_start3A_634 = arith.constant 0 : i32
      %dma_start3A_635 = arith.constant 1152 : i32
      %dma_start3A_636 = tpu.memref_slice %arg16[%dma_start3A_633, %dma_start3A_634, %dma_start3A_635] : memref<2x8x2048xf32, #tpu.memory_space<vmem>> -> memref<2x8x128xf32, #tpu.memory_space<vmem>>
      %dma_start3A_637 = arith.constant 0 : i32
      %dma_start3A_638 = arith.constant 0 : i32
      %dma_start3A_639 = tpu.memref_slice %arg5[%dma_start3A_637, %dma_start3A_638, %multiple_of3A_627] : memref<2x8x1000000xf32, #tpu.memory_space<hbm>> -> memref<2x8x128xf32, #tpu.memory_space<hbm>>
      %dma_start3A_640 = arith.constant 0 : i32
      %dma_start3A_641 = arith.constant 0 : i32
      %dma_start3A_642 = arith.constant 1152 : i32
      %dma_start3A_643 = tpu.memref_slice %arg16[%dma_start3A_640, %dma_start3A_641, %dma_start3A_642] : memref<2x8x2048xf32, #tpu.memory_space<vmem>> -> memref<2x8x128xf32, #tpu.memory_space<vmem>>
      %dma_start3A_644 = arith.constant 0 : i32
      %dma_start3A_645 = arith.constant 0 : i32
      %dma_start3A_646 = tpu.memref_slice %arg5[%dma_start3A_644, %dma_start3A_645, %multiple_of3A_627] : memref<2x8x1000000xf32, #tpu.memory_space<hbm>> -> memref<2x8x128xf32, #tpu.memory_space<hbm>>
      tpu.enqueue_dma source(%dma_start3A_646 : memref<2x8x128xf32, #tpu.memory_space<hbm>>) target(%dma_start3A_643 : memref<2x8x128xf32, #tpu.memory_space<vmem>>) target_semaphore(%arg22 : memref<!tpu.dma_semaphore, #tpu.memory_space<semaphore_mem>>)
      %dma_start3A_647 = arith.constant 0 : i32
      %dma_start3A_648 = arith.constant 0 : i32
      %dma_start3A_649 = arith.constant 1152 : i32
      %dma_start3A_650 = tpu.memref_slice %arg17[%dma_start3A_647, %dma_start3A_648, %dma_start3A_649] : memref<2x8x2048xf32, #tpu.memory_space<vmem>> -> memref<2x8x128xf32, #tpu.memory_space<vmem>>
      %dma_start3A_651 = arith.constant 0 : i32
      %dma_start3A_652 = arith.constant 0 : i32
      %dma_start3A_653 = tpu.memref_slice %arg6[%dma_start3A_651, %dma_start3A_652, %multiple_of3A_632] : memref<2x8x1000000xf32, #tpu.memory_space<hbm>> -> memref<2x8x128xf32, #tpu.memory_space<hbm>>
      %dma_start3A_654 = arith.constant 0 : i32
      %dma_start3A_655 = arith.constant 0 : i32
      %dma_start3A_656 = arith.constant 1152 : i32
      %dma_start3A_657 = tpu.memref_slice %arg17[%dma_start3A_654, %dma_start3A_655, %dma_start3A_656] : memref<2x8x2048xf32, #tpu.memory_space<vmem>> -> memref<2x8x128xf32, #tpu.memory_space<vmem>>
      %dma_start3A_658 = arith.constant 0 : i32
      %dma_start3A_659 = arith.constant 0 : i32
      %dma_start3A_660 = tpu.memref_slice %arg6[%dma_start3A_658, %dma_start3A_659, %multiple_of3A_632] : memref<2x8x1000000xf32, #tpu.memory_space<hbm>> -> memref<2x8x128xf32, #tpu.memory_space<hbm>>
      tpu.enqueue_dma source(%dma_start3A_660 : memref<2x8x128xf32, #tpu.memory_space<hbm>>) target(%dma_start3A_657 : memref<2x8x128xf32, #tpu.memory_space<vmem>>) target_semaphore(%arg22 : memref<!tpu.dma_semaphore, #tpu.memory_space<semaphore_mem>>)
      %dma_start3A_661 = arith.constant 0 : i32
      %dma_start3A_662 = arith.constant 1152 : i32
      %dma_start3A_663 = tpu.memref_slice %arg18[%dma_start3A_661, %dma_start3A_662] : memref<1x2048xf32, #tpu.memory_space<vmem>> -> memref<1x128xf32, #tpu.memory_space<vmem>>
      %dma_start3A_664 = arith.constant 0 : i32
      %dma_start3A_665 = tpu.memref_slice %arg7[%dma_start3A_664, %multiple_of3A_627] : memref<1x1000000xf32, #tpu.memory_space<hbm>> -> memref<1x128xf32, #tpu.memory_space<hbm>>
      %dma_start3A_666 = arith.constant 0 : i32
      %dma_start3A_667 = arith.constant 1152 : i32
      %dma_start3A_668 = tpu.memref_slice %arg18[%dma_start3A_666, %dma_start3A_667] : memref<1x2048xf32, #tpu.memory_space<vmem>> -> memref<1x128xf32, #tpu.memory_space<vmem>>
      %dma_start3A_669 = arith.constant 0 : i32
      %dma_start3A_670 = tpu.memref_slice %arg7[%dma_start3A_669, %multiple_of3A_627] : memref<1x1000000xf32, #tpu.memory_space<hbm>> -> memref<1x128xf32, #tpu.memory_space<hbm>>
      tpu.enqueue_dma source(%dma_start3A_670 : memref<1x128xf32, #tpu.memory_space<hbm>>) target(%dma_start3A_668 : memref<1x128xf32, #tpu.memory_space<vmem>>) target_semaphore(%arg23 : memref<!tpu.dma_semaphore, #tpu.memory_space<semaphore_mem>>)
      %dma_start3A_671 = arith.constant 0 : i32
      %dma_start3A_672 = arith.constant 1152 : i32
      %dma_start3A_673 = tpu.memref_slice %arg19[%dma_start3A_671, %dma_start3A_672] : memref<1x2048xf32, #tpu.memory_space<vmem>> -> memref<1x128xf32, #tpu.memory_space<vmem>>
      %dma_start3A_674 = arith.constant 0 : i32
      %dma_start3A_675 = tpu.memref_slice %arg8[%dma_start3A_674, %multiple_of3A_632] : memref<1x1000000xf32, #tpu.memory_space<hbm>> -> memref<1x128xf32, #tpu.memory_space<hbm>>
      %dma_start3A_676 = arith.constant 0 : i32
      %dma_start3A_677 = arith.constant 1152 : i32
      %dma_start3A_678 = tpu.memref_slice %arg19[%dma_start3A_676, %dma_start3A_677] : memref<1x2048xf32, #tpu.memory_space<vmem>> -> memref<1x128xf32, #tpu.memory_space<vmem>>
      %dma_start3A_679 = arith.constant 0 : i32
      %dma_start3A_680 = tpu.memref_slice %arg8[%dma_start3A_679, %multiple_of3A_632] : memref<1x1000000xf32, #tpu.memory_space<hbm>> -> memref<1x128xf32, #tpu.memory_space<hbm>>
      tpu.enqueue_dma source(%dma_start3A_680 : memref<1x128xf32, #tpu.memory_space<hbm>>) target(%dma_start3A_678 : memref<1x128xf32, #tpu.memory_space<vmem>>) target_semaphore(%arg23 : memref<!tpu.dma_semaphore, #tpu.memory_space<semaphore_mem>>)
      %slice3A_681 = vector.extract_strided_slice %get3A_63 {offsets = [10], sizes = [1], strides = [1]} : vector<16xi32> to vector<1xi32>
      %squeeze3A_682 = vector.extract %slice3A_681[0] : i32 from vector<1xi32>
      %slice3A_683 = vector.extract_strided_slice %get3A_66 {offsets = [10], sizes = [1], strides = [1]} : vector<16xi32> to vector<1xi32>
      %squeeze3A_684 = vector.extract %slice3A_683[0] : i32 from vector<1xi32>
      %shift_right_logical3A_685 = arith.constant 7 : i32
      %shift_right_logical3A_686 = arith.shrui %squeeze3A_682, %shift_right_logical3A_685 : i32
      %shift_left3A_687 = arith.constant 7 : i32
      %shift_left3A_688 = arith.shli %shift_right_logical3A_686, %shift_left3A_687 : i32
      %multiple_of3A_689 = tpu.assume_multiple %shift_left3A_688, 128 : i32
      %shift_right_logical3A_690 = arith.constant 7 : i32
      %shift_right_logical3A_691 = arith.shrui %squeeze3A_684, %shift_right_logical3A_690 : i32
      %shift_left3A_692 = arith.constant 7 : i32
      %shift_left3A_693 = arith.shli %shift_right_logical3A_691, %shift_left3A_692 : i32
      %multiple_of3A_694 = tpu.assume_multiple %shift_left3A_693, 128 : i32
      %dma_start3A_695 = arith.constant 0 : i32
      %dma_start3A_696 = arith.constant 0 : i32
      %dma_start3A_697 = arith.constant 1280 : i32
      %dma_start3A_698 = tpu.memref_slice %arg16[%dma_start3A_695, %dma_start3A_696, %dma_start3A_697] : memref<2x8x2048xf32, #tpu.memory_space<vmem>> -> memref<2x8x128xf32, #tpu.memory_space<vmem>>
      %dma_start3A_699 = arith.constant 0 : i32
      %dma_start3A_700 = arith.constant 0 : i32
      %dma_start3A_701 = tpu.memref_slice %arg5[%dma_start3A_699, %dma_start3A_700, %multiple_of3A_689] : memref<2x8x1000000xf32, #tpu.memory_space<hbm>> -> memref<2x8x128xf32, #tpu.memory_space<hbm>>
      %dma_start3A_702 = arith.constant 0 : i32
      %dma_start3A_703 = arith.constant 0 : i32
      %dma_start3A_704 = arith.constant 1280 : i32
      %dma_start3A_705 = tpu.memref_slice %arg16[%dma_start3A_702, %dma_start3A_703, %dma_start3A_704] : memref<2x8x2048xf32, #tpu.memory_space<vmem>> -> memref<2x8x128xf32, #tpu.memory_space<vmem>>
      %dma_start3A_706 = arith.constant 0 : i32
      %dma_start3A_707 = arith.constant 0 : i32
      %dma_start3A_708 = tpu.memref_slice %arg5[%dma_start3A_706, %dma_start3A_707, %multiple_of3A_689] : memref<2x8x1000000xf32, #tpu.memory_space<hbm>> -> memref<2x8x128xf32, #tpu.memory_space<hbm>>
      tpu.enqueue_dma source(%dma_start3A_708 : memref<2x8x128xf32, #tpu.memory_space<hbm>>) target(%dma_start3A_705 : memref<2x8x128xf32, #tpu.memory_space<vmem>>) target_semaphore(%arg22 : memref<!tpu.dma_semaphore, #tpu.memory_space<semaphore_mem>>)
      %dma_start3A_709 = arith.constant 0 : i32
      %dma_start3A_710 = arith.constant 0 : i32
      %dma_start3A_711 = arith.constant 1280 : i32
      %dma_start3A_712 = tpu.memref_slice %arg17[%dma_start3A_709, %dma_start3A_710, %dma_start3A_711] : memref<2x8x2048xf32, #tpu.memory_space<vmem>> -> memref<2x8x128xf32, #tpu.memory_space<vmem>>
      %dma_start3A_713 = arith.constant 0 : i32
      %dma_start3A_714 = arith.constant 0 : i32
      %dma_start3A_715 = tpu.memref_slice %arg6[%dma_start3A_713, %dma_start3A_714, %multiple_of3A_694] : memref<2x8x1000000xf32, #tpu.memory_space<hbm>> -> memref<2x8x128xf32, #tpu.memory_space<hbm>>
      %dma_start3A_716 = arith.constant 0 : i32
      %dma_start3A_717 = arith.constant 0 : i32
      %dma_start3A_718 = arith.constant 1280 : i32
      %dma_start3A_719 = tpu.memref_slice %arg17[%dma_start3A_716, %dma_start3A_717, %dma_start3A_718] : memref<2x8x2048xf32, #tpu.memory_space<vmem>> -> memref<2x8x128xf32, #tpu.memory_space<vmem>>
      %dma_start3A_720 = arith.constant 0 : i32
      %dma_start3A_721 = arith.constant 0 : i32
      %dma_start3A_722 = tpu.memref_slice %arg6[%dma_start3A_720, %dma_start3A_721, %multiple_of3A_694] : memref<2x8x1000000xf32, #tpu.memory_space<hbm>> -> memref<2x8x128xf32, #tpu.memory_space<hbm>>
      tpu.enqueue_dma source(%dma_start3A_722 : memref<2x8x128xf32, #tpu.memory_space<hbm>>) target(%dma_start3A_719 : memref<2x8x128xf32, #tpu.memory_space<vmem>>) target_semaphore(%arg22 : memref<!tpu.dma_semaphore, #tpu.memory_space<semaphore_mem>>)
      %dma_start3A_723 = arith.constant 0 : i32
      %dma_start3A_724 = arith.constant 1280 : i32
      %dma_start3A_725 = tpu.memref_slice %arg18[%dma_start3A_723, %dma_start3A_724] : memref<1x2048xf32, #tpu.memory_space<vmem>> -> memref<1x128xf32, #tpu.memory_space<vmem>>
      %dma_start3A_726 = arith.constant 0 : i32
      %dma_start3A_727 = tpu.memref_slice %arg7[%dma_start3A_726, %multiple_of3A_689] : memref<1x1000000xf32, #tpu.memory_space<hbm>> -> memref<1x128xf32, #tpu.memory_space<hbm>>
      %dma_start3A_728 = arith.constant 0 : i32
      %dma_start3A_729 = arith.constant 1280 : i32
      %dma_start3A_730 = tpu.memref_slice %arg18[%dma_start3A_728, %dma_start3A_729] : memref<1x2048xf32, #tpu.memory_space<vmem>> -> memref<1x128xf32, #tpu.memory_space<vmem>>
      %dma_start3A_731 = arith.constant 0 : i32
      %dma_start3A_732 = tpu.memref_slice %arg7[%dma_start3A_731, %multiple_of3A_689] : memref<1x1000000xf32, #tpu.memory_space<hbm>> -> memref<1x128xf32, #tpu.memory_space<hbm>>
      tpu.enqueue_dma source(%dma_start3A_732 : memref<1x128xf32, #tpu.memory_space<hbm>>) target(%dma_start3A_730 : memref<1x128xf32, #tpu.memory_space<vmem>>) target_semaphore(%arg23 : memref<!tpu.dma_semaphore, #tpu.memory_space<semaphore_mem>>)
      %dma_start3A_733 = arith.constant 0 : i32
      %dma_start3A_734 = arith.constant 1280 : i32
      %dma_start3A_735 = tpu.memref_slice %arg19[%dma_start3A_733, %dma_start3A_734] : memref<1x2048xf32, #tpu.memory_space<vmem>> -> memref<1x128xf32, #tpu.memory_space<vmem>>
      %dma_start3A_736 = arith.constant 0 : i32
      %dma_start3A_737 = tpu.memref_slice %arg8[%dma_start3A_736, %multiple_of3A_694] : memref<1x1000000xf32, #tpu.memory_space<hbm>> -> memref<1x128xf32, #tpu.memory_space<hbm>>
      %dma_start3A_738 = arith.constant 0 : i32
      %dma_start3A_739 = arith.constant 1280 : i32
      %dma_start3A_740 = tpu.memref_slice %arg19[%dma_start3A_738, %dma_start3A_739] : memref<1x2048xf32, #tpu.memory_space<vmem>> -> memref<1x128xf32, #tpu.memory_space<vmem>>
      %dma_start3A_741 = arith.constant 0 : i32
      %dma_start3A_742 = tpu.memref_slice %arg8[%dma_start3A_741, %multiple_of3A_694] : memref<1x1000000xf32, #tpu.memory_space<hbm>> -> memref<1x128xf32, #tpu.memory_space<hbm>>
      tpu.enqueue_dma source(%dma_start3A_742 : memref<1x128xf32, #tpu.memory_space<hbm>>) target(%dma_start3A_740 : memref<1x128xf32, #tpu.memory_space<vmem>>) target_semaphore(%arg23 : memref<!tpu.dma_semaphore, #tpu.memory_space<semaphore_mem>>)
      %slice3A_743 = vector.extract_strided_slice %get3A_63 {offsets = [11], sizes = [1], strides = [1]} : vector<16xi32> to vector<1xi32>
      %squeeze3A_744 = vector.extract %slice3A_743[0] : i32 from vector<1xi32>
      %slice3A_745 = vector.extract_strided_slice %get3A_66 {offsets = [11], sizes = [1], strides = [1]} : vector<16xi32> to vector<1xi32>
      %squeeze3A_746 = vector.extract %slice3A_745[0] : i32 from vector<1xi32>
      %shift_right_logical3A_747 = arith.constant 7 : i32
      %shift_right_logical3A_748 = arith.shrui %squeeze3A_744, %shift_right_logical3A_747 : i32
      %shift_left3A_749 = arith.constant 7 : i32
      %shift_left3A_750 = arith.shli %shift_right_logical3A_748, %shift_left3A_749 : i32
      %multiple_of3A_751 = tpu.assume_multiple %shift_left3A_750, 128 : i32
      %shift_right_logical3A_752 = arith.constant 7 : i32
      %shift_right_logical3A_753 = arith.shrui %squeeze3A_746, %shift_right_logical3A_752 : i32
      %shift_left3A_754 = arith.constant 7 : i32
      %shift_left3A_755 = arith.shli %shift_right_logical3A_753, %shift_left3A_754 : i32
      %multiple_of3A_756 = tpu.assume_multiple %shift_left3A_755, 128 : i32
      %dma_start3A_757 = arith.constant 0 : i32
      %dma_start3A_758 = arith.constant 0 : i32
      %dma_start3A_759 = arith.constant 1408 : i32
      %dma_start3A_760 = tpu.memref_slice %arg16[%dma_start3A_757, %dma_start3A_758, %dma_start3A_759] : memref<2x8x2048xf32, #tpu.memory_space<vmem>> -> memref<2x8x128xf32, #tpu.memory_space<vmem>>
      %dma_start3A_761 = arith.constant 0 : i32
      %dma_start3A_762 = arith.constant 0 : i32
      %dma_start3A_763 = tpu.memref_slice %arg5[%dma_start3A_761, %dma_start3A_762, %multiple_of3A_751] : memref<2x8x1000000xf32, #tpu.memory_space<hbm>> -> memref<2x8x128xf32, #tpu.memory_space<hbm>>
      %dma_start3A_764 = arith.constant 0 : i32
      %dma_start3A_765 = arith.constant 0 : i32
      %dma_start3A_766 = arith.constant 1408 : i32
      %dma_start3A_767 = tpu.memref_slice %arg16[%dma_start3A_764, %dma_start3A_765, %dma_start3A_766] : memref<2x8x2048xf32, #tpu.memory_space<vmem>> -> memref<2x8x128xf32, #tpu.memory_space<vmem>>
      %dma_start3A_768 = arith.constant 0 : i32
      %dma_start3A_769 = arith.constant 0 : i32
      %dma_start3A_770 = tpu.memref_slice %arg5[%dma_start3A_768, %dma_start3A_769, %multiple_of3A_751] : memref<2x8x1000000xf32, #tpu.memory_space<hbm>> -> memref<2x8x128xf32, #tpu.memory_space<hbm>>
      tpu.enqueue_dma source(%dma_start3A_770 : memref<2x8x128xf32, #tpu.memory_space<hbm>>) target(%dma_start3A_767 : memref<2x8x128xf32, #tpu.memory_space<vmem>>) target_semaphore(%arg22 : memref<!tpu.dma_semaphore, #tpu.memory_space<semaphore_mem>>)
      %dma_start3A_771 = arith.constant 0 : i32
      %dma_start3A_772 = arith.constant 0 : i32
      %dma_start3A_773 = arith.constant 1408 : i32
      %dma_start3A_774 = tpu.memref_slice %arg17[%dma_start3A_771, %dma_start3A_772, %dma_start3A_773] : memref<2x8x2048xf32, #tpu.memory_space<vmem>> -> memref<2x8x128xf32, #tpu.memory_space<vmem>>
      %dma_start3A_775 = arith.constant 0 : i32
      %dma_start3A_776 = arith.constant 0 : i32
      %dma_start3A_777 = tpu.memref_slice %arg6[%dma_start3A_775, %dma_start3A_776, %multiple_of3A_756] : memref<2x8x1000000xf32, #tpu.memory_space<hbm>> -> memref<2x8x128xf32, #tpu.memory_space<hbm>>
      %dma_start3A_778 = arith.constant 0 : i32
      %dma_start3A_779 = arith.constant 0 : i32
      %dma_start3A_780 = arith.constant 1408 : i32
      %dma_start3A_781 = tpu.memref_slice %arg17[%dma_start3A_778, %dma_start3A_779, %dma_start3A_780] : memref<2x8x2048xf32, #tpu.memory_space<vmem>> -> memref<2x8x128xf32, #tpu.memory_space<vmem>>
      %dma_start3A_782 = arith.constant 0 : i32
      %dma_start3A_783 = arith.constant 0 : i32
      %dma_start3A_784 = tpu.memref_slice %arg6[%dma_start3A_782, %dma_start3A_783, %multiple_of3A_756] : memref<2x8x1000000xf32, #tpu.memory_space<hbm>> -> memref<2x8x128xf32, #tpu.memory_space<hbm>>
      tpu.enqueue_dma source(%dma_start3A_784 : memref<2x8x128xf32, #tpu.memory_space<hbm>>) target(%dma_start3A_781 : memref<2x8x128xf32, #tpu.memory_space<vmem>>) target_semaphore(%arg22 : memref<!tpu.dma_semaphore, #tpu.memory_space<semaphore_mem>>)
      %dma_start3A_785 = arith.constant 0 : i32
      %dma_start3A_786 = arith.constant 1408 : i32
      %dma_start3A_787 = tpu.memref_slice %arg18[%dma_start3A_785, %dma_start3A_786] : memref<1x2048xf32, #tpu.memory_space<vmem>> -> memref<1x128xf32, #tpu.memory_space<vmem>>
      %dma_start3A_788 = arith.constant 0 : i32
      %dma_start3A_789 = tpu.memref_slice %arg7[%dma_start3A_788, %multiple_of3A_751] : memref<1x1000000xf32, #tpu.memory_space<hbm>> -> memref<1x128xf32, #tpu.memory_space<hbm>>
      %dma_start3A_790 = arith.constant 0 : i32
      %dma_start3A_791 = arith.constant 1408 : i32
      %dma_start3A_792 = tpu.memref_slice %arg18[%dma_start3A_790, %dma_start3A_791] : memref<1x2048xf32, #tpu.memory_space<vmem>> -> memref<1x128xf32, #tpu.memory_space<vmem>>
      %dma_start3A_793 = arith.constant 0 : i32
      %dma_start3A_794 = tpu.memref_slice %arg7[%dma_start3A_793, %multiple_of3A_751] : memref<1x1000000xf32, #tpu.memory_space<hbm>> -> memref<1x128xf32, #tpu.memory_space<hbm>>
      tpu.enqueue_dma source(%dma_start3A_794 : memref<1x128xf32, #tpu.memory_space<hbm>>) target(%dma_start3A_792 : memref<1x128xf32, #tpu.memory_space<vmem>>) target_semaphore(%arg23 : memref<!tpu.dma_semaphore, #tpu.memory_space<semaphore_mem>>)
      %dma_start3A_795 = arith.constant 0 : i32
      %dma_start3A_796 = arith.constant 1408 : i32
      %dma_start3A_797 = tpu.memref_slice %arg19[%dma_start3A_795, %dma_start3A_796] : memref<1x2048xf32, #tpu.memory_space<vmem>> -> memref<1x128xf32, #tpu.memory_space<vmem>>
      %dma_start3A_798 = arith.constant 0 : i32
      %dma_start3A_799 = tpu.memref_slice %arg8[%dma_start3A_798, %multiple_of3A_756] : memref<1x1000000xf32, #tpu.memory_space<hbm>> -> memref<1x128xf32, #tpu.memory_space<hbm>>
      %dma_start3A_800 = arith.constant 0 : i32
      %dma_start3A_801 = arith.constant 1408 : i32
      %dma_start3A_802 = tpu.memref_slice %arg19[%dma_start3A_800, %dma_start3A_801] : memref<1x2048xf32, #tpu.memory_space<vmem>> -> memref<1x128xf32, #tpu.memory_space<vmem>>
      %dma_start3A_803 = arith.constant 0 : i32
      %dma_start3A_804 = tpu.memref_slice %arg8[%dma_start3A_803, %multiple_of3A_756] : memref<1x1000000xf32, #tpu.memory_space<hbm>> -> memref<1x128xf32, #tpu.memory_space<hbm>>
      tpu.enqueue_dma source(%dma_start3A_804 : memref<1x128xf32, #tpu.memory_space<hbm>>) target(%dma_start3A_802 : memref<1x128xf32, #tpu.memory_space<vmem>>) target_semaphore(%arg23 : memref<!tpu.dma_semaphore, #tpu.memory_space<semaphore_mem>>)
      %slice3A_805 = vector.extract_strided_slice %get3A_63 {offsets = [12], sizes = [1], strides = [1]} : vector<16xi32> to vector<1xi32>
      %squeeze3A_806 = vector.extract %slice3A_805[0] : i32 from vector<1xi32>
      %slice3A_807 = vector.extract_strided_slice %get3A_66 {offsets = [12], sizes = [1], strides = [1]} : vector<16xi32> to vector<1xi32>
      %squeeze3A_808 = vector.extract %slice3A_807[0] : i32 from vector<1xi32>
      %shift_right_logical3A_809 = arith.constant 7 : i32
      %shift_right_logical3A_810 = arith.shrui %squeeze3A_806, %shift_right_logical3A_809 : i32
      %shift_left3A_811 = arith.constant 7 : i32
      %shift_left3A_812 = arith.shli %shift_right_logical3A_810, %shift_left3A_811 : i32
      %multiple_of3A_813 = tpu.assume_multiple %shift_left3A_812, 128 : i32
      %shift_right_logical3A_814 = arith.constant 7 : i32
      %shift_right_logical3A_815 = arith.shrui %squeeze3A_808, %shift_right_logical3A_814 : i32
      %shift_left3A_816 = arith.constant 7 : i32
      %shift_left3A_817 = arith.shli %shift_right_logical3A_815, %shift_left3A_816 : i32
      %multiple_of3A_818 = tpu.assume_multiple %shift_left3A_817, 128 : i32
      %dma_start3A_819 = arith.constant 0 : i32
      %dma_start3A_820 = arith.constant 0 : i32
      %dma_start3A_821 = arith.constant 1536 : i32
      %dma_start3A_822 = tpu.memref_slice %arg16[%dma_start3A_819, %dma_start3A_820, %dma_start3A_821] : memref<2x8x2048xf32, #tpu.memory_space<vmem>> -> memref<2x8x128xf32, #tpu.memory_space<vmem>>
      %dma_start3A_823 = arith.constant 0 : i32
      %dma_start3A_824 = arith.constant 0 : i32
      %dma_start3A_825 = tpu.memref_slice %arg5[%dma_start3A_823, %dma_start3A_824, %multiple_of3A_813] : memref<2x8x1000000xf32, #tpu.memory_space<hbm>> -> memref<2x8x128xf32, #tpu.memory_space<hbm>>
      %dma_start3A_826 = arith.constant 0 : i32
      %dma_start3A_827 = arith.constant 0 : i32
      %dma_start3A_828 = arith.constant 1536 : i32
      %dma_start3A_829 = tpu.memref_slice %arg16[%dma_start3A_826, %dma_start3A_827, %dma_start3A_828] : memref<2x8x2048xf32, #tpu.memory_space<vmem>> -> memref<2x8x128xf32, #tpu.memory_space<vmem>>
      %dma_start3A_830 = arith.constant 0 : i32
      %dma_start3A_831 = arith.constant 0 : i32
      %dma_start3A_832 = tpu.memref_slice %arg5[%dma_start3A_830, %dma_start3A_831, %multiple_of3A_813] : memref<2x8x1000000xf32, #tpu.memory_space<hbm>> -> memref<2x8x128xf32, #tpu.memory_space<hbm>>
      tpu.enqueue_dma source(%dma_start3A_832 : memref<2x8x128xf32, #tpu.memory_space<hbm>>) target(%dma_start3A_829 : memref<2x8x128xf32, #tpu.memory_space<vmem>>) target_semaphore(%arg22 : memref<!tpu.dma_semaphore, #tpu.memory_space<semaphore_mem>>)
      %dma_start3A_833 = arith.constant 0 : i32
      %dma_start3A_834 = arith.constant 0 : i32
      %dma_start3A_835 = arith.constant 1536 : i32
      %dma_start3A_836 = tpu.memref_slice %arg17[%dma_start3A_833, %dma_start3A_834, %dma_start3A_835] : memref<2x8x2048xf32, #tpu.memory_space<vmem>> -> memref<2x8x128xf32, #tpu.memory_space<vmem>>
      %dma_start3A_837 = arith.constant 0 : i32
      %dma_start3A_838 = arith.constant 0 : i32
      %dma_start3A_839 = tpu.memref_slice %arg6[%dma_start3A_837, %dma_start3A_838, %multiple_of3A_818] : memref<2x8x1000000xf32, #tpu.memory_space<hbm>> -> memref<2x8x128xf32, #tpu.memory_space<hbm>>
      %dma_start3A_840 = arith.constant 0 : i32
      %dma_start3A_841 = arith.constant 0 : i32
      %dma_start3A_842 = arith.constant 1536 : i32
      %dma_start3A_843 = tpu.memref_slice %arg17[%dma_start3A_840, %dma_start3A_841, %dma_start3A_842] : memref<2x8x2048xf32, #tpu.memory_space<vmem>> -> memref<2x8x128xf32, #tpu.memory_space<vmem>>
      %dma_start3A_844 = arith.constant 0 : i32
      %dma_start3A_845 = arith.constant 0 : i32
      %dma_start3A_846 = tpu.memref_slice %arg6[%dma_start3A_844, %dma_start3A_845, %multiple_of3A_818] : memref<2x8x1000000xf32, #tpu.memory_space<hbm>> -> memref<2x8x128xf32, #tpu.memory_space<hbm>>
      tpu.enqueue_dma source(%dma_start3A_846 : memref<2x8x128xf32, #tpu.memory_space<hbm>>) target(%dma_start3A_843 : memref<2x8x128xf32, #tpu.memory_space<vmem>>) target_semaphore(%arg22 : memref<!tpu.dma_semaphore, #tpu.memory_space<semaphore_mem>>)
      %dma_start3A_847 = arith.constant 0 : i32
      %dma_start3A_848 = arith.constant 1536 : i32
      %dma_start3A_849 = tpu.memref_slice %arg18[%dma_start3A_847, %dma_start3A_848] : memref<1x2048xf32, #tpu.memory_space<vmem>> -> memref<1x128xf32, #tpu.memory_space<vmem>>
      %dma_start3A_850 = arith.constant 0 : i32
      %dma_start3A_851 = tpu.memref_slice %arg7[%dma_start3A_850, %multiple_of3A_813] : memref<1x1000000xf32, #tpu.memory_space<hbm>> -> memref<1x128xf32, #tpu.memory_space<hbm>>
      %dma_start3A_852 = arith.constant 0 : i32
      %dma_start3A_853 = arith.constant 1536 : i32
      %dma_start3A_854 = tpu.memref_slice %arg18[%dma_start3A_852, %dma_start3A_853] : memref<1x2048xf32, #tpu.memory_space<vmem>> -> memref<1x128xf32, #tpu.memory_space<vmem>>
      %dma_start3A_855 = arith.constant 0 : i32
      %dma_start3A_856 = tpu.memref_slice %arg7[%dma_start3A_855, %multiple_of3A_813] : memref<1x1000000xf32, #tpu.memory_space<hbm>> -> memref<1x128xf32, #tpu.memory_space<hbm>>
      tpu.enqueue_dma source(%dma_start3A_856 : memref<1x128xf32, #tpu.memory_space<hbm>>) target(%dma_start3A_854 : memref<1x128xf32, #tpu.memory_space<vmem>>) target_semaphore(%arg23 : memref<!tpu.dma_semaphore, #tpu.memory_space<semaphore_mem>>)
      %dma_start3A_857 = arith.constant 0 : i32
      %dma_start3A_858 = arith.constant 1536 : i32
      %dma_start3A_859 = tpu.memref_slice %arg19[%dma_start3A_857, %dma_start3A_858] : memref<1x2048xf32, #tpu.memory_space<vmem>> -> memref<1x128xf32, #tpu.memory_space<vmem>>
      %dma_start3A_860 = arith.constant 0 : i32
      %dma_start3A_861 = tpu.memref_slice %arg8[%dma_start3A_860, %multiple_of3A_818] : memref<1x1000000xf32, #tpu.memory_space<hbm>> -> memref<1x128xf32, #tpu.memory_space<hbm>>
      %dma_start3A_862 = arith.constant 0 : i32
      %dma_start3A_863 = arith.constant 1536 : i32
      %dma_start3A_864 = tpu.memref_slice %arg19[%dma_start3A_862, %dma_start3A_863] : memref<1x2048xf32, #tpu.memory_space<vmem>> -> memref<1x128xf32, #tpu.memory_space<vmem>>
      %dma_start3A_865 = arith.constant 0 : i32
      %dma_start3A_866 = tpu.memref_slice %arg8[%dma_start3A_865, %multiple_of3A_818] : memref<1x1000000xf32, #tpu.memory_space<hbm>> -> memref<1x128xf32, #tpu.memory_space<hbm>>
      tpu.enqueue_dma source(%dma_start3A_866 : memref<1x128xf32, #tpu.memory_space<hbm>>) target(%dma_start3A_864 : memref<1x128xf32, #tpu.memory_space<vmem>>) target_semaphore(%arg23 : memref<!tpu.dma_semaphore, #tpu.memory_space<semaphore_mem>>)
      %slice3A_867 = vector.extract_strided_slice %get3A_63 {offsets = [13], sizes = [1], strides = [1]} : vector<16xi32> to vector<1xi32>
      %squeeze3A_868 = vector.extract %slice3A_867[0] : i32 from vector<1xi32>
      %slice3A_869 = vector.extract_strided_slice %get3A_66 {offsets = [13], sizes = [1], strides = [1]} : vector<16xi32> to vector<1xi32>
      %squeeze3A_870 = vector.extract %slice3A_869[0] : i32 from vector<1xi32>
      %shift_right_logical3A_871 = arith.constant 7 : i32
      %shift_right_logical3A_872 = arith.shrui %squeeze3A_868, %shift_right_logical3A_871 : i32
      %shift_left3A_873 = arith.constant 7 : i32
      %shift_left3A_874 = arith.shli %shift_right_logical3A_872, %shift_left3A_873 : i32
      %multiple_of3A_875 = tpu.assume_multiple %shift_left3A_874, 128 : i32
      %shift_right_logical3A_876 = arith.constant 7 : i32
      %shift_right_logical3A_877 = arith.shrui %squeeze3A_870, %shift_right_logical3A_876 : i32
      %shift_left3A_878 = arith.constant 7 : i32
      %shift_left3A_879 = arith.shli %shift_right_logical3A_877, %shift_left3A_878 : i32
      %multiple_of3A_880 = tpu.assume_multiple %shift_left3A_879, 128 : i32
      %dma_start3A_881 = arith.constant 0 : i32
      %dma_start3A_882 = arith.constant 0 : i32
      %dma_start3A_883 = arith.constant 1664 : i32
      %dma_start3A_884 = tpu.memref_slice %arg16[%dma_start3A_881, %dma_start3A_882, %dma_start3A_883] : memref<2x8x2048xf32, #tpu.memory_space<vmem>> -> memref<2x8x128xf32, #tpu.memory_space<vmem>>
      %dma_start3A_885 = arith.constant 0 : i32
      %dma_start3A_886 = arith.constant 0 : i32
      %dma_start3A_887 = tpu.memref_slice %arg5[%dma_start3A_885, %dma_start3A_886, %multiple_of3A_875] : memref<2x8x1000000xf32, #tpu.memory_space<hbm>> -> memref<2x8x128xf32, #tpu.memory_space<hbm>>
      %dma_start3A_888 = arith.constant 0 : i32
      %dma_start3A_889 = arith.constant 0 : i32
      %dma_start3A_890 = arith.constant 1664 : i32
      %dma_start3A_891 = tpu.memref_slice %arg16[%dma_start3A_888, %dma_start3A_889, %dma_start3A_890] : memref<2x8x2048xf32, #tpu.memory_space<vmem>> -> memref<2x8x128xf32, #tpu.memory_space<vmem>>
      %dma_start3A_892 = arith.constant 0 : i32
      %dma_start3A_893 = arith.constant 0 : i32
      %dma_start3A_894 = tpu.memref_slice %arg5[%dma_start3A_892, %dma_start3A_893, %multiple_of3A_875] : memref<2x8x1000000xf32, #tpu.memory_space<hbm>> -> memref<2x8x128xf32, #tpu.memory_space<hbm>>
      tpu.enqueue_dma source(%dma_start3A_894 : memref<2x8x128xf32, #tpu.memory_space<hbm>>) target(%dma_start3A_891 : memref<2x8x128xf32, #tpu.memory_space<vmem>>) target_semaphore(%arg22 : memref<!tpu.dma_semaphore, #tpu.memory_space<semaphore_mem>>)
      %dma_start3A_895 = arith.constant 0 : i32
      %dma_start3A_896 = arith.constant 0 : i32
      %dma_start3A_897 = arith.constant 1664 : i32
      %dma_start3A_898 = tpu.memref_slice %arg17[%dma_start3A_895, %dma_start3A_896, %dma_start3A_897] : memref<2x8x2048xf32, #tpu.memory_space<vmem>> -> memref<2x8x128xf32, #tpu.memory_space<vmem>>
      %dma_start3A_899 = arith.constant 0 : i32
      %dma_start3A_900 = arith.constant 0 : i32
      %dma_start3A_901 = tpu.memref_slice %arg6[%dma_start3A_899, %dma_start3A_900, %multiple_of3A_880] : memref<2x8x1000000xf32, #tpu.memory_space<hbm>> -> memref<2x8x128xf32, #tpu.memory_space<hbm>>
      %dma_start3A_902 = arith.constant 0 : i32
      %dma_start3A_903 = arith.constant 0 : i32
      %dma_start3A_904 = arith.constant 1664 : i32
      %dma_start3A_905 = tpu.memref_slice %arg17[%dma_start3A_902, %dma_start3A_903, %dma_start3A_904] : memref<2x8x2048xf32, #tpu.memory_space<vmem>> -> memref<2x8x128xf32, #tpu.memory_space<vmem>>
      %dma_start3A_906 = arith.constant 0 : i32
      %dma_start3A_907 = arith.constant 0 : i32
      %dma_start3A_908 = tpu.memref_slice %arg6[%dma_start3A_906, %dma_start3A_907, %multiple_of3A_880] : memref<2x8x1000000xf32, #tpu.memory_space<hbm>> -> memref<2x8x128xf32, #tpu.memory_space<hbm>>
      tpu.enqueue_dma source(%dma_start3A_908 : memref<2x8x128xf32, #tpu.memory_space<hbm>>) target(%dma_start3A_905 : memref<2x8x128xf32, #tpu.memory_space<vmem>>) target_semaphore(%arg22 : memref<!tpu.dma_semaphore, #tpu.memory_space<semaphore_mem>>)
      %dma_start3A_909 = arith.constant 0 : i32
      %dma_start3A_910 = arith.constant 1664 : i32
      %dma_start3A_911 = tpu.memref_slice %arg18[%dma_start3A_909, %dma_start3A_910] : memref<1x2048xf32, #tpu.memory_space<vmem>> -> memref<1x128xf32, #tpu.memory_space<vmem>>
      %dma_start3A_912 = arith.constant 0 : i32
      %dma_start3A_913 = tpu.memref_slice %arg7[%dma_start3A_912, %multiple_of3A_875] : memref<1x1000000xf32, #tpu.memory_space<hbm>> -> memref<1x128xf32, #tpu.memory_space<hbm>>
      %dma_start3A_914 = arith.constant 0 : i32
      %dma_start3A_915 = arith.constant 1664 : i32
      %dma_start3A_916 = tpu.memref_slice %arg18[%dma_start3A_914, %dma_start3A_915] : memref<1x2048xf32, #tpu.memory_space<vmem>> -> memref<1x128xf32, #tpu.memory_space<vmem>>
      %dma_start3A_917 = arith.constant 0 : i32
      %dma_start3A_918 = tpu.memref_slice %arg7[%dma_start3A_917, %multiple_of3A_875] : memref<1x1000000xf32, #tpu.memory_space<hbm>> -> memref<1x128xf32, #tpu.memory_space<hbm>>
      tpu.enqueue_dma source(%dma_start3A_918 : memref<1x128xf32, #tpu.memory_space<hbm>>) target(%dma_start3A_916 : memref<1x128xf32, #tpu.memory_space<vmem>>) target_semaphore(%arg23 : memref<!tpu.dma_semaphore, #tpu.memory_space<semaphore_mem>>)
      %dma_start3A_919 = arith.constant 0 : i32
      %dma_start3A_920 = arith.constant 1664 : i32
      %dma_start3A_921 = tpu.memref_slice %arg19[%dma_start3A_919, %dma_start3A_920] : memref<1x2048xf32, #tpu.memory_space<vmem>> -> memref<1x128xf32, #tpu.memory_space<vmem>>
      %dma_start3A_922 = arith.constant 0 : i32
      %dma_start3A_923 = tpu.memref_slice %arg8[%dma_start3A_922, %multiple_of3A_880] : memref<1x1000000xf32, #tpu.memory_space<hbm>> -> memref<1x128xf32, #tpu.memory_space<hbm>>
      %dma_start3A_924 = arith.constant 0 : i32
      %dma_start3A_925 = arith.constant 1664 : i32
      %dma_start3A_926 = tpu.memref_slice %arg19[%dma_start3A_924, %dma_start3A_925] : memref<1x2048xf32, #tpu.memory_space<vmem>> -> memref<1x128xf32, #tpu.memory_space<vmem>>
      %dma_start3A_927 = arith.constant 0 : i32
      %dma_start3A_928 = tpu.memref_slice %arg8[%dma_start3A_927, %multiple_of3A_880] : memref<1x1000000xf32, #tpu.memory_space<hbm>> -> memref<1x128xf32, #tpu.memory_space<hbm>>
      tpu.enqueue_dma source(%dma_start3A_928 : memref<1x128xf32, #tpu.memory_space<hbm>>) target(%dma_start3A_926 : memref<1x128xf32, #tpu.memory_space<vmem>>) target_semaphore(%arg23 : memref<!tpu.dma_semaphore, #tpu.memory_space<semaphore_mem>>)
      %slice3A_929 = vector.extract_strided_slice %get3A_63 {offsets = [14], sizes = [1], strides = [1]} : vector<16xi32> to vector<1xi32>
      %squeeze3A_930 = vector.extract %slice3A_929[0] : i32 from vector<1xi32>
      %slice3A_931 = vector.extract_strided_slice %get3A_66 {offsets = [14], sizes = [1], strides = [1]} : vector<16xi32> to vector<1xi32>
      %squeeze3A_932 = vector.extract %slice3A_931[0] : i32 from vector<1xi32>
      %shift_right_logical3A_933 = arith.constant 7 : i32
      %shift_right_logical3A_934 = arith.shrui %squeeze3A_930, %shift_right_logical3A_933 : i32
      %shift_left3A_935 = arith.constant 7 : i32
      %shift_left3A_936 = arith.shli %shift_right_logical3A_934, %shift_left3A_935 : i32
      %multiple_of3A_937 = tpu.assume_multiple %shift_left3A_936, 128 : i32
      %shift_right_logical3A_938 = arith.constant 7 : i32
      %shift_right_logical3A_939 = arith.shrui %squeeze3A_932, %shift_right_logical3A_938 : i32
      %shift_left3A_940 = arith.constant 7 : i32
      %shift_left3A_941 = arith.shli %shift_right_logical3A_939, %shift_left3A_940 : i32
      %multiple_of3A_942 = tpu.assume_multiple %shift_left3A_941, 128 : i32
      %dma_start3A_943 = arith.constant 0 : i32
      %dma_start3A_944 = arith.constant 0 : i32
      %dma_start3A_945 = arith.constant 1792 : i32
      %dma_start3A_946 = tpu.memref_slice %arg16[%dma_start3A_943, %dma_start3A_944, %dma_start3A_945] : memref<2x8x2048xf32, #tpu.memory_space<vmem>> -> memref<2x8x128xf32, #tpu.memory_space<vmem>>
      %dma_start3A_947 = arith.constant 0 : i32
      %dma_start3A_948 = arith.constant 0 : i32
      %dma_start3A_949 = tpu.memref_slice %arg5[%dma_start3A_947, %dma_start3A_948, %multiple_of3A_937] : memref<2x8x1000000xf32, #tpu.memory_space<hbm>> -> memref<2x8x128xf32, #tpu.memory_space<hbm>>
      %dma_start3A_950 = arith.constant 0 : i32
      %dma_start3A_951 = arith.constant 0 : i32
      %dma_start3A_952 = arith.constant 1792 : i32
      %dma_start3A_953 = tpu.memref_slice %arg16[%dma_start3A_950, %dma_start3A_951, %dma_start3A_952] : memref<2x8x2048xf32, #tpu.memory_space<vmem>> -> memref<2x8x128xf32, #tpu.memory_space<vmem>>
      %dma_start3A_954 = arith.constant 0 : i32
      %dma_start3A_955 = arith.constant 0 : i32
      %dma_start3A_956 = tpu.memref_slice %arg5[%dma_start3A_954, %dma_start3A_955, %multiple_of3A_937] : memref<2x8x1000000xf32, #tpu.memory_space<hbm>> -> memref<2x8x128xf32, #tpu.memory_space<hbm>>
      tpu.enqueue_dma source(%dma_start3A_956 : memref<2x8x128xf32, #tpu.memory_space<hbm>>) target(%dma_start3A_953 : memref<2x8x128xf32, #tpu.memory_space<vmem>>) target_semaphore(%arg22 : memref<!tpu.dma_semaphore, #tpu.memory_space<semaphore_mem>>)
      %dma_start3A_957 = arith.constant 0 : i32
      %dma_start3A_958 = arith.constant 0 : i32
      %dma_start3A_959 = arith.constant 1792 : i32
      %dma_start3A_960 = tpu.memref_slice %arg17[%dma_start3A_957, %dma_start3A_958, %dma_start3A_959] : memref<2x8x2048xf32, #tpu.memory_space<vmem>> -> memref<2x8x128xf32, #tpu.memory_space<vmem>>
      %dma_start3A_961 = arith.constant 0 : i32
      %dma_start3A_962 = arith.constant 0 : i32
      %dma_start3A_963 = tpu.memref_slice %arg6[%dma_start3A_961, %dma_start3A_962, %multiple_of3A_942] : memref<2x8x1000000xf32, #tpu.memory_space<hbm>> -> memref<2x8x128xf32, #tpu.memory_space<hbm>>
      %dma_start3A_964 = arith.constant 0 : i32
      %dma_start3A_965 = arith.constant 0 : i32
      %dma_start3A_966 = arith.constant 1792 : i32
      %dma_start3A_967 = tpu.memref_slice %arg17[%dma_start3A_964, %dma_start3A_965, %dma_start3A_966] : memref<2x8x2048xf32, #tpu.memory_space<vmem>> -> memref<2x8x128xf32, #tpu.memory_space<vmem>>
      %dma_start3A_968 = arith.constant 0 : i32
      %dma_start3A_969 = arith.constant 0 : i32
      %dma_start3A_970 = tpu.memref_slice %arg6[%dma_start3A_968, %dma_start3A_969, %multiple_of3A_942] : memref<2x8x1000000xf32, #tpu.memory_space<hbm>> -> memref<2x8x128xf32, #tpu.memory_space<hbm>>
      tpu.enqueue_dma source(%dma_start3A_970 : memref<2x8x128xf32, #tpu.memory_space<hbm>>) target(%dma_start3A_967 : memref<2x8x128xf32, #tpu.memory_space<vmem>>) target_semaphore(%arg22 : memref<!tpu.dma_semaphore, #tpu.memory_space<semaphore_mem>>)
      %dma_start3A_971 = arith.constant 0 : i32
      %dma_start3A_972 = arith.constant 1792 : i32
      %dma_start3A_973 = tpu.memref_slice %arg18[%dma_start3A_971, %dma_start3A_972] : memref<1x2048xf32, #tpu.memory_space<vmem>> -> memref<1x128xf32, #tpu.memory_space<vmem>>
      %dma_start3A_974 = arith.constant 0 : i32
      %dma_start3A_975 = tpu.memref_slice %arg7[%dma_start3A_974, %multiple_of3A_937] : memref<1x1000000xf32, #tpu.memory_space<hbm>> -> memref<1x128xf32, #tpu.memory_space<hbm>>
      %dma_start3A_976 = arith.constant 0 : i32
      %dma_start3A_977 = arith.constant 1792 : i32
      %dma_start3A_978 = tpu.memref_slice %arg18[%dma_start3A_976, %dma_start3A_977] : memref<1x2048xf32, #tpu.memory_space<vmem>> -> memref<1x128xf32, #tpu.memory_space<vmem>>
      %dma_start3A_979 = arith.constant 0 : i32
      %dma_start3A_980 = tpu.memref_slice %arg7[%dma_start3A_979, %multiple_of3A_937] : memref<1x1000000xf32, #tpu.memory_space<hbm>> -> memref<1x128xf32, #tpu.memory_space<hbm>>
      tpu.enqueue_dma source(%dma_start3A_980 : memref<1x128xf32, #tpu.memory_space<hbm>>) target(%dma_start3A_978 : memref<1x128xf32, #tpu.memory_space<vmem>>) target_semaphore(%arg23 : memref<!tpu.dma_semaphore, #tpu.memory_space<semaphore_mem>>)
      %dma_start3A_981 = arith.constant 0 : i32
      %dma_start3A_982 = arith.constant 1792 : i32
      %dma_start3A_983 = tpu.memref_slice %arg19[%dma_start3A_981, %dma_start3A_982] : memref<1x2048xf32, #tpu.memory_space<vmem>> -> memref<1x128xf32, #tpu.memory_space<vmem>>
      %dma_start3A_984 = arith.constant 0 : i32
      %dma_start3A_985 = tpu.memref_slice %arg8[%dma_start3A_984, %multiple_of3A_942] : memref<1x1000000xf32, #tpu.memory_space<hbm>> -> memref<1x128xf32, #tpu.memory_space<hbm>>
      %dma_start3A_986 = arith.constant 0 : i32
      %dma_start3A_987 = arith.constant 1792 : i32
      %dma_start3A_988 = tpu.memref_slice %arg19[%dma_start3A_986, %dma_start3A_987] : memref<1x2048xf32, #tpu.memory_space<vmem>> -> memref<1x128xf32, #tpu.memory_space<vmem>>
      %dma_start3A_989 = arith.constant 0 : i32
      %dma_start3A_990 = tpu.memref_slice %arg8[%dma_start3A_989, %multiple_of3A_942] : memref<1x1000000xf32, #tpu.memory_space<hbm>> -> memref<1x128xf32, #tpu.memory_space<hbm>>
      tpu.enqueue_dma source(%dma_start3A_990 : memref<1x128xf32, #tpu.memory_space<hbm>>) target(%dma_start3A_988 : memref<1x128xf32, #tpu.memory_space<vmem>>) target_semaphore(%arg23 : memref<!tpu.dma_semaphore, #tpu.memory_space<semaphore_mem>>)
      %slice3A_991 = vector.extract_strided_slice %get3A_63 {offsets = [15], sizes = [1], strides = [1]} : vector<16xi32> to vector<1xi32>
      %squeeze3A_992 = vector.extract %slice3A_991[0] : i32 from vector<1xi32>
      %slice3A_993 = vector.extract_strided_slice %get3A_66 {offsets = [15], sizes = [1], strides = [1]} : vector<16xi32> to vector<1xi32>
      %squeeze3A_994 = vector.extract %slice3A_993[0] : i32 from vector<1xi32>
      %shift_right_logical3A_995 = arith.constant 7 : i32
      %shift_right_logical3A_996 = arith.shrui %squeeze3A_992, %shift_right_logical3A_995 : i32
      %shift_left3A_997 = arith.constant 7 : i32
      %shift_left3A_998 = arith.shli %shift_right_logical3A_996, %shift_left3A_997 : i32
      %multiple_of3A_999 = tpu.assume_multiple %shift_left3A_998, 128 : i32
      %shift_right_logical3A_1000 = arith.constant 7 : i32
      %shift_right_logical3A_1001 = arith.shrui %squeeze3A_994, %shift_right_logical3A_1000 : i32
      %shift_left3A_1002 = arith.constant 7 : i32
      %shift_left3A_1003 = arith.shli %shift_right_logical3A_1001, %shift_left3A_1002 : i32
      %multiple_of3A_1004 = tpu.assume_multiple %shift_left3A_1003, 128 : i32
      %dma_start3A_1005 = arith.constant 0 : i32
      %dma_start3A_1006 = arith.constant 0 : i32
      %dma_start3A_1007 = arith.constant 1920 : i32
      %dma_start3A_1008 = tpu.memref_slice %arg16[%dma_start3A_1005, %dma_start3A_1006, %dma_start3A_1007] : memref<2x8x2048xf32, #tpu.memory_space<vmem>> -> memref<2x8x128xf32, #tpu.memory_space<vmem>>
      %dma_start3A_1009 = arith.constant 0 : i32
      %dma_start3A_1010 = arith.constant 0 : i32
      %dma_start3A_1011 = tpu.memref_slice %arg5[%dma_start3A_1009, %dma_start3A_1010, %multiple_of3A_999] : memref<2x8x1000000xf32, #tpu.memory_space<hbm>> -> memref<2x8x128xf32, #tpu.memory_space<hbm>>
      %dma_start3A_1012 = arith.constant 0 : i32
      %dma_start3A_1013 = arith.constant 0 : i32
      %dma_start3A_1014 = arith.constant 1920 : i32
      %dma_start3A_1015 = tpu.memref_slice %arg16[%dma_start3A_1012, %dma_start3A_1013, %dma_start3A_1014] : memref<2x8x2048xf32, #tpu.memory_space<vmem>> -> memref<2x8x128xf32, #tpu.memory_space<vmem>>
      %dma_start3A_1016 = arith.constant 0 : i32
      %dma_start3A_1017 = arith.constant 0 : i32
      %dma_start3A_1018 = tpu.memref_slice %arg5[%dma_start3A_1016, %dma_start3A_1017, %multiple_of3A_999] : memref<2x8x1000000xf32, #tpu.memory_space<hbm>> -> memref<2x8x128xf32, #tpu.memory_space<hbm>>
      tpu.enqueue_dma source(%dma_start3A_1018 : memref<2x8x128xf32, #tpu.memory_space<hbm>>) target(%dma_start3A_1015 : memref<2x8x128xf32, #tpu.memory_space<vmem>>) target_semaphore(%arg22 : memref<!tpu.dma_semaphore, #tpu.memory_space<semaphore_mem>>)
      %dma_start3A_1019 = arith.constant 0 : i32
      %dma_start3A_1020 = arith.constant 0 : i32
      %dma_start3A_1021 = arith.constant 1920 : i32
      %dma_start3A_1022 = tpu.memref_slice %arg17[%dma_start3A_1019, %dma_start3A_1020, %dma_start3A_1021] : memref<2x8x2048xf32, #tpu.memory_space<vmem>> -> memref<2x8x128xf32, #tpu.memory_space<vmem>>
      %dma_start3A_1023 = arith.constant 0 : i32
      %dma_start3A_1024 = arith.constant 0 : i32
      %dma_start3A_1025 = tpu.memref_slice %arg6[%dma_start3A_1023, %dma_start3A_1024, %multiple_of3A_1004] : memref<2x8x1000000xf32, #tpu.memory_space<hbm>> -> memref<2x8x128xf32, #tpu.memory_space<hbm>>
      %dma_start3A_1026 = arith.constant 0 : i32
      %dma_start3A_1027 = arith.constant 0 : i32
      %dma_start3A_1028 = arith.constant 1920 : i32
      %dma_start3A_1029 = tpu.memref_slice %arg17[%dma_start3A_1026, %dma_start3A_1027, %dma_start3A_1028] : memref<2x8x2048xf32, #tpu.memory_space<vmem>> -> memref<2x8x128xf32, #tpu.memory_space<vmem>>
      %dma_start3A_1030 = arith.constant 0 : i32
      %dma_start3A_1031 = arith.constant 0 : i32
      %dma_start3A_1032 = tpu.memref_slice %arg6[%dma_start3A_1030, %dma_start3A_1031, %multiple_of3A_1004] : memref<2x8x1000000xf32, #tpu.memory_space<hbm>> -> memref<2x8x128xf32, #tpu.memory_space<hbm>>
      tpu.enqueue_dma source(%dma_start3A_1032 : memref<2x8x128xf32, #tpu.memory_space<hbm>>) target(%dma_start3A_1029 : memref<2x8x128xf32, #tpu.memory_space<vmem>>) target_semaphore(%arg22 : memref<!tpu.dma_semaphore, #tpu.memory_space<semaphore_mem>>)
      %dma_start3A_1033 = arith.constant 0 : i32
      %dma_start3A_1034 = arith.constant 1920 : i32
      %dma_start3A_1035 = tpu.memref_slice %arg18[%dma_start3A_1033, %dma_start3A_1034] : memref<1x2048xf32, #tpu.memory_space<vmem>> -> memref<1x128xf32, #tpu.memory_space<vmem>>
      %dma_start3A_1036 = arith.constant 0 : i32
      %dma_start3A_1037 = tpu.memref_slice %arg7[%dma_start3A_1036, %multiple_of3A_999] : memref<1x1000000xf32, #tpu.memory_space<hbm>> -> memref<1x128xf32, #tpu.memory_space<hbm>>
      %dma_start3A_1038 = arith.constant 0 : i32
      %dma_start3A_1039 = arith.constant 1920 : i32
      %dma_start3A_1040 = tpu.memref_slice %arg18[%dma_start3A_1038, %dma_start3A_1039] : memref<1x2048xf32, #tpu.memory_space<vmem>> -> memref<1x128xf32, #tpu.memory_space<vmem>>
      %dma_start3A_1041 = arith.constant 0 : i32
      %dma_start3A_1042 = tpu.memref_slice %arg7[%dma_start3A_1041, %multiple_of3A_999] : memref<1x1000000xf32, #tpu.memory_space<hbm>> -> memref<1x128xf32, #tpu.memory_space<hbm>>
      tpu.enqueue_dma source(%dma_start3A_1042 : memref<1x128xf32, #tpu.memory_space<hbm>>) target(%dma_start3A_1040 : memref<1x128xf32, #tpu.memory_space<vmem>>) target_semaphore(%arg23 : memref<!tpu.dma_semaphore, #tpu.memory_space<semaphore_mem>>)
      %dma_start3A_1043 = arith.constant 0 : i32
      %dma_start3A_1044 = arith.constant 1920 : i32
      %dma_start3A_1045 = tpu.memref_slice %arg19[%dma_start3A_1043, %dma_start3A_1044] : memref<1x2048xf32, #tpu.memory_space<vmem>> -> memref<1x128xf32, #tpu.memory_space<vmem>>
      %dma_start3A_1046 = arith.constant 0 : i32
      %dma_start3A_1047 = tpu.memref_slice %arg8[%dma_start3A_1046, %multiple_of3A_1004] : memref<1x1000000xf32, #tpu.memory_space<hbm>> -> memref<1x128xf32, #tpu.memory_space<hbm>>
      %dma_start3A_1048 = arith.constant 0 : i32
      %dma_start3A_1049 = arith.constant 1920 : i32
      %dma_start3A_1050 = tpu.memref_slice %arg19[%dma_start3A_1048, %dma_start3A_1049] : memref<1x2048xf32, #tpu.memory_space<vmem>> -> memref<1x128xf32, #tpu.memory_space<vmem>>
      %dma_start3A_1051 = arith.constant 0 : i32
      %dma_start3A_1052 = tpu.memref_slice %arg8[%dma_start3A_1051, %multiple_of3A_1004] : memref<1x1000000xf32, #tpu.memory_space<hbm>> -> memref<1x128xf32, #tpu.memory_space<hbm>>
      tpu.enqueue_dma source(%dma_start3A_1052 : memref<1x128xf32, #tpu.memory_space<hbm>>) target(%dma_start3A_1050 : memref<1x128xf32, #tpu.memory_space<vmem>>) target_semaphore(%arg23 : memref<!tpu.dma_semaphore, #tpu.memory_space<semaphore_mem>>)
      tpu.wait_dma2 semaphore(%arg22 : memref<!tpu.dma_semaphore, #tpu.memory_space<semaphore_mem>>) src(%arg10 : memref<2x8x2048xf32, #tpu.memory_space<hbm>>) dst(%arg16 : memref<2x8x2048xf32, #tpu.memory_space<vmem>>)
      tpu.wait_dma2 semaphore(%arg22 : memref<!tpu.dma_semaphore, #tpu.memory_space<semaphore_mem>>) src(%arg10 : memref<2x8x2048xf32, #tpu.memory_space<hbm>>) dst(%arg17 : memref<2x8x2048xf32, #tpu.memory_space<vmem>>)
      tpu.wait_dma2 semaphore(%arg23 : memref<!tpu.dma_semaphore, #tpu.memory_space<semaphore_mem>>) src(%arg11 : memref<1x2048xf32, #tpu.memory_space<hbm>>) dst(%arg18 : memref<1x2048xf32, #tpu.memory_space<vmem>>)
      tpu.wait_dma2 semaphore(%arg23 : memref<!tpu.dma_semaphore, #tpu.memory_space<semaphore_mem>>) src(%arg11 : memref<1x2048xf32, #tpu.memory_space<hbm>>) dst(%arg19 : memref<1x2048xf32, #tpu.memory_space<vmem>>)
      %mul3A_1053 = arith.constant 128 : i32
      %mul3A_1054 = vector.broadcast %mul3A_1053 : i32 to vector<16xi32>
      %mul3A_1055 = arith.muli %iota3A, %mul3A_1054 : vector<16xi32>
      %and3A_1056 = arith.constant 127 : i32
      %and3A_1057 = vector.broadcast %and3A_1056 : i32 to vector<16xi32>
      %and3A_1058 = arith.andi %get3A_63, %and3A_1057 : vector<16xi32>
      %add3A_1059 = arith.addi %mul3A_1055, %and3A_1058 : vector<16xi32>
      %and3A_1060 = arith.constant 127 : i32
      %and3A_1061 = vector.broadcast %and3A_1060 : i32 to vector<16xi32>
      %and3A_1062 = arith.andi %get3A_66, %and3A_1061 : vector<16xi32>
      %add3A_1063 = arith.addi %mul3A_1055, %and3A_1062 : vector<16xi32>
      %broadcast_in_dim3A_1064 = arith.constant 0 : i32
      %broadcast_in_dim3A_1065 = vector.broadcast %broadcast_in_dim3A_1064 : i32 to vector<16xi32>
      %broadcast_in_dim3A_1066 = arith.constant 0 : i32
      %broadcast_in_dim3A_1067 = vector.broadcast %broadcast_in_dim3A_1066 : i32 to vector<16xi32>
      %broadcast_in_dim3A_1068 = arith.constant 0 : i32
      %broadcast_in_dim3A_1069 = vector.broadcast %broadcast_in_dim3A_1068 : i32 to vector<16xi32>
      %gather3A = tpu.vector_load_idx %arg16[%broadcast_in_dim3A_1067, %broadcast_in_dim3A_1069, %add3A_1059] : memref<2x8x2048xf32, #tpu.memory_space<vmem>>[vector<16xi32>, vector<16xi32>, vector<16xi32>], vector<16xf32>,
      %gather3A_1070 = tpu.vector_load_idx %arg17[%broadcast_in_dim3A_1067, %broadcast_in_dim3A_1069, %add3A_1063] : memref<2x8x2048xf32, #tpu.memory_space<vmem>>[vector<16xi32>, vector<16xi32>, vector<16xi32>], vector<16xf32>,
      %mul3A_1071 = arith.mulf %gather3A, %gather3A_1070 : vector<16xf32>
      %add3A_1072 = arith.addf %broadcast_in_dim3A_2, %mul3A_1071 : vector<16xf32>
      %mul3A_1073 = arith.mulf %gather3A, %gather3A : vector<16xf32>
      %add3A_1074 = arith.addf %scan3A_36, %mul3A_1073 : vector<16xf32>
      %mul3A_1075 = arith.mulf %gather3A_1070, %gather3A_1070 : vector<16xf32>
      %add3A_1076 = arith.addf %scan3A_37, %mul3A_1075 : vector<16xf32>
      %broadcast_in_dim3A_1077 = arith.constant 0 : i32
      %broadcast_in_dim3A_1078 = vector.broadcast %broadcast_in_dim3A_1077 : i32 to vector<16xi32>
      %broadcast_in_dim3A_1079 = arith.constant 1 : i32
      %broadcast_in_dim3A_1080 = vector.broadcast %broadcast_in_dim3A_1079 : i32 to vector<16xi32>
      %gather3A_1081 = tpu.vector_load_idx %arg16[%broadcast_in_dim3A_1078, %broadcast_in_dim3A_1080, %add3A_1059] : memref<2x8x2048xf32, #tpu.memory_space<vmem>>[vector<16xi32>, vector<16xi32>, vector<16xi32>], vector<16xf32>,
      %gather3A_1082 = tpu.vector_load_idx %arg17[%broadcast_in_dim3A_1078, %broadcast_in_dim3A_1080, %add3A_1063] : memref<2x8x2048xf32, #tpu.memory_space<vmem>>[vector<16xi32>, vector<16xi32>, vector<16xi32>], vector<16xf32>,
      %mul3A_1083 = arith.mulf %gather3A_1081, %gather3A_1082 : vector<16xf32>
      %add3A_1084 = arith.addf %add3A_1072, %mul3A_1083 : vector<16xf32>
      %mul3A_1085 = arith.mulf %gather3A_1081, %gather3A_1081 : vector<16xf32>
      %add3A_1086 = arith.addf %add3A_1074, %mul3A_1085 : vector<16xf32>
      %mul3A_1087 = arith.mulf %gather3A_1082, %gather3A_1082 : vector<16xf32>
      %add3A_1088 = arith.addf %add3A_1076, %mul3A_1087 : vector<16xf32>
      %broadcast_in_dim3A_1089 = arith.constant 0 : i32
      %broadcast_in_dim3A_1090 = vector.broadcast %broadcast_in_dim3A_1089 : i32 to vector<16xi32>
      %broadcast_in_dim3A_1091 = arith.constant 2 : i32
      %broadcast_in_dim3A_1092 = vector.broadcast %broadcast_in_dim3A_1091 : i32 to vector<16xi32>
      %gather3A_1093 = tpu.vector_load_idx %arg16[%broadcast_in_dim3A_1090, %broadcast_in_dim3A_1092, %add3A_1059] : memref<2x8x2048xf32, #tpu.memory_space<vmem>>[vector<16xi32>, vector<16xi32>, vector<16xi32>], vector<16xf32>,
      %gather3A_1094 = tpu.vector_load_idx %arg17[%broadcast_in_dim3A_1090, %broadcast_in_dim3A_1092, %add3A_1063] : memref<2x8x2048xf32, #tpu.memory_space<vmem>>[vector<16xi32>, vector<16xi32>, vector<16xi32>], vector<16xf32>,
      %mul3A_1095 = arith.mulf %gather3A_1093, %gather3A_1094 : vector<16xf32>
      %add3A_1096 = arith.addf %add3A_1084, %mul3A_1095 : vector<16xf32>
      %mul3A_1097 = arith.mulf %gather3A_1093, %gather3A_1093 : vector<16xf32>
      %add3A_1098 = arith.addf %add3A_1086, %mul3A_1097 : vector<16xf32>
      %mul3A_1099 = arith.mulf %gather3A_1094, %gather3A_1094 : vector<16xf32>
      %add3A_1100 = arith.addf %add3A_1088, %mul3A_1099 : vector<16xf32>
      %broadcast_in_dim3A_1101 = arith.constant 0 : i32
      %broadcast_in_dim3A_1102 = vector.broadcast %broadcast_in_dim3A_1101 : i32 to vector<16xi32>
      %broadcast_in_dim3A_1103 = arith.constant 3 : i32
      %broadcast_in_dim3A_1104 = vector.broadcast %broadcast_in_dim3A_1103 : i32 to vector<16xi32>
      %gather3A_1105 = tpu.vector_load_idx %arg16[%broadcast_in_dim3A_1102, %broadcast_in_dim3A_1104, %add3A_1059] : memref<2x8x2048xf32, #tpu.memory_space<vmem>>[vector<16xi32>, vector<16xi32>, vector<16xi32>], vector<16xf32>,
      %gather3A_1106 = tpu.vector_load_idx %arg17[%broadcast_in_dim3A_1102, %broadcast_in_dim3A_1104, %add3A_1063] : memref<2x8x2048xf32, #tpu.memory_space<vmem>>[vector<16xi32>, vector<16xi32>, vector<16xi32>], vector<16xf32>,
      %mul3A_1107 = arith.mulf %gather3A_1105, %gather3A_1106 : vector<16xf32>
      %add3A_1108 = arith.addf %add3A_1096, %mul3A_1107 : vector<16xf32>
      %mul3A_1109 = arith.mulf %gather3A_1105, %gather3A_1105 : vector<16xf32>
      %add3A_1110 = arith.addf %add3A_1098, %mul3A_1109 : vector<16xf32>
      %mul3A_1111 = arith.mulf %gather3A_1106, %gather3A_1106 : vector<16xf32>
      %add3A_1112 = arith.addf %add3A_1100, %mul3A_1111 : vector<16xf32>
      %broadcast_in_dim3A_1113 = arith.constant 0 : i32
      %broadcast_in_dim3A_1114 = vector.broadcast %broadcast_in_dim3A_1113 : i32 to vector<16xi32>
      %broadcast_in_dim3A_1115 = arith.constant 4 : i32
      %broadcast_in_dim3A_1116 = vector.broadcast %broadcast_in_dim3A_1115 : i32 to vector<16xi32>
      %gather3A_1117 = tpu.vector_load_idx %arg16[%broadcast_in_dim3A_1114, %broadcast_in_dim3A_1116, %add3A_1059] : memref<2x8x2048xf32, #tpu.memory_space<vmem>>[vector<16xi32>, vector<16xi32>, vector<16xi32>], vector<16xf32>,
      %gather3A_1118 = tpu.vector_load_idx %arg17[%broadcast_in_dim3A_1114, %broadcast_in_dim3A_1116, %add3A_1063] : memref<2x8x2048xf32, #tpu.memory_space<vmem>>[vector<16xi32>, vector<16xi32>, vector<16xi32>], vector<16xf32>,
      %mul3A_1119 = arith.mulf %gather3A_1117, %gather3A_1118 : vector<16xf32>
      %add3A_1120 = arith.addf %add3A_1108, %mul3A_1119 : vector<16xf32>
      %mul3A_1121 = arith.mulf %gather3A_1117, %gather3A_1117 : vector<16xf32>
      %add3A_1122 = arith.addf %add3A_1110, %mul3A_1121 : vector<16xf32>
      %mul3A_1123 = arith.mulf %gather3A_1118, %gather3A_1118 : vector<16xf32>
      %add3A_1124 = arith.addf %add3A_1112, %mul3A_1123 : vector<16xf32>
      %broadcast_in_dim3A_1125 = arith.constant 0 : i32
      %broadcast_in_dim3A_1126 = vector.broadcast %broadcast_in_dim3A_1125 : i32 to vector<16xi32>
      %broadcast_in_dim3A_1127 = arith.constant 5 : i32
      %broadcast_in_dim3A_1128 = vector.broadcast %broadcast_in_dim3A_1127 : i32 to vector<16xi32>
      %gather3A_1129 = tpu.vector_load_idx %arg16[%broadcast_in_dim3A_1126, %broadcast_in_dim3A_1128, %add3A_1059] : memref<2x8x2048xf32, #tpu.memory_space<vmem>>[vector<16xi32>, vector<16xi32>, vector<16xi32>], vector<16xf32>,
      %gather3A_1130 = tpu.vector_load_idx %arg17[%broadcast_in_dim3A_1126, %broadcast_in_dim3A_1128, %add3A_1063] : memref<2x8x2048xf32, #tpu.memory_space<vmem>>[vector<16xi32>, vector<16xi32>, vector<16xi32>], vector<16xf32>,
      %mul3A_1131 = arith.mulf %gather3A_1129, %gather3A_1130 : vector<16xf32>
      %add3A_1132 = arith.addf %add3A_1120, %mul3A_1131 : vector<16xf32>
      %mul3A_1133 = arith.mulf %gather3A_1129, %gather3A_1129 : vector<16xf32>
      %add3A_1134 = arith.addf %add3A_1122, %mul3A_1133 : vector<16xf32>
      %mul3A_1135 = arith.mulf %gather3A_1130, %gather3A_1130 : vector<16xf32>
      %add3A_1136 = arith.addf %add3A_1124, %mul3A_1135 : vector<16xf32>
      %broadcast_in_dim3A_1137 = arith.constant 0 : i32
      %broadcast_in_dim3A_1138 = vector.broadcast %broadcast_in_dim3A_1137 : i32 to vector<16xi32>
      %broadcast_in_dim3A_1139 = arith.constant 6 : i32
      %broadcast_in_dim3A_1140 = vector.broadcast %broadcast_in_dim3A_1139 : i32 to vector<16xi32>
      %gather3A_1141 = tpu.vector_load_idx %arg16[%broadcast_in_dim3A_1138, %broadcast_in_dim3A_1140, %add3A_1059] : memref<2x8x2048xf32, #tpu.memory_space<vmem>>[vector<16xi32>, vector<16xi32>, vector<16xi32>], vector<16xf32>,
      %gather3A_1142 = tpu.vector_load_idx %arg17[%broadcast_in_dim3A_1138, %broadcast_in_dim3A_1140, %add3A_1063] : memref<2x8x2048xf32, #tpu.memory_space<vmem>>[vector<16xi32>, vector<16xi32>, vector<16xi32>], vector<16xf32>,
      %mul3A_1143 = arith.mulf %gather3A_1141, %gather3A_1142 : vector<16xf32>
      %add3A_1144 = arith.addf %add3A_1132, %mul3A_1143 : vector<16xf32>
      %mul3A_1145 = arith.mulf %gather3A_1141, %gather3A_1141 : vector<16xf32>
      %add3A_1146 = arith.addf %add3A_1134, %mul3A_1145 : vector<16xf32>
      %mul3A_1147 = arith.mulf %gather3A_1142, %gather3A_1142 : vector<16xf32>
      %add3A_1148 = arith.addf %add3A_1136, %mul3A_1147 : vector<16xf32>
      %broadcast_in_dim3A_1149 = arith.constant 0 : i32
      %broadcast_in_dim3A_1150 = vector.broadcast %broadcast_in_dim3A_1149 : i32 to vector<16xi32>
      %broadcast_in_dim3A_1151 = arith.constant 7 : i32
      %broadcast_in_dim3A_1152 = vector.broadcast %broadcast_in_dim3A_1151 : i32 to vector<16xi32>
      %gather3A_1153 = tpu.vector_load_idx %arg16[%broadcast_in_dim3A_1150, %broadcast_in_dim3A_1152, %add3A_1059] : memref<2x8x2048xf32, #tpu.memory_space<vmem>>[vector<16xi32>, vector<16xi32>, vector<16xi32>], vector<16xf32>,
      %gather3A_1154 = tpu.vector_load_idx %arg17[%broadcast_in_dim3A_1150, %broadcast_in_dim3A_1152, %add3A_1063] : memref<2x8x2048xf32, #tpu.memory_space<vmem>>[vector<16xi32>, vector<16xi32>, vector<16xi32>], vector<16xf32>,
      %mul3A_1155 = arith.mulf %gather3A_1153, %gather3A_1154 : vector<16xf32>
      %add3A_1156 = arith.addf %add3A_1144, %mul3A_1155 : vector<16xf32>
      %mul3A_1157 = arith.mulf %gather3A_1153, %gather3A_1153 : vector<16xf32>
      %add3A_1158 = arith.addf %add3A_1146, %mul3A_1157 : vector<16xf32>
      %mul3A_1159 = arith.mulf %gather3A_1154, %gather3A_1154 : vector<16xf32>
      %add3A_1160 = arith.addf %add3A_1148, %mul3A_1159 : vector<16xf32>
      %broadcast_in_dim3A_1161 = arith.constant 1 : i32
      %broadcast_in_dim3A_1162 = vector.broadcast %broadcast_in_dim3A_1161 : i32 to vector<16xi32>
      %broadcast_in_dim3A_1163 = arith.constant 0 : i32
      %broadcast_in_dim3A_1164 = vector.broadcast %broadcast_in_dim3A_1163 : i32 to vector<16xi32>
      %gather3A_1165 = tpu.vector_load_idx %arg16[%broadcast_in_dim3A_1162, %broadcast_in_dim3A_1164, %add3A_1059] : memref<2x8x2048xf32, #tpu.memory_space<vmem>>[vector<16xi32>, vector<16xi32>, vector<16xi32>], vector<16xf32>,
      %gather3A_1166 = tpu.vector_load_idx %arg17[%broadcast_in_dim3A_1162, %broadcast_in_dim3A_1164, %add3A_1063] : memref<2x8x2048xf32, #tpu.memory_space<vmem>>[vector<16xi32>, vector<16xi32>, vector<16xi32>], vector<16xf32>,
      %mul3A_1167 = arith.mulf %gather3A_1165, %gather3A_1166 : vector<16xf32>
      %add3A_1168 = arith.addf %add3A_1156, %mul3A_1167 : vector<16xf32>
      %mul3A_1169 = arith.mulf %gather3A_1165, %gather3A_1165 : vector<16xf32>
      %add3A_1170 = arith.addf %add3A_1158, %mul3A_1169 : vector<16xf32>
      %mul3A_1171 = arith.mulf %gather3A_1166, %gather3A_1166 : vector<16xf32>
      %add3A_1172 = arith.addf %add3A_1160, %mul3A_1171 : vector<16xf32>
      %broadcast_in_dim3A_1173 = arith.constant 1 : i32
      %broadcast_in_dim3A_1174 = vector.broadcast %broadcast_in_dim3A_1173 : i32 to vector<16xi32>
      %broadcast_in_dim3A_1175 = arith.constant 1 : i32
      %broadcast_in_dim3A_1176 = vector.broadcast %broadcast_in_dim3A_1175 : i32 to vector<16xi32>
      %gather3A_1177 = tpu.vector_load_idx %arg16[%broadcast_in_dim3A_1174, %broadcast_in_dim3A_1176, %add3A_1059] : memref<2x8x2048xf32, #tpu.memory_space<vmem>>[vector<16xi32>, vector<16xi32>, vector<16xi32>], vector<16xf32>,
      %gather3A_1178 = tpu.vector_load_idx %arg17[%broadcast_in_dim3A_1174, %broadcast_in_dim3A_1176, %add3A_1063] : memref<2x8x2048xf32, #tpu.memory_space<vmem>>[vector<16xi32>, vector<16xi32>, vector<16xi32>], vector<16xf32>,
      %mul3A_1179 = arith.mulf %gather3A_1177, %gather3A_1178 : vector<16xf32>
      %add3A_1180 = arith.addf %add3A_1168, %mul3A_1179 : vector<16xf32>
      %mul3A_1181 = arith.mulf %gather3A_1177, %gather3A_1177 : vector<16xf32>
      %add3A_1182 = arith.addf %add3A_1170, %mul3A_1181 : vector<16xf32>
      %mul3A_1183 = arith.mulf %gather3A_1178, %gather3A_1178 : vector<16xf32>
      %add3A_1184 = arith.addf %add3A_1172, %mul3A_1183 : vector<16xf32>
      %broadcast_in_dim3A_1185 = arith.constant 1 : i32
      %broadcast_in_dim3A_1186 = vector.broadcast %broadcast_in_dim3A_1185 : i32 to vector<16xi32>
      %broadcast_in_dim3A_1187 = arith.constant 2 : i32
      %broadcast_in_dim3A_1188 = vector.broadcast %broadcast_in_dim3A_1187 : i32 to vector<16xi32>
      %gather3A_1189 = tpu.vector_load_idx %arg16[%broadcast_in_dim3A_1186, %broadcast_in_dim3A_1188, %add3A_1059] : memref<2x8x2048xf32, #tpu.memory_space<vmem>>[vector<16xi32>, vector<16xi32>, vector<16xi32>], vector<16xf32>,
      %gather3A_1190 = tpu.vector_load_idx %arg17[%broadcast_in_dim3A_1186, %broadcast_in_dim3A_1188, %add3A_1063] : memref<2x8x2048xf32, #tpu.memory_space<vmem>>[vector<16xi32>, vector<16xi32>, vector<16xi32>], vector<16xf32>,
      %mul3A_1191 = arith.mulf %gather3A_1189, %gather3A_1190 : vector<16xf32>
      %add3A_1192 = arith.addf %add3A_1180, %mul3A_1191 : vector<16xf32>
      %mul3A_1193 = arith.mulf %gather3A_1189, %gather3A_1189 : vector<16xf32>
      %add3A_1194 = arith.addf %add3A_1182, %mul3A_1193 : vector<16xf32>
      %mul3A_1195 = arith.mulf %gather3A_1190, %gather3A_1190 : vector<16xf32>
      %add3A_1196 = arith.addf %add3A_1184, %mul3A_1195 : vector<16xf32>
      %broadcast_in_dim3A_1197 = arith.constant 1 : i32
      %broadcast_in_dim3A_1198 = vector.broadcast %broadcast_in_dim3A_1197 : i32 to vector<16xi32>
      %broadcast_in_dim3A_1199 = arith.constant 3 : i32
      %broadcast_in_dim3A_1200 = vector.broadcast %broadcast_in_dim3A_1199 : i32 to vector<16xi32>
      %gather3A_1201 = tpu.vector_load_idx %arg16[%broadcast_in_dim3A_1198, %broadcast_in_dim3A_1200, %add3A_1059] : memref<2x8x2048xf32, #tpu.memory_space<vmem>>[vector<16xi32>, vector<16xi32>, vector<16xi32>], vector<16xf32>,
      %gather3A_1202 = tpu.vector_load_idx %arg17[%broadcast_in_dim3A_1198, %broadcast_in_dim3A_1200, %add3A_1063] : memref<2x8x2048xf32, #tpu.memory_space<vmem>>[vector<16xi32>, vector<16xi32>, vector<16xi32>], vector<16xf32>,
      %mul3A_1203 = arith.mulf %gather3A_1201, %gather3A_1202 : vector<16xf32>
      %add3A_1204 = arith.addf %add3A_1192, %mul3A_1203 : vector<16xf32>
      %mul3A_1205 = arith.mulf %gather3A_1201, %gather3A_1201 : vector<16xf32>
      %add3A_1206 = arith.addf %add3A_1194, %mul3A_1205 : vector<16xf32>
      %mul3A_1207 = arith.mulf %gather3A_1202, %gather3A_1202 : vector<16xf32>
      %add3A_1208 = arith.addf %add3A_1196, %mul3A_1207 : vector<16xf32>
      %broadcast_in_dim3A_1209 = arith.constant 1 : i32
      %broadcast_in_dim3A_1210 = vector.broadcast %broadcast_in_dim3A_1209 : i32 to vector<16xi32>
      %broadcast_in_dim3A_1211 = arith.constant 4 : i32
      %broadcast_in_dim3A_1212 = vector.broadcast %broadcast_in_dim3A_1211 : i32 to vector<16xi32>
      %gather3A_1213 = tpu.vector_load_idx %arg16[%broadcast_in_dim3A_1210, %broadcast_in_dim3A_1212, %add3A_1059] : memref<2x8x2048xf32, #tpu.memory_space<vmem>>[vector<16xi32>, vector<16xi32>, vector<16xi32>], vector<16xf32>,
      %gather3A_1214 = tpu.vector_load_idx %arg17[%broadcast_in_dim3A_1210, %broadcast_in_dim3A_1212, %add3A_1063] : memref<2x8x2048xf32, #tpu.memory_space<vmem>>[vector<16xi32>, vector<16xi32>, vector<16xi32>], vector<16xf32>,
      %mul3A_1215 = arith.mulf %gather3A_1213, %gather3A_1214 : vector<16xf32>
      %add3A_1216 = arith.addf %add3A_1204, %mul3A_1215 : vector<16xf32>
      %mul3A_1217 = arith.mulf %gather3A_1213, %gather3A_1213 : vector<16xf32>
      %add3A_1218 = arith.addf %add3A_1206, %mul3A_1217 : vector<16xf32>
      %mul3A_1219 = arith.mulf %gather3A_1214, %gather3A_1214 : vector<16xf32>
      %add3A_1220 = arith.addf %add3A_1208, %mul3A_1219 : vector<16xf32>
      %broadcast_in_dim3A_1221 = arith.constant 1 : i32
      %broadcast_in_dim3A_1222 = vector.broadcast %broadcast_in_dim3A_1221 : i32 to vector<16xi32>
      %broadcast_in_dim3A_1223 = arith.constant 5 : i32
      %broadcast_in_dim3A_1224 = vector.broadcast %broadcast_in_dim3A_1223 : i32 to vector<16xi32>
      %gather3A_1225 = tpu.vector_load_idx %arg16[%broadcast_in_dim3A_1222, %broadcast_in_dim3A_1224, %add3A_1059] : memref<2x8x2048xf32, #tpu.memory_space<vmem>>[vector<16xi32>, vector<16xi32>, vector<16xi32>], vector<16xf32>,
      %gather3A_1226 = tpu.vector_load_idx %arg17[%broadcast_in_dim3A_1222, %broadcast_in_dim3A_1224, %add3A_1063] : memref<2x8x2048xf32, #tpu.memory_space<vmem>>[vector<16xi32>, vector<16xi32>, vector<16xi32>], vector<16xf32>,
      %mul3A_1227 = arith.mulf %gather3A_1225, %gather3A_1226 : vector<16xf32>
      %add3A_1228 = arith.addf %add3A_1216, %mul3A_1227 : vector<16xf32>
      %mul3A_1229 = arith.mulf %gather3A_1225, %gather3A_1225 : vector<16xf32>
      %add3A_1230 = arith.addf %add3A_1218, %mul3A_1229 : vector<16xf32>
      %mul3A_1231 = arith.mulf %gather3A_1226, %gather3A_1226 : vector<16xf32>
      %add3A_1232 = arith.addf %add3A_1220, %mul3A_1231 : vector<16xf32>
      %broadcast_in_dim3A_1233 = arith.constant 1 : i32
      %broadcast_in_dim3A_1234 = vector.broadcast %broadcast_in_dim3A_1233 : i32 to vector<16xi32>
      %broadcast_in_dim3A_1235 = arith.constant 6 : i32
      %broadcast_in_dim3A_1236 = vector.broadcast %broadcast_in_dim3A_1235 : i32 to vector<16xi32>
      %gather3A_1237 = tpu.vector_load_idx %arg16[%broadcast_in_dim3A_1234, %broadcast_in_dim3A_1236, %add3A_1059] : memref<2x8x2048xf32, #tpu.memory_space<vmem>>[vector<16xi32>, vector<16xi32>, vector<16xi32>], vector<16xf32>,
      %gather3A_1238 = tpu.vector_load_idx %arg17[%broadcast_in_dim3A_1234, %broadcast_in_dim3A_1236, %add3A_1063] : memref<2x8x2048xf32, #tpu.memory_space<vmem>>[vector<16xi32>, vector<16xi32>, vector<16xi32>], vector<16xf32>,
      %mul3A_1239 = arith.mulf %gather3A_1237, %gather3A_1238 : vector<16xf32>
      %add3A_1240 = arith.addf %add3A_1228, %mul3A_1239 : vector<16xf32>
      %mul3A_1241 = arith.mulf %gather3A_1237, %gather3A_1237 : vector<16xf32>
      %add3A_1242 = arith.addf %add3A_1230, %mul3A_1241 : vector<16xf32>
      %mul3A_1243 = arith.mulf %gather3A_1238, %gather3A_1238 : vector<16xf32>
      %add3A_1244 = arith.addf %add3A_1232, %mul3A_1243 : vector<16xf32>
      %broadcast_in_dim3A_1245 = arith.constant 1 : i32
      %broadcast_in_dim3A_1246 = vector.broadcast %broadcast_in_dim3A_1245 : i32 to vector<16xi32>
      %broadcast_in_dim3A_1247 = arith.constant 7 : i32
      %broadcast_in_dim3A_1248 = vector.broadcast %broadcast_in_dim3A_1247 : i32 to vector<16xi32>
      %gather3A_1249 = tpu.vector_load_idx %arg16[%broadcast_in_dim3A_1246, %broadcast_in_dim3A_1248, %add3A_1059] : memref<2x8x2048xf32, #tpu.memory_space<vmem>>[vector<16xi32>, vector<16xi32>, vector<16xi32>], vector<16xf32>,
      %gather3A_1250 = tpu.vector_load_idx %arg17[%broadcast_in_dim3A_1246, %broadcast_in_dim3A_1248, %add3A_1063] : memref<2x8x2048xf32, #tpu.memory_space<vmem>>[vector<16xi32>, vector<16xi32>, vector<16xi32>], vector<16xf32>,
      %mul3A_1251 = arith.mulf %gather3A_1249, %gather3A_1250 : vector<16xf32>
      %add3A_1252 = arith.addf %add3A_1240, %mul3A_1251 : vector<16xf32>
      %mul3A_1253 = arith.mulf %gather3A_1249, %gather3A_1249 : vector<16xf32>
      %add3A_1254 = arith.addf %add3A_1242, %mul3A_1253 : vector<16xf32>
      %mul3A_1255 = arith.mulf %gather3A_1250, %gather3A_1250 : vector<16xf32>
      %add3A_1256 = arith.addf %add3A_1244, %mul3A_1255 : vector<16xf32>
      %gather3A_1257 = tpu.vector_load_idx %arg18[%broadcast_in_dim3A_1065, %add3A_1059] : memref<1x2048xf32, #tpu.memory_space<vmem>>[vector<16xi32>, vector<16xi32>], vector<16xf32>,
      %gather3A_1258 = tpu.vector_load_idx %arg19[%broadcast_in_dim3A_1065, %add3A_1063] : memref<1x2048xf32, #tpu.memory_space<vmem>>[vector<16xi32>, vector<16xi32>], vector<16xf32>,
      %add3A_1259 = arith.addf %add3A_1252, %gather3A_1257 : vector<16xf32>
      %add3A_1260 = arith.addf %add3A_1259, %gather3A_1258 : vector<16xf32>
      %add3A_1261 = arith.addf %add3A_1260, %get3A_1 : vector<16xf32>
      %mul3A_1262 = arith.constant 16 : i32
      %mul3A_1263 = arith.muli %scan3A_34, %mul3A_1262 : i32
      %get3A_1264 = arith.index_cast %mul3A_1263 : i32 to index
      %get3A_1265 = tpu.vector_load %arg15[%get3A_1264] {strides = array<i32>} : memref<512xf32, #tpu.memory_space<vmem>>, vector<16xf32>,
      %sub3A_1266 = arith.subf %add3A_1261, %get3A_1265 : vector<16xf32>
      %mul3A_1267 = arith.mulf %sub3A_1266, %sub3A_1266 : vector<16xf32>
      %add3A_1268 = arith.addf %scan3A_35, %mul3A_1267 : vector<16xf32>
      scf.yield %add3A_1268, %add3A_1254, %add3A_1256 : vector<16xf32>, vector<16xf32>, vector<16xf32>
    }
    %scan3A_7 = arith.constant 32 : i32
    %reduce_sum3A = arith.constant true
    %reduce_sum3A_8 = vector.broadcast %reduce_sum3A : i1 to vector<16xi1>
    %reduce_sum3A_9 = tpu.scan <sum>, %scan3A_6#0 masked %reduce_sum3A_8 : vector<16xf32>, vector<16xi1> -> vector<16xf32>
    %reduce_sum3A_10 = vector.extract %reduce_sum3A_9[15] : f32 from vector<16xf32>
    %reduce_sum3A_11 = arith.constant true
    %reduce_sum3A_12 = vector.broadcast %reduce_sum3A_11 : i1 to vector<16xi1>
    %reduce_sum3A_13 = tpu.scan <sum>, %scan3A_6#1 masked %reduce_sum3A_12 : vector<16xf32>, vector<16xi1> -> vector<16xf32>
    %reduce_sum3A_14 = vector.extract %reduce_sum3A_13[15] : f32 from vector<16xf32>
    %reduce_sum3A_15 = arith.constant true
    %reduce_sum3A_16 = vector.broadcast %reduce_sum3A_15 : i1 to vector<16xi1>
    %reduce_sum3A_17 = tpu.scan <sum>, %scan3A_6#2 masked %reduce_sum3A_16 : vector<16xf32>, vector<16xi1> -> vector<16xf32>
    %reduce_sum3A_18 = vector.extract %reduce_sum3A_17[15] : f32 from vector<16xf32>
    %eq3A = arith.constant 0 : i32
    %eq3A_19 = vector.broadcast %eq3A : i32 to vector<16xi32>
    %eq3A_20 = arith.cmpi eq, %iota3A, %eq3A_19 : vector<16xi32>
    %eq3A_21 = arith.constant 1 : i32
    %eq3A_22 = vector.broadcast %eq3A_21 : i32 to vector<16xi32>
    %eq3A_23 = arith.cmpi eq, %iota3A, %eq3A_22 : vector<16xi32>
    %eq3A_24 = arith.constant 2 : i32
    %eq3A_25 = vector.broadcast %eq3A_24 : i32 to vector<16xi32>
    %eq3A_26 = arith.cmpi eq, %iota3A, %eq3A_25 : vector<16xi32>
    %jit3A = arith.constant 0.000000e+00 : f32
    %broadcast_in_dim3A_27 = vector.broadcast %reduce_sum3A_18 : f32 to vector<16xf32>
    %broadcast_in_dim3A_28 = vector.broadcast %jit3A : f32 to vector<16xf32>
    %select_n3A = arith.select %eq3A_26, %broadcast_in_dim3A_27, %broadcast_in_dim3A_28 : vector<16xi1>, vector<16xf32>
    %broadcast_in_dim3A_29 = vector.broadcast %reduce_sum3A_14 : f32 to vector<16xf32>
    %select_n3A_30 = arith.select %eq3A_23, %broadcast_in_dim3A_29, %select_n3A : vector<16xi1>, vector<16xf32>
    %broadcast_in_dim3A_31 = vector.broadcast %reduce_sum3A_10 : f32 to vector<16xf32>
    %select_n3A_32 = arith.select %eq3A_20, %broadcast_in_dim3A_31, %select_n3A_30 : vector<16xi1>, vector<16xf32>
    %swap3A = arith.constant 0 : index
    %swap3A_33 = tpu.vector_load %arg21[%swap3A] {strides = array<i32>} : memref<16xf32, #tpu.memory_space<vmem>>, vector<16xf32>,
    tpu.vector_store %arg21[%swap3A], %select_n3A_32 {strides = array<i32>} : memref<16xf32, #tpu.memory_space<vmem>>, vector<16xf32>,
    "tpu.region"() ({
      %run_scoped3A = tpu.sem_alloc : memref<!tpu.dma_semaphore, #tpu.memory_space<semaphore_mem>>
      %dma_start3A = arith.constant 0 : i32
      %dma_start3A_34 = tpu.memref_slice %arg12[%add3A, %dma_start3A] : memref<32x16xf32, #tpu.memory_space<hbm>> -> memref<1x16xf32, #tpu.memory_space<hbm>>
      %dma_start3A_35 = tpu.memref_squeeze %dma_start3A_34 : memref<1x16xf32, #tpu.memory_space<hbm>> -> memref<16xf32, #tpu.memory_space<hbm>>
      %dma_start3A_36 = arith.constant 0 : i32
      %dma_start3A_37 = tpu.memref_slice %arg12[%add3A, %dma_start3A_36] : memref<32x16xf32, #tpu.memory_space<hbm>> -> memref<1x16xf32, #tpu.memory_space<hbm>>
      %dma_start3A_38 = tpu.memref_squeeze %dma_start3A_37 : memref<1x16xf32, #tpu.memory_space<hbm>> -> memref<16xf32, #tpu.memory_space<hbm>>
      tpu.enqueue_dma source(%arg21 : memref<16xf32, #tpu.memory_space<vmem>>) target(%dma_start3A_38 : memref<16xf32, #tpu.memory_space<hbm>>) target_semaphore(%run_scoped3A : memref<!tpu.dma_semaphore, #tpu.memory_space<semaphore_mem>>)
      %dma_wait3A = arith.constant 0 : i32
      %dma_wait3A_39 = tpu.memref_slice %arg12[%add3A, %dma_wait3A] : memref<32x16xf32, #tpu.memory_space<hbm>> -> memref<1x16xf32, #tpu.memory_space<hbm>>
      %dma_wait3A_40 = tpu.memref_squeeze %dma_wait3A_39 : memref<1x16xf32, #tpu.memory_space<hbm>> -> memref<16xf32, #tpu.memory_space<hbm>>
      %dma_wait3A_41 = arith.constant 0 : i32
      %dma_wait3A_42 = tpu.memref_slice %arg12[%add3A, %dma_wait3A_41] : memref<32x16xf32, #tpu.memory_space<hbm>> -> memref<1x16xf32, #tpu.memory_space<hbm>>
      %dma_wait3A_43 = tpu.memref_squeeze %dma_wait3A_42 : memref<1x16xf32, #tpu.memory_space<hbm>> -> memref<16xf32, #tpu.memory_space<hbm>>
      tpu.wait_dma2 semaphore(%run_scoped3A : memref<!tpu.dma_semaphore, #tpu.memory_space<semaphore_mem>>) src(%arg21 : memref<16xf32, #tpu.memory_space<vmem>>) dst(%dma_wait3A_43 : memref<16xf32, #tpu.memory_space<hbm>>)
      tpu.yield
    }) : () -> ()
    return
  }
}

</mosaic_0001>

<sc_bundles>
// kernel: kernel.3.cloned.1.call-start
scs
__scs_entry_jumppad:
0x0: {  	(pc) =	sbr.rel $0x88, $3  }
0x1: {  	(tag) =	ssettag $0x0;
	lr =	simm.s32 $0x1  }
0x2: {  	[smem:$0x3F99] =	sst lr;
	_ =	strace $0xD0000000  }
0x3: {  	_ = 	snop  }
0x4: {  	_ = 	snop  }
0x5: {  	_ = 	snop  }
0x6: {  	_ = 	snop  }
0x7: {  	_ = 	snop  }
__scs_overlays_trampoline_lowered:
0x8: {  	[smem:$0x3FA8] =	sst s0  }
0x9: {  	[smem:$0x3FA9] =	sst s1  }
0xa: {  	[smem:$0x3FAA] =	sst s2  }
0xb: {  	[smem:$0x3FAB] =	sst s3  }
0xc: {  	[smem:$0x3FAC] =	sst s4  }
0xd: {  	[smem:$0x3FAD] =	sst s5  }
0xe: {  	[smem:$0x3FAE] =	sst s6  }
0xf: {  	[smem:$0x3FAF] =	sst s7  }
0x10: {  	[smem:$0x3FB0] =	sst s8  }
0x11: {  	[smem:$0x3FB1] =	sst s9;
	s0 =	simm.s32 @!p0 $0x0  }
0x12: {  	s1 =	sld [smem:$0x3F97];
	s0 =	simm.s32 @p0 $0x1  }
0x13: {  	[smem:$0x3FB2] =	sst s0;
	s0 =	simm.s32 @!p1 $0x0  }
0x14: {  	s2 =	sld [smem:$0x3F96];
	s0 =	simm.s32 @p1 $0x1  }
0x15: {  	[smem:$0x3FB3] =	sst s0;
	s0 =	simm.s32 @!p2 $0x0  }
0x16: {  	s3 =	sld [smem:$0x3FDB];
	s0 =	simm.s32 @p2 $0x1  }
0x17: {  	s4 =	simm.s32 $0x1BF5;
	[smem:$0x3FB5] =	sst s0  }
0x18: {  	s0 =	sld [smem:$0x3F98];
	_ =	swait.ge [sflag:s4], $0x0  }
0x19: {  	s7 =	sld [smem:$0x3F99]  }
0x1a: {  	s8 =	sadd.s32 $0xFFFFE003, lr  }
0x1b: {  	s9 =	sadd.s32 $0xFFFFFEF7, lr;
	s5 =	simm.s32 $0xFFFFFFFF;
	p2 =	slt.u32 s8, $0xFFFFF086  }
0x1c: {  	p1 =	slt.u32 s9, $0xF7A;
	s5 =	simm.s32 @!p2 $0x0  }
0x1d: {  	s5 =	simm.s32 @p1 $0x1;
	p0 =	seq.s32 s7, s2  }
0x1e: {  	s7 =	smul.u32 @!p0 $0xF7A, s2;
	p2 =	seq.s32 @!p0 s5, $0x0  }
0x1f: {  	s9 =	smul.u32 $0xF7A, s1;
	s8 =	simm.s32 @!p0 $0x1BF5;
	p2 =	por !p2, p0  }
0x20: {  	[sflag:s8] =	ssyncset.s32 @!p0 $0xFFFFF086;
	s6 =	sadd.s32 @!p0 s3, s7;
	s7 =	simm.s32 @!p0 $0x108  }
0x21: {  	s3 =	sadd.s32 s3, s9;
	s6 =	sadd.s32 @!p0 $0x88, s6;
	s7 =	simm.s32 @p2 $0x1082  }
0x22: {  	[simem:s7], [sflag:s8] =	dma.local @!p0 [hbm:s6], $0xF7A  }
0x23: {  	s9 =	sor.u32 $0xD0000000, s2;
	s6 =	simm.s32 $0x108;
	_ =	swait.ge @!p0 [sflag:s8], $0x0  }
0x24: {  	s3 =	sadd.s32 $0x88, s3;
	s6 =	simm.s32 @!p1 $0x1082;
	[sflag:s4] =	ssyncset.s32 $0xFFFFF086  }
0x25: {  	[simem:s6], [sflag:s4] =	dma.local [hbm:s3], $0xF7A  }
0x26: {  	[smem:$0x3F99] =	sst s1;
	(tag) =	ssettag s2;
	_ =	strace s9  }
0x27: {  	s1 =	sld [smem:$0x3FA9]  }
0x28: {  	s2 =	sld [smem:$0x3FAA]  }
0x29: {  	s4 =	sld [smem:$0x3FAC]  }
0x2a: {  	p0 =	seq.s32 s5, $0x0;
	s5 =	sld [smem:$0x3FAD]  }
0x2b: {  	s6 =	sld [smem:$0x3FAE]  }
0x2c: {  	s7 =	sld [smem:$0x3FAF]  }
0x2d: {  	s3 =	simm.s32 $0x108;
	s8 =	sld [smem:$0x3FB0]  }
0x2e: {  	s3 =	simm.s32 @!p0 $0x1082;
	s9 =	sld [smem:$0x3FB1]  }
0x2f: {  	lr =	sadd.s32 s0, s3;
	s0 =	sld [smem:$0x3FA8]  }
0x30: {  	s3 =	sld [smem:$0x3FAB]  }
0x31: {  	[smem:$0x3FB4] =	sst s10  }
0x32: {  	s10 =	sld [smem:$0x3FB2];
	_ =	sdelay $0x3  }
0x33: {  	p0 =	seq.s32 s10, $0x1;
	s10 =	sld [smem:$0x3FB4];
	_ =	sdelay $0x3  }
0x34: {  	[smem:$0x3FB4] =	sst s10  }
0x35: {  	s10 =	sld [smem:$0x3FB3];
	_ =	sdelay $0x3  }
0x36: {  	p1 =	seq.s32 s10, $0x1;
	s10 =	sld [smem:$0x3FB4];
	_ =	sdelay $0x3  }
0x37: {  	[smem:$0x3FB4] =	sst s10  }
0x38: {  	s10 =	sld [smem:$0x3FB5]  }
0x39: {  	_ = 	snop;
	(pc) =	sbr.ind lr, $3  }
0x3a: {  	_ = 	snop  }
0x3b: {  	_ = 	snop  }
0x3c: {  	p2 =	seq.s32 s10, $0x1;
	s10 =	sld [smem:$0x3FB4]  }
0x3d: {  	_ =	shalt  }
0x3e: {  	_ =	shalt  }
0x3f: {  	_ =	shalt  }
0x40: {  	_ =	shalt  }
0x41: {  	_ =	shalt  }
0x42: {  	_ =	shalt  }
0x43: {  	_ =	shalt  }
0x44: {  	_ =	shalt  }
0x45: {  	_ =	shalt  }
0x46: {  	_ =	shalt  }
0x47: {  	_ =	shalt  }
0x48: {  	_ =	shalt  }
0x49: {  	_ =	shalt  }
0x4a: {  	_ =	shalt  }
0x4b: {  	_ =	shalt  }
0x4c: {  	_ =	shalt  }
0x4d: {  	_ =	shalt  }
0x4e: {  	_ =	shalt  }
0x4f: {  	_ =	shalt  }
0x50: {  	_ =	shalt  }
0x51: {  	_ =	shalt  }
0x52: {  	_ =	shalt  }
0x53: {  	_ =	shalt  }
0x54: {  	_ =	shalt  }
0x55: {  	_ =	shalt  }
0x56: {  	_ =	shalt  }
0x57: {  	_ =	shalt  }
0x58: {  	_ =	shalt  }
0x59: {  	_ =	shalt  }
0x5a: {  	_ =	shalt  }
0x5b: {  	_ =	shalt  }
0x5c: {  	_ =	shalt  }
0x5d: {  	_ =	shalt  }
0x5e: {  	_ =	shalt  }
0x5f: {  	_ =	shalt  }
0x60: {  	_ =	shalt  }
0x61: {  	_ =	shalt  }
0x62: {  	_ =	shalt  }
0x63: {  	_ =	shalt  }
0x64: {  	_ =	shalt  }
0x65: {  	_ =	shalt  }
0x66: {  	_ =	shalt  }
0x67: {  	_ =	shalt  }
0x68: {  	_ =	shalt  }
0x69: {  	_ =	shalt  }
0x6a: {  	_ =	shalt  }
0x6b: {  	_ =	shalt  }
0x6c: {  	_ =	shalt  }
0x6d: {  	_ =	shalt  }
0x6e: {  	_ =	shalt  }
0x6f: {  	_ =	shalt  }
0x70: {  	_ =	shalt  }
0x71: {  	_ =	shalt  }
0x72: {  	_ =	shalt  }
0x73: {  	_ =	shalt  }
0x74: {  	_ =	shalt  }
0x75: {  	_ =	shalt  }
0x76: {  	_ =	shalt  }
0x77: {  	_ =	shalt  }
0x78: {  	_ =	shalt  }
0x79: {  	_ =	shalt  }
0x7a: {  	_ =	shalt  }
0x7b: {  	_ =	shalt  }
0x7c: {  	_ =	shalt  }
0x7d: {  	_ =	shalt  }
0x7e: {  	_ =	shalt  }
0x7f: {  	_ =	shalt  }
0x80: {  	_ =	shalt  }
0x81: {  	_ =	shalt  }
0x82: {  	_ =	shalt  }
0x83: {  	_ =	shalt  }
0x84: {  	_ =	shalt  }
0x85: {  	_ =	shalt  }
0x86: {  	_ =	shalt  }
0x87: {  	_ =	shalt  }
.Lfunc_end0:
.L_simem_size_0:
called_computation_lowered:
.L_overlay_start_0:
0x88: {  	s2 =	sld [smem:$0x3FD9]  }
0x89: {  	s3 =	sld [smem:$0x3FFE];
	_ =	sdelay $0x1  }
0x8a: {  	s1 =	srdreg.scid  }
0x8b: {  	s0 =	sand.u32 $0x1, s1  }
0x8c: {  	s14 =	sshll.u32 s0, $0xA;
	s2 =	sadd.s32 s3, s2  }
0x8d: {  	s2 =	sadd.s32 s2, s14  }
0x8e: {  	[smem:$0x3FC0] =	sst s2  }
0x8f: {  	_ = 	snop  }
0x90: {  	s2 =	sld [smem:$0x3FC9]  }
0x91: {  	s15 =	sld [smem:$0x3FC8]  }
0x92: {  	s4 =	sld [smem:$0x3FC6]  }
0x93: {  	s5 =	sld [smem:$0x3FD0]  }
0x94: {  	s6 =	sld [smem:$0x3FC5]  }
0x95: {  	s7 =	sld [smem:$0x3FC4]  }
0x96: {  	s9 =	simm.s32 $0xA;
	s10 =	simm.s32 $0x10;
	s8 =	sld [smem:$0x3FC3]  }
0x97: {  	[smem:s10], [sflag:s9] =	dma.local [hbm:s5], $0x1  }
0x98: {  	_ =	swait.eq [sflag:s9], $0x1  }
0x99: {  	[sflag:s9] =	ssyncset.done $0x0  }
0x9a: {  	[sflag:s9] =	ssyncadd.s32 $0xFFFFFFFF  }
0x9b: {  	s16 =	sld [smem:$0x12];
	(tm) =	ssettm $0x1  }
0x9c: {  	s17 =	sld [smem:$0x3FFB];
	_ =	sdelay $0x3  }
0x9d: {  	_ =	strace s17  }
0x9e: {  	s9 =	sld [smem:$0x3FFC];
	_ =	sdelay $0x3  }
0x9f: {  	_ =	strace s9  }
0xa0: {  	s9 =	sld [smem:$0x3FFD];
	_ =	sdelay $0x3  }
0xa1: {  	_ =	strace s9  }
0xa2: {  	_ =	strace $0x8FFFFFFF  }
0xa3: {  	s18 =	sld [smem:$0x3FDB];
	_ =	sdelay $0x1  }
0xa4: {  	s19 =	simm.s32 $_scs_section_size  }
0xa5: {  	s11 =	simm.s32 $_size__tile_overlayer_lowered;
	s12 =	simm.s32 $_tile_overlayer_lowered  }
0xa6: {  	s22 =	simm.s32 $0x1BFF;
	s21 =	sshll.u32 s12, $0x1;
	s9 =	sadd.s32 s19, s18  }
0xa7: {  	s13 =	simm.s32 $0x0;
	s20 =	sshll.u32 s11, $0x1;
	s11 =	sadd.s32 s21, s9  }
0xa8: {  	[timem:s13], [sflag:s22] =	dma.local [hbm:s11], s20  }
0xa9: {  	_ =	swait.ge [sflag:s22], s20  }
0xaa: {  	s10 =	ssub.s32 $0x0, s20;
	[sflag:s22] =	ssyncset.done $0x0  }
0xab: {  	[sflag:s22] =	ssyncadd.s32 s10;
	_ =	sdelay $0x1  }
0xac: {  	s23 =	simm.s32 $0x1B8B  }
0xad: {  	_ =	swait.ge [sflag:s23], $0x1  }
0xae: {  	[sflag:s23] =	ssyncset.done $0x0  }
0xaf: {  	s25 =	simm.s32 $0x1B8E;
	s24 =	sld [smem:$0x3FFE];
	[sflag:s23] =	ssyncadd.s32 $0xFFFFFFFF  }
0xb0: {  	s26 =	simm.s32 $execute0_lowered;
	[smem:$0x3FD2] =	sst s25  }
0xb1: {  	s11 =	sshll.u32 s26, $0x1;
	_ =	strace $0x80000046;
	[dreg:$0x1] =	wrdreg $0xFFFFFFFF  }
0xb2: {  	s28 =	simm.s32 $_size_execute0_lowered;
	s9 =	sadd.s32 s9, s11;
	[dreg:$0x0] =	wrdreg $0x0  }
0xb3: {  	s11 =	sshll.u32 s28, $0x1;
	[dreg:$0x2] =	wrdreg s9  }
0xb4: {  	[dreg:$0x3] =	wrdreg s11  }
0xb5: {  	[dreg:$0x4] =	wrdreg $0xC0  }
0xb6: {  	_ =	task [dreg:s13], $0x5FFFF  }
0xb7: {  	[dreg:$0x1] =	wrdreg $0xFFFFFFFF  }
0xb8: {  	[dreg:$0x0] =	wrdreg $0x60  }
0xb9: {  	[dreg:$0x2] =	wrdreg s2  }
0xba: {  	[dreg:$0x3] =	wrdreg s15  }
0xbb: {  	[dreg:$0x4] =	wrdreg s24  }
0xbc: {  	[dreg:$0x5] =	wrdreg s4  }
0xbd: {  	[dreg:$0x6] =	wrdreg s6  }
0xbe: {  	[dreg:$0x7] =	wrdreg s7  }
0xbf: {  	[dreg:$0x8] =	wrdreg s8  }
0xc0: {  	[dreg:$0x9] =	wrdreg s16  }
0xc1: {  	[dreg:$0xa] =	wrdreg $0x9  }
0xc2: {  	_ =	task.clear_ibuf [dreg:s13], $0xBFFFF;
	_ =	strace $0x90000046  }
0xc3: {  	s29 =	simm.s32 $0x9;
	_ =	strace $0x80000048  }
0xc4: {  	_ =	swait.ge [sflag:s29], $0x1  }
0xc5: {  	[sflag:s29] =	ssyncadd.s32 $0xFFFFFFFF  }
0xc6: {  	_ =	strace $0x90000048  }
0xc7: {  	_ =	sfence  }
0xc8: {  	s30 =	sld [smem:$0x0];
	_ =	sdelay $0x2  }
0xc9: {  	s31 =	sshll.u32 s1, $0xD;
	s1 =	sshrl.u32 s1, $0x2  }
0xca: {  	s3 =	sand.u32 $0x4000, s31;
	s1 =	sadd.s32 s1, s30  }
0xcb: {  	s0 =	sor.u32 s3, s0;
	s1 =	sshll.u32 s1, $0x11  }
0xcc: {  	s0 =	sor.u32 s1, s0  }
0xcd: {  	s0 =	sadd.s32 $0x8F2B, s0  }
0xce: {  	[sflag:s0] =	ssyncadd.remote.s32 $0x1  }
0xcf: {  	_ =	sfence.sel $0xFFFF  }
0xd0: {  	[dreg:$0x0] =	wrdreg $0xFFFFFFFF;
	(pc) =	sbr.abs _section_cstart, $3  }
0xd1: {  	[dreg:$0x1] =	wrdreg $0xFFFFFFFF  }
0xd2: {  	_ =	task.clear_ibuf [dreg:s13], $0x2FFFF;
	_ =	strace $0x9FFFFFFF  }
0xd3: {  	(tm) =	ssettm $0x7FFFFFFF  }
tec
execute0_lowered:
.L_overlay_start_1:
0x0: {  	(tag) =	ssettag $0x1  }
0x1: {  	s2 =	rddreg [dreg:$0x0]  }
0x2: {  	s1 =	rddreg [dreg:$0x1]  }
0x3: {  	s0 =	rddreg [dreg:$0x2];
	s6 =	simm.s32 $0x0  }
0x4: {  	s3 =	simm.s32 $0x4600;
	[smem:$0x7FF] =	sst s6  }
0x5: {  	s10 =	simm.s32 $0xC600;
	_ =	strace $0x80000047;
	[dreg:$0x9] =	wrdreg s3  }
0x6: {  	s11 =	simm.s32 $0xA00;
	[dreg:$0xa] =	wrdreg s10  }
0x7: {  	s12 =	simm.s32 $0x4A00;
	[dreg:$0xb] =	wrdreg s11  }
0x8: {  	s13 =	simm.s32 $0x8A00;
	[dreg:$0xc] =	wrdreg s12  }
0x9: {  	s14 =	simm.s32 $0xCA00;
	[dreg:$0xd] =	wrdreg s13  }
0xa: {  	s15 =	simm.s32 $0x10680;
	[dreg:$0xe] =	wrdreg s14  }
0xb: {  	s16 =	simm.s32 $0x10E80;
	[dreg:$0xf] =	wrdreg s15  }
0xc: {  	s17 =	simm.s32 $0xE00;
	[dreg:$0x10] =	wrdreg s16  }
0xd: {  	s18 =	simm.s32 $0x4E00;
	[dreg:$0x11] =	wrdreg s17  }
0xe: {  	s19 =	simm.s32 $0x8E00;
	[dreg:$0x12] =	wrdreg s18  }
0xf: {  	s20 =	simm.s32 $0xCE00;
	[dreg:$0x13] =	wrdreg s19  }
0x10: {  	s21 =	simm.s32 $0x10700;
	[dreg:$0x14] =	wrdreg s20  }
0x11: {  	s22 =	simm.s32 $0x10F00;
	[dreg:$0x15] =	wrdreg s21  }
0x12: {  	s23 =	simm.s32 $0x1200;
	[dreg:$0x16] =	wrdreg s22  }
0x13: {  	s24 =	simm.s32 $0x5200;
	[dreg:$0x17] =	wrdreg s23  }
0x14: {  	s25 =	simm.s32 $0x9200;
	[dreg:$0x18] =	wrdreg s24  }
0x15: {  	s26 =	simm.s32 $0xD200;
	[dreg:$0x19] =	wrdreg s25  }
0x16: {  	s28 =	simm.s32 $0x10780;
	[dreg:$0x1a] =	wrdreg s26  }
0x17: {  	s29 =	simm.s32 $0x10F80;
	[dreg:$0x1b] =	wrdreg s28  }
0x18: {  	s30 =	simm.s32 $0x1600;
	[dreg:$0x1c] =	wrdreg s29  }
0x19: {  	s31 =	simm.s32 $0x5600;
	[dreg:$0x1d] =	wrdreg s30  }
0x1a: {  	s4 =	simm.s32 $0x9600;
	[dreg:$0x1e] =	wrdreg s31  }
0x1b: {  	s5 =	simm.s32 $0xD600;
	[dreg:$0x1f] =	wrdreg s4  }
0x1c: {  	s7 =	simm.s32 $0x10800;
	[smem:$0x7B4] =	sst s5  }
0x1d: {  	s8 =	simm.s32 $0x11000;
	[smem:$0x7B5] =	sst s7  }
0x1e: {  	s9 =	simm.s32 $0x1A00;
	[smem:$0x7B6] =	sst s8  }
0x1f: {  	[smem:$0x7B7] =	sst s9;
	s10 =	simm.s32 $0x5A00  }
0x20: {  	s11 =	simm.s32 $0x9A00;
	[smem:$0x7B8] =	sst s10  }
0x21: {  	s12 =	simm.s32 $0xDA00;
	[smem:$0x7B9] =	sst s11  }
0x22: {  	s13 =	simm.s32 $0x10880;
	[smem:$0x7BA] =	sst s12  }
0x23: {  	s14 =	simm.s32 $0x11080;
	[smem:$0x7BB] =	sst s13  }
0x24: {  	s15 =	simm.s32 $0x1E00;
	[smem:$0x7BC] =	sst s14  }
0x25: {  	s16 =	simm.s32 $0x5E00;
	[smem:$0x7BD] =	sst s15  }
0x26: {  	s17 =	simm.s32 $0x9E00;
	[smem:$0x7BE] =	sst s16  }
0x27: {  	s18 =	simm.s32 $0xDE00;
	[smem:$0x7BF] =	sst s17  }
0x28: {  	s19 =	simm.s32 $0x10900;
	[smem:$0x7C0] =	sst s18  }
0x29: {  	s20 =	simm.s32 $0x11100;
	[smem:$0x7C1] =	sst s19  }
0x2a: {  	s21 =	simm.s32 $0x2200;
	[smem:$0x7C2] =	sst s20  }
0x2b: {  	s22 =	simm.s32 $0x6200;
	[smem:$0x7C3] =	sst s21  }
0x2c: {  	s23 =	simm.s32 $0xA200;
	[smem:$0x7C4] =	sst s22  }
0x2d: {  	s24 =	simm.s32 $0xE200;
	[smem:$0x7C5] =	sst s23  }
0x2e: {  	s25 =	simm.s32 $0x10980;
	[smem:$0x7C6] =	sst s24  }
0x2f: {  	s26 =	simm.s32 $0x11180;
	[smem:$0x7C7] =	sst s25  }
0x30: {  	s28 =	simm.s32 $0x2600;
	[smem:$0x7C8] =	sst s26  }
0x31: {  	s29 =	simm.s32 $0x6600;
	[smem:$0x7C9] =	sst s28  }
0x32: {  	s30 =	simm.s32 $0xA600;
	[smem:$0x7CA] =	sst s29  }
0x33: {  	s31 =	simm.s32 $0xE600;
	[smem:$0x7CB] =	sst s30  }
0x34: {  	s4 =	simm.s32 $0x10A00;
	[smem:$0x7CC] =	sst s31  }
0x35: {  	s5 =	simm.s32 $0x11200;
	[smem:$0x7CD] =	sst s4  }
0x36: {  	s7 =	simm.s32 $0x2A00;
	[smem:$0x7CE] =	sst s5  }
0x37: {  	s8 =	simm.s32 $0x6A00;
	[smem:$0x7CF] =	sst s7  }
0x38: {  	s9 =	simm.s32 $0xAA00;
	[smem:$0x7D0] =	sst s8  }
0x39: {  	[smem:$0x7D1] =	sst s9;
	s10 =	simm.s32 $0xEA00  }
0x3a: {  	s11 =	simm.s32 $0x10A80;
	[smem:$0x7D2] =	sst s10  }
0x3b: {  	s12 =	simm.s32 $0x11280;
	[smem:$0x7D3] =	sst s11  }
0x3c: {  	s13 =	simm.s32 $0x2E00;
	[smem:$0x7D4] =	sst s12  }
0x3d: {  	s14 =	simm.s32 $0x6E00;
	[smem:$0x7D5] =	sst s13  }
0x3e: {  	s15 =	simm.s32 $0xAE00;
	[smem:$0x7D6] =	sst s14  }
0x3f: {  	s16 =	simm.s32 $0xEE00;
	[smem:$0x7D7] =	sst s15  }
0x40: {  	s17 =	simm.s32 $0x10B00;
	[smem:$0x7D8] =	sst s16  }
0x41: {  	s18 =	simm.s32 $0x11300;
	[smem:$0x7D9] =	sst s17  }
0x42: {  	s19 =	simm.s32 $0x3200;
	[smem:$0x7DA] =	sst s18  }
0x43: {  	s20 =	simm.s32 $0x7200;
	[smem:$0x7DB] =	sst s19  }
0x44: {  	s21 =	simm.s32 $0xB200;
	[smem:$0x7DC] =	sst s20  }
0x45: {  	s22 =	simm.s32 $0xF200;
	[smem:$0x7DD] =	sst s21  }
0x46: {  	s23 =	simm.s32 $0x10B80;
	[smem:$0x7DE] =	sst s22  }
0x47: {  	s24 =	simm.s32 $0x11380;
	[smem:$0x7DF] =	sst s23  }
0x48: {  	s25 =	simm.s32 $0x3600;
	[smem:$0x7E0] =	sst s24  }
0x49: {  	s26 =	simm.s32 $0x7600;
	[smem:$0x7E1] =	sst s25  }
0x4a: {  	s28 =	simm.s32 $0xB600;
	[smem:$0x7E2] =	sst s26  }
0x4b: {  	s29 =	simm.s32 $0xF600;
	[smem:$0x7E3] =	sst s28  }
0x4c: {  	s30 =	simm.s32 $0x10C00;
	[smem:$0x7E4] =	sst s29  }
0x4d: {  	s31 =	simm.s32 $0x11400;
	[smem:$0x7E5] =	sst s30  }
0x4e: {  	[smem:$0x7E6] =	sst s31;
	s11 =	simm.s32 $0x7A00  }
0x4f: {  	s12 =	simm.s32 $0xBA00;
	[smem:$0x7E9] =	sst s11  }
0x50: {  	s13 =	simm.s32 $0xFA00;
	[smem:$0x7EB] =	sst s12  }
0x51: {  	s15 =	simm.s32 $0x10C80;
	[smem:$0x7EC] =	sst s13  }
0x52: {  	s16 =	simm.s32 $0x11480;
	[smem:$0x7ED] =	sst s15  }
0x53: {  	s17 =	simm.s32 $0x3E00;
	[smem:$0x7EE] =	sst s16  }
0x54: {  	s18 =	simm.s32 $0x7E00;
	[smem:$0x7F0] =	sst s17  }
0x55: {  	s20 =	simm.s32 $0xBE00;
	[smem:$0x7F2] =	sst s18  }
0x56: {  	s22 =	simm.s32 $0xFE00;
	[smem:$0x7F4] =	sst s20  }
0x57: {  	s4 =	srdreg.scid;
	s23 =	simm.s32 $0x10D00;
	[smem:$0x7F5] =	sst s22  }
0x58: {  	s7 =	stileid.u32;
	s24 =	simm.s32 $0x11500;
	[smem:$0x7F6] =	sst s23  }
0x59: {  	s4 =	sand.u32 $0x1, s4;
	s25 =	simm.s32 $0x4200;
	[smem:$0x7F7] =	sst s24  }
0x5a: {  	s5 =	sshll.u32 s7, $0x1;
	s26 =	simm.s32 $0x8200;
	[smem:$0x7F8] =	sst s25  }
0x5b: {  	s7 =	sshrl.u32 s7, $0x2;
	s28 =	simm.s32 $0xC200;
	[smem:$0x7F9] =	sst s26  }
0x5c: {  	s29 =	simm.s32 $0x10200;
	s30 =	simm.s32 $0x10D80;
	[smem:$0x7FA] =	sst s28  }
0x5d: {  	s31 =	simm.s32 $0x11580;
	s5 =	sor.u32 s4, s5;
	[smem:$0x7FB] =	sst s29  }
0x5e: {  	s9 =	sshll.u32 s7, $0xA;
	s4 =	ssub.s32 $0x2, s4;
	[smem:$0x7FC] =	sst s30  }
0x5f: {  	[smem:$0x7FD] =	sst s31;
	s8 =	sshll.u32 s5, $0x7;
	s10 =	sshrl.u32 s4, $0x1  }
0x60: {  	v16 =	vlaneseq.u32;
	s5 =	sshll.u32 s5, $0x6;
	s4 =	ssub.s32 s4, s10;
	s10 =	simm.s32 $0x3A00  }
0x61: {  	vm0 =	vcmask $0xB08;
	v0 =	vmul.u32 $0x400, v16;
	s14 =	sshll.u32 s7, $0xC;
	s2 =	sadd.s32 s2, s5;
	[smem:$0x7E7] =	sst s10  }
0x62: {  	vm1 =	vcmask $0x3F08;
	vm2 =	vcmask $0x3F04;
	v16 =	vmul.u32 $0x80, v16;
	s8 =	sand.u32 $0x380, s8;
	s1 =	sadd.s32 s1, s5;
	[smem:$0x7E8] =	sst s2  }
0x63: {  	v1 =	vor.u32 $0x80, v0;
	v2 =	vor.u32 $0x100, v0;
	v3 =	vor.u32 $0x180, v0;
	s9 =	sor.u32 s9, s8;
	[smem:$0x7EA] =	sst s1;
	s2 =	sor.u32 s14, s8  }
0x64: {  	v4 =	vor.u32 $0x200, v0;
	v5 =	vor.u32 $0x280, v0;
	v6 =	vor.u32 $0x300, v0;
	s21 =	smax.u32 s4, $0x1;
	s9 =	sshrl.u32 s9, $0x3;
	s2 =	sshrl.u32 s2, $0x3  }
0x65: {  	v7 =	vor.u32 $0x380, v0;
	v8 =	vor.u32 $0x4000, v0;
	v9 =	vor.u32 $0x4080, v0;
	[smem:$0x7F3] =	sst s21;
	s9 =	sadd.s32 s9, s0;
	s0 =	sadd.s32 s0, s2  }
0x66: {  	v10 =	vor.u32 $0x4100, v0;
	v11 =	vor.u32 $0x4180, v0;
	v12 =	vor.u32 $0x4200, v0;
	[smem:$0x7EF] =	sst s0;
	s19 =	sadd.s32 $0x1A00, s9  }
0x67: {  	v13 =	vor.u32 $0x4280, v0;
	v14 =	vor.u32 $0x4300, v0;
	v15 =	vor.u32 $0x4380, v0;
	s1 =	simm.s32 $0x3;
	s2 =	simm.s32 $0x0;
	[smem:$0x7F1] =	sst s19  }
.LBB2_1:
0x68: {  	s0 =	sld [smem:$0x7E8];
	_ =	sdelay $0x1  }
0x69: {  	[smem:$0x793] =	sst s2  }
0x6a: {  	[tilespmem:s6], [sflag:$0x3] =	stream.linear.gather [hbm4b:s0+s6], $0x200, $0x38;
	[tilespmem:$0x11700] =	vst v63  }
0x6b: {  	_ =	swait.ge [sflag:s1], $0x200  }
0x6c: {  	s16 =	sld [smem:$0x7EA]  }
0x6d: {  	[sflag:s1] =	ssyncset.done $0x0  }
0x6e: {  	s17 =	simm.s32 $0x200;
	[sflag:s1] =	ssyncadd.s32 $0xFFFFFE00  }
0x6f: {  	[tilespmem:s17], [sflag:$0x3] =	stream.linear.gather [hbm4b:s16+s6], $0x200, $0x38;
	[tilespmem:$0x11700] =	vst v63  }
0x70: {  	_ =	swait.ge [sflag:s1], $0x200  }
0x71: {  	s18 =	sld [smem:$0x7EF]  }
0x72: {  	[sflag:s1] =	ssyncset.done $0x0  }
0x73: {  	s19 =	simm.s32 $0x80;
	s3 =	simm.s32 $0x400;
	[sflag:s1] =	ssyncadd.s32 $0xFFFFFE00  }
0x74: {  	[tilespmem:s3], [sflag:$0x3] =	stream.strided.gather [hbm4b:s18+s19], $0x200, s3, s19, $0x38;
	[tilespmem:$0x11700] =	vst v63  }
0x75: {  	_ =	swait.ge [sflag:s1], $0x200  }
0x76: {  	[sflag:s1] =	ssyncset.done $0x0  }
0x77: {  	[sflag:s1] =	ssyncadd.s32 $0xFFFFFE00  }
0x78: {  	s21 =	simm.s32 $0x11600;
	s20 =	rddreg [dreg:$0x7]  }
0x79: {  	[tilespmem:s21], [sflag:$0x3] =	stream.linear.gather [hbm4b:s20+s6], $0x80, $0x38;
	[tilespmem:$0x11700] =	vst v63  }
0x7a: {  	_ =	swait.ge [sflag:s1], $0x80  }
0x7b: {  	[sflag:s1] =	ssyncset.done $0x0  }
0x7c: {  	s22 =	simm.s32 $0x0;
	[sflag:s1] =	ssyncadd.s32 $0xFFFFFF80  }
0x7d: {  	v19 =	vld [tilespmem:s22+$0x0]  }
0x7e: {  	s18 =	rddreg [dreg:$0x9]  }
0x7f: {  	s0 =	sld [smem:$0x7DB];
	v18 =	vld [tilespmem:s22+$0x200]  }
0x80: {  	s2 =	sld [smem:$0x7D7]  }
0x81: {  	s3 =	sld [smem:$0x7D6]  }
0x82: {  	s4 =	sld [smem:$0x7D5];
	(v2sf) =	vpush v19, $0x0  }
0x83: {  	s5 =	sld [smem:$0x7D1];
	(v2sf) =	vpush v19, $0x1  }
0x84: {  	s7 =	sld [smem:$0x7D0];
	(v2sf) =	vpush v18, $0x0  }
0x85: {  	s8 =	sld [smem:$0x7CF]  }
0x86: {  	s9 =	sld [smem:$0x7CC]  }
0x87: {  	s10 =	sld [smem:$0x7CB]  }
0x88: {  	s11 =	sld [smem:$0x7CA]  }
0x89: {  	s12 =	sld [smem:$0x7C7]  }
0x8a: {  	s13 =	sld [smem:$0x7C6]  }
0x8b: {  	s14 =	sld [smem:$0x7C5]  }
0x8c: {  	s15 =	sld [smem:$0x7C3]  }
0x8d: {  	s16 =	sld [smem:$0x7C2]  }
0x8e: {  	s1 =	sld [smem:$0x7D9]  }
0x8f: {  	s26 =	rddreg [dreg:$0x3]  }
0x90: {  	s23 =	simm.s32 $0x600;
	s28 =	rddreg [dreg:$0x4]  }
0x91: {  	s31 =	simm.s32 $0x8600;
	s29 =	rddreg [dreg:$0x5];
	s19 =	spop (v2sf)  }
0x92: {  	s30 =	rddreg [dreg:$0x6];
	(v2sf) =	vpush v18, $0x1;
	s17 =	sand.u32 $0x1FFFFF80, s19;
	s21 =	spop (v2sf)  }
0x93: {  	s19 =	sshrl.u32 s19, $0x3;
	s20 =	sadd.s32 s26, s17;
	s22 =	spop (v2sf)  }
0x94: {  	v17 =	vld [tilespmem:$0x11600];
	[tilespmem:s23], [sflag:$0x1] =	stream.linear.gather [hbm4b:s20+s6], $0x400, $0x38  }
0x95: {  	s17 =	sld [smem:$0x7C1];
	s20 =	sadd.s32 $0xF4280, s20;
	s24 =	sand.u32 $0x1FFFFF80, s22  }
0x96: {  	[tilespmem:s18], [sflag:$0x1] =	stream.linear.gather [hbm4b:s20+s6], $0x400, $0x38;
	[tilespmem:$0x11700] =	vst v63  }
0x97: {  	s23 =	rddreg [dreg:$0xa];
	s22 =	sshrl.u32 s22, $0x3;
	s20 =	sadd.s32 s28, s24  }
0x98: {  	[tilespmem:s31], [sflag:$0x1] =	stream.linear.gather [hbm4b:s20+s6], $0x400, $0x38;
	[tilespmem:$0x11700] =	vst v63  }
0x99: {  	(v2sf) =	vpush v19, $0x2;
	s25 =	sand.u32 $0x1FFFFFF0, s22;
	s24 =	sand.u32 $0x1FFFFFF0, s19;
	s20 =	sadd.s32 $0xF4280, s20  }
0x9a: {  	[tilespmem:s23], [sflag:$0x1] =	stream.linear.gather [hbm4b:s20+s6], $0x400, $0x38;
	[tilespmem:$0x11700] =	vst v63  }
0x9b: {  	s22 =	rddreg [dreg:$0xb];
	s23 =	sadd.s32 s29, s24;
	s24 =	simm.s32 $0x10600  }
0x9c: {  	[tilespmem:s24], [sflag:$0x2] =	stream.linear.gather [hbm4b:s23+s6], $0x80, $0x38;
	[tilespmem:$0x11700] =	vst v63  }
0x9d: {  	s20 =	sadd.s32 s30, s25;
	s25 =	simm.s32 $0x10E00;
	s23 =	sand.u32 $0x1FFFFF80, s21  }
0x9e: {  	[tilespmem:s25], [sflag:$0x2] =	stream.linear.gather [hbm4b:s20+s6], $0x80, $0x38;
	[tilespmem:$0x11700] =	vst v63  }
0x9f: {  	(v2sf) =	vpush v18, $0x2;
	s18 =	sld [smem:$0x7C0];
	s21 =	sshrl.u32 s21, $0x3;
	s23 =	sadd.s32 s26, s23  }
0xa0: {  	[tilespmem:s22], [sflag:$0x1] =	stream.linear.gather [hbm4b:s23+s6], $0x400, $0x38;
	[tilespmem:$0x11700] =	vst v63  }
0xa1: {  	s25 =	rddreg [dreg:$0xc];
	s24 =	spop (v2sf);
	s23 =	sadd.s32 $0xF4280, s23  }
0xa2: {  	[tilespmem:s25], [sflag:$0x1] =	stream.linear.gather [hbm4b:s23+s6], $0x400, $0x38;
	[tilespmem:$0x11700] =	vst v63  }
0xa3: {  	s21 =	sand.u32 $0x1FFFFFF0, s21;
	s20 =	rddreg [dreg:$0x10];
	s23 =	sand.u32 $0x1FFFFF80, s24  }
0xa4: {  	s21 =	sadd.s32 s29, s21;
	s22 =	rddreg [dreg:$0xd];
	s23 =	sadd.s32 s28, s23  }
0xa5: {  	[tilespmem:s22], [sflag:$0x1] =	stream.linear.gather [hbm4b:s23+s6], $0x400, $0x38;
	[tilespmem:$0x11700] =	vst v63  }
0xa6: {  	(v2sf) =	vpush v19, $0x3;
	s25 =	rddreg [dreg:$0xe];
	s24 =	sshrl.u32 s24, $0x3;
	s23 =	sadd.s32 $0xF4280, s23  }
0xa7: {  	[tilespmem:s25], [sflag:$0x1] =	stream.linear.gather [hbm4b:s23+s6], $0x400, $0x38;
	[tilespmem:$0x11700] =	vst v63  }
0xa8: {  	s22 =	rddreg [dreg:$0xf];
	s25 =	sand.u32 $0x1FFFFFF0, s24;
	s24 =	spop (v2sf)  }
0xa9: {  	[tilespmem:s22], [sflag:$0x2] =	stream.linear.gather [hbm4b:s21+s6], $0x80, $0x38;
	[tilespmem:$0x11700] =	vst v63  }
0xaa: {  	s23 =	sadd.s32 s30, s25;
	s25 =	rddreg [dreg:$0x12];
	s22 =	sand.u32 $0x1FFFFF80, s24  }
0xab: {  	[tilespmem:s20], [sflag:$0x2] =	stream.linear.gather [hbm4b:s23+s6], $0x80, $0x38;
	[tilespmem:$0x11700] =	vst v63  }
0xac: {  	(v2sf) =	vpush v18, $0x3;
	s21 =	rddreg [dreg:$0x11];
	s22 =	sadd.s32 s26, s22  }
0xad: {  	[tilespmem:s21], [sflag:$0x1] =	stream.linear.gather [hbm4b:s22+s6], $0x400, $0x38;
	[tilespmem:$0x11700] =	vst v63  }
0xae: {  	s24 =	sshrl.u32 s24, $0x3;
	s23 =	spop (v2sf);
	s22 =	sadd.s32 $0xF4280, s22  }
0xaf: {  	[tilespmem:s25], [sflag:$0x1] =	stream.linear.gather [hbm4b:s22+s6], $0x400, $0x38;
	[tilespmem:$0x11700] =	vst v63  }
0xb0: {  	s24 =	sand.u32 $0x1FFFFFF0, s24;
	s22 =	sand.u32 $0x1FFFFF80, s23  }
0xb1: {  	s24 =	sadd.s32 s29, s24;
	s21 =	rddreg [dreg:$0x13];
	s22 =	sadd.s32 s28, s22  }
0xb2: {  	[tilespmem:s21], [sflag:$0x1] =	stream.linear.gather [hbm4b:s22+s6], $0x400, $0x38;
	[tilespmem:$0x11700] =	vst v63  }
0xb3: {  	(v2sf) =	vpush v19, $0x4;
	s25 =	rddreg [dreg:$0x14];
	s23 =	sshrl.u32 s23, $0x3;
	s22 =	sadd.s32 $0xF4280, s22  }
0xb4: {  	[tilespmem:s25], [sflag:$0x1] =	stream.linear.gather [hbm4b:s22+s6], $0x400, $0x38;
	[tilespmem:$0x11700] =	vst v63  }
0xb5: {  	s21 =	rddreg [dreg:$0x15];
	s22 =	sand.u32 $0x1FFFFFF0, s23;
	s23 =	spop (v2sf)  }
0xb6: {  	[tilespmem:s21], [sflag:$0x2] =	stream.linear.gather [hbm4b:s24+s6], $0x80, $0x38;
	[tilespmem:$0x11700] =	vst v63  }
0xb7: {  	s20 =	rddreg [dreg:$0x16];
	s25 =	sand.u32 $0x1FFFFF80, s23;
	s22 =	sadd.s32 s30, s22  }
0xb8: {  	[tilespmem:s20], [sflag:$0x2] =	stream.linear.gather [hbm4b:s22+s6], $0x80, $0x38;
	[tilespmem:$0x11700] =	vst v63  }
0xb9: {  	(v2sf) =	vpush v18, $0x4;
	s23 =	sshrl.u32 s23, $0x3;
	s21 =	rddreg [dreg:$0x17];
	s25 =	sadd.s32 s26, s25  }
0xba: {  	[tilespmem:s21], [sflag:$0x1] =	stream.linear.gather [hbm4b:s25+s6], $0x400, $0x38;
	[tilespmem:$0x11700] =	vst v63  }
0xbb: {  	s24 =	spop (v2sf);
	s20 =	rddreg [dreg:$0x18];
	s22 =	sadd.s32 $0xF4280, s25  }
0xbc: {  	[tilespmem:s20], [sflag:$0x1] =	stream.linear.gather [hbm4b:s22+s6], $0x400, $0x38;
	[tilespmem:$0x11700] =	vst v63  }
0xbd: {  	s23 =	sand.u32 $0x1FFFFFF0, s23;
	s22 =	sand.u32 $0x1FFFFF80, s24  }
0xbe: {  	s23 =	sadd.s32 s29, s23;
	s21 =	rddreg [dreg:$0x19];
	s22 =	sadd.s32 s28, s22  }
0xbf: {  	[tilespmem:s21], [sflag:$0x1] =	stream.linear.gather [hbm4b:s22+s6], $0x400, $0x38;
	[tilespmem:$0x11700] =	vst v63  }
0xc0: {  	(v2sf) =	vpush v19, $0x5;
	s25 =	rddreg [dreg:$0x1a];
	s24 =	sshrl.u32 s24, $0x3;
	s22 =	sadd.s32 $0xF4280, s22  }
0xc1: {  	[tilespmem:s25], [sflag:$0x1] =	stream.linear.gather [hbm4b:s22+s6], $0x400, $0x38;
	[tilespmem:$0x11700] =	vst v63  }
0xc2: {  	s21 =	rddreg [dreg:$0x1b];
	s22 =	sand.u32 $0x1FFFFFF0, s24;
	s24 =	spop (v2sf)  }
0xc3: {  	[tilespmem:s21], [sflag:$0x2] =	stream.linear.gather [hbm4b:s23+s6], $0x80, $0x38;
	[tilespmem:$0x11700] =	vst v63  }
0xc4: {  	s20 =	rddreg [dreg:$0x1c];
	s25 =	sand.u32 $0x1FFFFF80, s24;
	s22 =	sadd.s32 s30, s22  }
0xc5: {  	[tilespmem:s20], [sflag:$0x2] =	stream.linear.gather [hbm4b:s22+s6], $0x80, $0x38;
	[tilespmem:$0x11700] =	vst v63  }
0xc6: {  	(v2sf) =	vpush v18, $0x5;
	s24 =	sshrl.u32 s24, $0x3;
	s21 =	rddreg [dreg:$0x1d];
	s25 =	sadd.s32 s26, s25  }
0xc7: {  	[tilespmem:s21], [sflag:$0x1] =	stream.linear.gather [hbm4b:s25+s6], $0x400, $0x38;
	[tilespmem:$0x11700] =	vst v63  }
0xc8: {  	s23 =	spop (v2sf);
	s20 =	rddreg [dreg:$0x1e];
	s22 =	sadd.s32 $0xF4280, s25  }
0xc9: {  	[tilespmem:s20], [sflag:$0x1] =	stream.linear.gather [hbm4b:s22+s6], $0x400, $0x38;
	[tilespmem:$0x11700] =	vst v63  }
0xca: {  	s24 =	sand.u32 $0x1FFFFFF0, s24;
	s21 =	rddreg [dreg:$0x1f];
	s22 =	sand.u32 $0x1FFFFF80, s23  }
0xcb: {  	s24 =	sadd.s32 s29, s24;
	s25 =	sld [smem:$0x7B4];
	s22 =	sadd.s32 s28, s22  }
0xcc: {  	[tilespmem:s21], [sflag:$0x1] =	stream.linear.gather [hbm4b:s22+s6], $0x400, $0x38;
	[tilespmem:$0x11700] =	vst v63  }
0xcd: {  	s23 =	sshrl.u32 s23, $0x3;
	s21 =	sld [smem:$0x7B5];
	s22 =	sadd.s32 $0xF4280, s22  }
0xce: {  	[tilespmem:s25], [sflag:$0x1] =	stream.linear.gather [hbm4b:s22+s6], $0x400, $0x38;
	[tilespmem:$0x11700] =	vst v63  }
0xcf: {  	(v2sf) =	vpush v19, $0x6;
	s20 =	sld [smem:$0x7B6];
	s25 =	sand.u32 $0x1FFFFFF0, s23;
	s23 =	spop (v2sf)  }
0xd0: {  	[tilespmem:s21], [sflag:$0x2] =	stream.linear.gather [hbm4b:s24+s6], $0x80, $0x38;
	[tilespmem:$0x11700] =	vst v63  }
0xd1: {  	(v2sf) =	vpush v18, $0x6;
	s22 =	sadd.s32 s30, s25;
	s21 =	sand.u32 $0x1FFFFF80, s23;
	s24 =	sld [smem:$0x7B7]  }
0xd2: {  	[tilespmem:s20], [sflag:$0x2] =	stream.linear.gather [hbm4b:s22+s6], $0x80, $0x38;
	[tilespmem:$0x11700] =	vst v63  }
0xd3: {  	s25 =	sld [smem:$0x7B8];
	s21 =	sadd.s32 s26, s21  }
0xd4: {  	[tilespmem:s24], [sflag:$0x1] =	stream.linear.gather [hbm4b:s21+s6], $0x400, $0x38;
	[tilespmem:$0x11700] =	vst v63  }
0xd5: {  	s22 =	sld [smem:$0x7B9];
	s24 =	spop (v2sf);
	s21 =	sadd.s32 $0xF4280, s21  }
0xd6: {  	(v2sf) =	vpush v19, $0x7;
	[tilespmem:s25], [sflag:$0x1] =	stream.linear.gather [hbm4b:s21+s6], $0x400, $0x38;
	[tilespmem:$0x11700] =	vst v63  }
0xd7: {  	s19 =	sld [smem:$0x7BF];
	s23 =	sshrl.u32 s23, $0x3;
	s21 =	sand.u32 $0x1FFFFF80, s24  }
0xd8: {  	s23 =	sand.u32 $0x1FFFFFF0, s23;
	(v2sf) =	vpush v18, $0x7;
	s25 =	sld [smem:$0x7BA];
	s21 =	sadd.s32 s28, s21  }
0xd9: {  	[tilespmem:s22], [sflag:$0x1] =	stream.linear.gather [hbm4b:s21+s6], $0x400, $0x38;
	[tilespmem:$0x11700] =	vst v63  }
0xda: {  	s24 =	sshrl.u32 s24, $0x3;
	s22 =	sld [smem:$0x7BB];
	s21 =	sadd.s32 $0xF4280, s21  }
0xdb: {  	[tilespmem:s25], [sflag:$0x1] =	stream.linear.gather [hbm4b:s21+s6], $0x400, $0x38;
	[tilespmem:$0x11700] =	vst v63  }
0xdc: {  	s20 =	sld [smem:$0x7BC];
	s23 =	sadd.s32 s29, s23;
	s21 =	sand.u32 $0x1FFFFFF0, s24  }
0xdd: {  	[tilespmem:s22], [sflag:$0x2] =	stream.linear.gather [hbm4b:s23+s6], $0x80, $0x38;
	[tilespmem:$0x11700] =	vst v63  }
0xde: {  	s24 =	spop (v2sf);
	(v2sf) =	vpush v19, $0x8;
	s21 =	sadd.s32 s30, s21;
	s22 =	sld [smem:$0x7BD]  }
0xdf: {  	[tilespmem:s20], [sflag:$0x2] =	stream.linear.gather [hbm4b:s21+s6], $0x80, $0x38;
	[tilespmem:$0x11700] =	vst v63  }
0xe0: {  	s25 =	sand.u32 $0x1FFFFF80, s24;
	s24 =	sshrl.u32 s24, $0x3;
	s21 =	spop (v2sf)  }
0xe1: {  	s23 =	sadd.s32 s26, s25;
	s20 =	sld [smem:$0x7BE];
	s25 =	sand.u32 $0x1FFFFF80, s21  }
0xe2: {  	(v2sf) =	vpush v18, $0x8;
	[tilespmem:s22], [sflag:$0x1] =	stream.linear.gather [hbm4b:s23+s6], $0x400, $0x38;
	[tilespmem:$0x11700] =	vst v63  }
0xe3: {  	s21 =	sshrl.u32 s21, $0x3;
	s23 =	sadd.s32 $0xF4280, s23;
	s22 =	sadd.s32 s28, s25  }
0xe4: {  	[tilespmem:s20], [sflag:$0x1] =	stream.linear.gather [hbm4b:s23+s6], $0x400, $0x38;
	[tilespmem:$0x11700] =	vst v63  }
0xe5: {  	s20 =	sand.u32 $0x1FFFFFF0, s24;
	s23 =	sand.u32 $0x1FFFFFF0, s21;
	s24 =	spop (v2sf)  }
0xe6: {  	[tilespmem:s19], [sflag:$0x1] =	stream.linear.gather [hbm4b:s22+s6], $0x400, $0x38;
	[tilespmem:$0x11700] =	vst v63  }
0xe7: {  	s25 =	spop (v2sf);
	s21 =	sand.u32 $0x1FFFFF80, s24;
	s22 =	sadd.s32 $0xF4280, s22  }
0xe8: {  	(v2sf) =	vpush v19, $0x9;
	[tilespmem:s18], [sflag:$0x1] =	stream.linear.gather [hbm4b:s22+s6], $0x400, $0x38;
	[tilespmem:$0x11700] =	vst v63  }
0xe9: {  	s20 =	sadd.s32 s29, s20;
	s19 =	sadd.s32 s30, s23;
	s23 =	sadd.s32 s26, s21  }
0xea: {  	(v2sf) =	vpush v18, $0x9;
	[tilespmem:s17], [sflag:$0x2] =	stream.linear.gather [hbm4b:s20+s6], $0x80, $0x38;
	[tilespmem:$0x11700] =	vst v63  }
0xeb: {  	s18 =	sshrl.u32 s24, $0x3;
	s22 =	sshrl.u32 s25, $0x3;
	s17 =	sand.u32 $0x1FFFFF80, s25  }
0xec: {  	[tilespmem:s16], [sflag:$0x2] =	stream.linear.gather [hbm4b:s19+s6], $0x80, $0x38;
	[tilespmem:$0x11700] =	vst v63  }
0xed: {  	s24 =	sld [smem:$0x7C4];
	s25 =	spop (v2sf);
	s17 =	sadd.s32 s28, s17  }
0xee: {  	[tilespmem:s15], [sflag:$0x1] =	stream.linear.gather [hbm4b:s23+s6], $0x400, $0x38;
	[tilespmem:$0x11700] =	vst v63  }
0xef: {  	s19 =	sadd.s32 $0xF4280, s23;
	s16 =	sand.u32 $0x1FFFFFF0, s22;
	s15 =	sand.u32 $0x1FFFFFF0, s18  }
0xf0: {  	[tilespmem:s24], [sflag:$0x1] =	stream.linear.gather [hbm4b:s19+s6], $0x400, $0x38;
	[tilespmem:$0x11700] =	vst v63  }
0xf1: {  	s22 =	sand.u32 $0x1FFFFF80, s25;
	s21 =	spop (v2sf);
	s15 =	sadd.s32 s29, s15  }
0xf2: {  	[tilespmem:s14], [sflag:$0x1] =	stream.linear.gather [hbm4b:s17+s6], $0x400, $0x38;
	[tilespmem:$0x11700] =	vst v63  }
0xf3: {  	s23 =	sand.u32 $0x1FFFFF80, s21;
	s24 =	sshrl.u32 s25, $0x3;
	s17 =	sadd.s32 $0xF4280, s17  }
0xf4: {  	(v2sf) =	vpush v19, $0xA;
	[tilespmem:s13], [sflag:$0x1] =	stream.linear.gather [hbm4b:s17+s6], $0x400, $0x38;
	[tilespmem:$0x11700] =	vst v63  }
0xf5: {  	s25 =	sld [smem:$0x7C8];
	s18 =	sshrl.u32 s21, $0x3;
	s14 =	sadd.s32 s26, s22  }
0xf6: {  	[tilespmem:s12], [sflag:$0x2] =	stream.linear.gather [hbm4b:s15+s6], $0x80, $0x38;
	[tilespmem:$0x11700] =	vst v63  }
0xf7: {  	s19 =	spop (v2sf);
	s15 =	sadd.s32 s30, s16;
	s16 =	sld [smem:$0x7C9]  }
0xf8: {  	(v2sf) =	vpush v18, $0xA;
	[tilespmem:s25], [sflag:$0x2] =	stream.linear.gather [hbm4b:s15+s6], $0x80, $0x38;
	[tilespmem:$0x11700] =	vst v63  }
0xf9: {  	s22 =	sadd.s32 s28, s23;
	s13 =	sand.u32 $0x1FFFFFF0, s18;
	s21 =	spop (v2sf)  }
0xfa: {  	[tilespmem:s16], [sflag:$0x1] =	stream.linear.gather [hbm4b:s14+s6], $0x400, $0x38;
	[tilespmem:$0x11700] =	vst v63  }
0xfb: {  	s23 =	sshrl.u32 s19, $0x3;
	s17 =	sld [smem:$0x7D3];
	s14 =	sadd.s32 $0xF4280, s14  }
0xfc: {  	[tilespmem:s11], [sflag:$0x1] =	stream.linear.gather [hbm4b:s14+s6], $0x400, $0x38;
	[tilespmem:$0x11700] =	vst v63  }
0xfd: {  	s20 =	sshrl.u32 s21, $0x3;
	s13 =	sadd.s32 s30, s13;
	s12 =	sand.u32 $0x1FFFFFF0, s24  }
0xfe: {  	(v2sf) =	vpush v19, $0xB;
	[tilespmem:s10], [sflag:$0x1] =	stream.linear.gather [hbm4b:s22+s6], $0x400, $0x38;
	[tilespmem:$0x11700] =	vst v63  }
0xff: {  	s24 =	sadd.s32 $0xF4280, s22;
	s18 =	sadd.s32 s29, s12;
	s25 =	sld [smem:$0x7CD]  }
0x100: {  	(v2sf) =	vpush v18, $0xB;
	[tilespmem:s9], [sflag:$0x1] =	stream.linear.gather [hbm4b:s24+s6], $0x400, $0x38;
	[tilespmem:$0x11700] =	vst v63  }
0x101: {  	s11 =	sand.u32 $0x1FFFFF80, s19;
	s14 =	sand.u32 $0x1FFFFF80, s21;
	s19 =	sld [smem:$0x7CE]  }
0x102: {  	[tilespmem:s25], [sflag:$0x2] =	stream.linear.gather [hbm4b:s18+s6], $0x80, $0x38;
	[tilespmem:$0x11700] =	vst v63  }
0x103: {  	s21 =	spop (v2sf);
	s11 =	sadd.s32 s26, s11;
	s12 =	sadd.s32 s28, s14  }
0x104: {  	[tilespmem:s19], [sflag:$0x2] =	stream.linear.gather [hbm4b:s13+s6], $0x80, $0x38;
	[tilespmem:$0x11700] =	vst v63  }
0x105: {  	s14 =	sld [smem:$0x7D2];
	s16 =	sshrl.u32 s21, $0x3;
	s10 =	sand.u32 $0x1FFFFFF0, s20  }
0x106: {  	[tilespmem:s8], [sflag:$0x1] =	stream.linear.gather [hbm4b:s11+s6], $0x400, $0x38;
	[tilespmem:$0x11700] =	vst v63  }
0x107: {  	s22 =	spop (v2sf);
	s10 =	sadd.s32 s30, s10;
	s11 =	sadd.s32 $0xF4280, s11  }
0x108: {  	[tilespmem:s7], [sflag:$0x1] =	stream.linear.gather [hbm4b:s11+s6], $0x400, $0x38;
	[tilespmem:$0x11700] =	vst v63  }
0x109: {  	s9 =	sand.u32 $0x1FFFFFF0, s23;
	s23 =	sand.u32 $0x1FFFFF80, s21;
	s24 =	sand.u32 $0x1FFFFF80, s22  }
0x10a: {  	[tilespmem:s5], [sflag:$0x1] =	stream.linear.gather [hbm4b:s12+s6], $0x400, $0x38;
	[tilespmem:$0x11700] =	vst v63  }
0x10b: {  	s9 =	sadd.s32 s29, s9;
	s24 =	sadd.s32 s28, s24;
	s11 =	sadd.s32 $0xF4280, s12  }
0x10c: {  	(v2sf) =	vpush v19, $0xC;
	[tilespmem:s14], [sflag:$0x1] =	stream.linear.gather [hbm4b:s11+s6], $0x400, $0x38;
	[tilespmem:$0x11700] =	vst v63  }
0x10d: {  	s25 =	sshrl.u32 s22, $0x3;
	s18 =	sld [smem:$0x7D4];
	s19 =	spop (v2sf)  }
0x10e: {  	(v2sf) =	vpush v18, $0xC;
	[tilespmem:s17], [sflag:$0x2] =	stream.linear.gather [hbm4b:s9+s6], $0x80, $0x38;
	[tilespmem:$0x11700] =	vst v63  }
0x10f: {  	s13 =	sld [smem:$0x7DA];
	s20 =	sand.u32 $0x1FFFFF80, s19;
	s21 =	spop (v2sf)  }
0x110: {  	[tilespmem:s18], [sflag:$0x2] =	stream.linear.gather [hbm4b:s10+s6], $0x80, $0x38;
	[tilespmem:$0x11700] =	vst v63  }
0x111: {  	s8 =	sadd.s32 s26, s23;
	s22 =	sand.u32 $0x1FFFFF80, s21;
	s23 =	sshrl.u32 s19, $0x3  }
0x112: {  	[tilespmem:s4], [sflag:$0x1] =	stream.linear.gather [hbm4b:s8+s6], $0x400, $0x38;
	[tilespmem:$0x11700] =	vst v63  }
0x113: {  	s7 =	sand.u32 $0x1FFFFFF0, s25;
	s25 =	sld [smem:$0x7D8];
	s8 =	sadd.s32 $0xF4280, s8  }
0x114: {  	(v2sf) =	vpush v19, $0xD;
	[tilespmem:s3], [sflag:$0x1] =	stream.linear.gather [hbm4b:s8+s6], $0x400, $0x38;
	[tilespmem:$0x11700] =	vst v63  }
0x115: {  	s5 =	sand.u32 $0x1FFFFFF0, s16;
	s16 =	sadd.s32 s26, s20;
	s20 =	sld [smem:$0x7DD]  }
0x116: {  	[tilespmem:s2], [sflag:$0x1] =	stream.linear.gather [hbm4b:s24+s6], $0x400, $0x38;
	[tilespmem:$0x11700] =	vst v63  }
0x117: {  	s11 =	sshrl.u32 s21, $0x3;
	s21 =	sld [smem:$0x7DE];
	s8 =	sadd.s32 $0xF4280, s24  }
0x118: {  	[tilespmem:s25], [sflag:$0x1] =	stream.linear.gather [hbm4b:s8+s6], $0x400, $0x38;
	[tilespmem:$0x11700] =	vst v63  }
0x119: {  	s7 =	sadd.s32 s30, s7;
	s5 =	sadd.s32 s29, s5;
	s17 =	sld [smem:$0x7DC]  }
0x11a: {  	[tilespmem:s1], [sflag:$0x2] =	stream.linear.gather [hbm4b:s5+s6], $0x80, $0x38;
	[tilespmem:$0x11700] =	vst v63  }
0x11b: {  	s12 =	spop (v2sf);
	s19 =	sadd.s32 $0xF4280, s16;
	s9 =	sld [smem:$0x7EC]  }
0x11c: {  	[tilespmem:s13], [sflag:$0x2] =	stream.linear.gather [hbm4b:s7+s6], $0x80, $0x38;
	[tilespmem:$0x11700] =	vst v63  }
0x11d: {  	s14 =	sand.u32 $0x1FFFFF80, s12;
	s15 =	spop (v2sf);
	s10 =	sld [smem:$0x7E1]  }
0x11e: {  	(v2sf) =	vpush v18, $0xD;
	[tilespmem:s0], [sflag:$0x1] =	stream.linear.gather [hbm4b:s16+s6], $0x400, $0x38;
	[tilespmem:$0x11700] =	vst v63  }
0x11f: {  	s11 =	sand.u32 $0x1FFFFFF0, s11;
	s18 =	sshrl.u32 s12, $0x3;
	s12 =	sld [smem:$0x7E2]  }
0x120: {  	[tilespmem:s17], [sflag:$0x1] =	stream.linear.gather [hbm4b:s19+s6], $0x400, $0x38;
	[tilespmem:$0x11700] =	vst v63  }
0x121: {  	s4 =	sadd.s32 s28, s22;
	s22 =	sld [smem:$0x7DF];
	s3 =	sand.u32 $0x1FFFFFF0, s23  }
0x122: {  	[tilespmem:s20], [sflag:$0x1] =	stream.linear.gather [hbm4b:s4+s6], $0x400, $0x38;
	[tilespmem:$0x11700] =	vst v63  }
0x123: {  	s3 =	sadd.s32 s29, s3;
	s25 =	spop (v2sf);
	s4 =	sadd.s32 $0xF4280, s4  }
0x124: {  	(v2sf) =	vpush v19, $0xE;
	[tilespmem:s21], [sflag:$0x1] =	stream.linear.gather [hbm4b:s4+s6], $0x400, $0x38;
	[tilespmem:$0x11700] =	vst v63  }
0x125: {  	s24 =	sld [smem:$0x7E0];
	s2 =	sadd.s32 s30, s11;
	s11 =	sand.u32 $0x1FFFFF80, s25  }
0x126: {  	[tilespmem:s22], [sflag:$0x2] =	stream.linear.gather [hbm4b:s3+s6], $0x80, $0x38;
	[tilespmem:$0x11700] =	vst v63  }
0x127: {  	s1 =	sadd.s32 s26, s14;
	s14 =	sld [smem:$0x7E3];
	s7 =	sand.u32 $0x1FFFFF80, s15  }
0x128: {  	[tilespmem:s24], [sflag:$0x2] =	stream.linear.gather [hbm4b:s2+s6], $0x80, $0x38;
	[tilespmem:$0x11700] =	vst v63  }
0x129: {  	s5 =	sshrl.u32 s15, $0x3;
	s0 =	sand.u32 $0x1FFFFFF0, s18;
	s18 =	sld [smem:$0x7E5]  }
0x12a: {  	(v2sf) =	vpush v18, $0xE;
	[tilespmem:s10], [sflag:$0x1] =	stream.linear.gather [hbm4b:s1+s6], $0x400, $0x38;
	[tilespmem:$0x11700] =	vst v63  }
0x12b: {  	s16 =	sadd.s32 s28, s7;
	s7 =	sld [smem:$0x7F8];
	s1 =	sadd.s32 $0xF4280, s1  }
0x12c: {  	[tilespmem:s12], [sflag:$0x1] =	stream.linear.gather [hbm4b:s1+s6], $0x400, $0x38;
	[tilespmem:$0x11700] =	vst v63  }
0x12d: {  	s23 =	sand.u32 $0x1FFFFFF0, s5;
	s13 =	spop (v2sf);
	s17 =	sld [smem:$0x7E4]  }
0x12e: {  	[tilespmem:s14], [sflag:$0x1] =	stream.linear.gather [hbm4b:s16+s6], $0x400, $0x38;
	[tilespmem:$0x11700] =	vst v63  }
0x12f: {  	s15 =	sand.u32 $0x1FFFFF80, s13;
	s5 =	sadd.s32 $0xF4280, s16;
	s19 =	sld [smem:$0x7E6]  }
0x130: {  	[tilespmem:s17], [sflag:$0x1] =	stream.linear.gather [hbm4b:s5+s6], $0x400, $0x38;
	[tilespmem:$0x11700] =	vst v63  }
0x131: {  	s0 =	sadd.s32 s29, s0;
	s20 =	sshrl.u32 s13, $0x3;
	s13 =	sld [smem:$0x7EE]  }
0x132: {  	[tilespmem:s18], [sflag:$0x2] =	stream.linear.gather [hbm4b:s0+s6], $0x80, $0x38;
	[tilespmem:$0x11700] =	vst v63  }
0x133: {  	s4 =	sadd.s32 s30, s23;
	s21 =	sld [smem:$0x7E7];
	s23 =	spop (v2sf)  }
0x134: {  	[tilespmem:s19], [sflag:$0x2] =	stream.linear.gather [hbm4b:s4+s6], $0x80, $0x38;
	[tilespmem:$0x11700] =	vst v63  }
0x135: {  	s3 =	sshrl.u32 s25, $0x3;
	s22 =	sld [smem:$0x7E9];
	s2 =	sadd.s32 s26, s11  }
0x136: {  	[tilespmem:s21], [sflag:$0x1] =	stream.linear.gather [hbm4b:s2+s6], $0x400, $0x38;
	[tilespmem:$0x11700] =	vst v63  }
0x137: {  	s3 =	sand.u32 $0x1FFFFFF0, s3;
	s24 =	sld [smem:$0x7EB];
	s2 =	sadd.s32 $0xF4280, s2  }
0x138: {  	[tilespmem:s22], [sflag:$0x1] =	stream.linear.gather [hbm4b:s2+s6], $0x400, $0x38;
	[tilespmem:$0x11700] =	vst v63  }
0x139: {  	s25 =	spop (v2sf);
	s11 =	sld [smem:$0x7ED];
	s1 =	sadd.s32 s28, s15  }
0x13a: {  	(v2sf) =	vpush v19, $0xF;
	[tilespmem:s24], [sflag:$0x1] =	stream.linear.gather [hbm4b:s1+s6], $0x400, $0x38;
	[tilespmem:$0x11700] =	vst v63  }
0x13b: {  	s10 =	sand.u32 $0x1FFFFF80, s23;
	s12 =	sand.u32 $0x1FFFFF80, s25;
	s1 =	sadd.s32 $0xF4280, s1  }
0x13c: {  	[tilespmem:s9], [sflag:$0x1] =	stream.linear.gather [hbm4b:s1+s6], $0x400, $0x38;
	[tilespmem:$0x11700] =	vst v63  }
0x13d: {  	s3 =	sadd.s32 s29, s3;
	s15 =	sld [smem:$0x7F0];
	s0 =	sand.u32 $0x1FFFFFF0, s20  }
0x13e: {  	(v2sf) =	vpush v18, $0xF;
	[tilespmem:s11], [sflag:$0x2] =	stream.linear.gather [hbm4b:s3+s6], $0x80, $0x38;
	[tilespmem:$0x11700] =	vst v63  }
0x13f: {  	s16 =	sshrl.u32 s25, $0x3;
	s25 =	sld [smem:$0x7F7];
	s0 =	sadd.s32 s30, s0  }
0x140: {  	[tilespmem:s13], [sflag:$0x2] =	stream.linear.gather [hbm4b:s0+s6], $0x80, $0x38;
	[tilespmem:$0x11700] =	vst v63  }
0x141: {  	s17 =	sadd.s32 s26, s10;
	s18 =	sld [smem:$0x7F2]  }
0x142: {  	[tilespmem:s15], [sflag:$0x1] =	stream.linear.gather [hbm4b:s17+s6], $0x400, $0x38;
	[tilespmem:$0x11700] =	vst v63  }
0x143: {  	s19 =	sld [smem:$0x7F4];
	s2 =	sadd.s32 $0xF4280, s17  }
0x144: {  	[tilespmem:s18], [sflag:$0x1] =	stream.linear.gather [hbm4b:s2+s6], $0x400, $0x38;
	[tilespmem:$0x11700] =	vst v63  }
0x145: {  	s14 =	sshrl.u32 s23, $0x3;
	s20 =	sld [smem:$0x7F5];
	s1 =	sadd.s32 s28, s12  }
0x146: {  	[tilespmem:s19], [sflag:$0x1] =	stream.linear.gather [hbm4b:s1+s6], $0x400, $0x38;
	[tilespmem:$0x11700] =	vst v63  }
0x147: {  	s22 =	sld [smem:$0x7F6];
	s3 =	sand.u32 $0x1FFFFFF0, s14;
	s1 =	sadd.s32 $0xF4280, s1  }
0x148: {  	[tilespmem:s20], [sflag:$0x1] =	stream.linear.gather [hbm4b:s1+s6], $0x400, $0x38;
	[tilespmem:$0x11700] =	vst v63  }
0x149: {  	s21 =	spop (v2sf);
	s24 =	sadd.s32 s29, s3;
	s0 =	sand.u32 $0x1FFFFFF0, s16  }
0x14a: {  	[tilespmem:s22], [sflag:$0x2] =	stream.linear.gather [hbm4b:s24+s6], $0x80, $0x38;
	[tilespmem:$0x11700] =	vst v63  }
0x14b: {  	s5 =	sand.u32 $0x1FFFFF80, s21;
	s9 =	sld [smem:$0x7F9];
	s0 =	sadd.s32 s30, s0  }
0x14c: {  	[tilespmem:s25], [sflag:$0x2] =	stream.linear.gather [hbm4b:s0+s6], $0x80, $0x38;
	[tilespmem:$0x11700] =	vst v63  }
0x14d: {  	s8 =	spop (v2sf);
	s11 =	sld [smem:$0x7FA];
	s2 =	sadd.s32 s26, s5  }
0x14e: {  	[tilespmem:s7], [sflag:$0x1] =	stream.linear.gather [hbm4b:s2+s6], $0x400, $0x38;
	[tilespmem:$0x11700] =	vst v63  }
0x14f: {  	s10 =	sand.u32 $0x1FFFFF80, s8;
	s14 =	sld [smem:$0x7FC];
	s2 =	sadd.s32 $0xF4280, s2  }
0x150: {  	[tilespmem:s9], [sflag:$0x1] =	stream.linear.gather [hbm4b:s2+s6], $0x400, $0x38;
	[tilespmem:$0x11700] =	vst v63  }
0x151: {  	s23 =	sshrl.u32 s21, $0x3;
	s12 =	sadd.s32 s28, s10;
	s13 =	sld [smem:$0x7FB]  }
0x152: {  	[tilespmem:s11], [sflag:$0x1] =	stream.linear.gather [hbm4b:s12+s6], $0x400, $0x38;
	[tilespmem:$0x11700] =	vst v63  }
0x153: {  	s1 =	sand.u32 $0x1FFFFFF0, s23;
	s0 =	sshrl.u32 s8, $0x3;
	s2 =	sadd.s32 $0xF4280, s12  }
0x154: {  	[tilespmem:s13], [sflag:$0x1] =	stream.linear.gather [hbm4b:s2+s6], $0x400, $0x38;
	[tilespmem:$0x11700] =	vst v63  }
0x155: {  	s15 =	sld [smem:$0x7FD];
	s1 =	sadd.s32 s29, s1;
	s0 =	sand.u32 $0x1FFFFFF0, s0  }
0x156: {  	[tilespmem:s14], [sflag:$0x2] =	stream.linear.gather [hbm4b:s1+s6], $0x80, $0x38;
	[tilespmem:$0x11700] =	vst v63  }
0x157: {  	s16 =	simm.s32 $0x1;
	s0 =	sadd.s32 s30, s0  }
0x158: {  	[tilespmem:s15], [sflag:$0x2] =	stream.linear.gather [hbm4b:s0+s6], $0x80, $0x38;
	[tilespmem:$0x11700] =	vst v63  }
0x159: {  	_ =	swait.ge [sflag:s16], $0x8000  }
0x15a: {  	[sflag:s16] =	ssyncset.done $0x0  }
0x15b: {  	[sflag:s16] =	ssyncadd.s32 $0xFFFF8000  }
0x15c: {  	_ =	swait.ge [sflag:s16], $0x8000  }
0x15d: {  	[sflag:s16] =	ssyncset.done $0x0  }
0x15e: {  	s17 =	simm.s32 $0x2;
	[sflag:s16] =	ssyncadd.s32 $0xFFFF8000  }
0x15f: {  	_ =	swait.ge [sflag:s17], $0x800  }
0x160: {  	[sflag:s17] =	ssyncset.done $0x0  }
0x161: {  	[sflag:s17] =	ssyncadd.s32 $0xFFFFF800  }
0x162: {  	_ =	swait.ge [sflag:s17], $0x800  }
0x163: {  	s14 =	rddreg [dreg:$0x9]  }
0x164: {  	s18 =	sld [smem:$0x7D9]  }
0x165: {  	s4 =	sld [smem:$0x7DB]  }
0x166: {  	s19 =	sld [smem:$0x7D7]  }
0x167: {  	s20 =	sld [smem:$0x7D6]  }
0x168: {  	s22 =	sld [smem:$0x7D5]  }
0x169: {  	s23 =	sld [smem:$0x7D1]  }
0x16a: {  	s24 =	sld [smem:$0x7D0]  }
0x16b: {  	s25 =	sld [smem:$0x7CF]  }
0x16c: {  	s26 =	sld [smem:$0x7CC]  }
0x16d: {  	s28 =	sld [smem:$0x7CB]  }
0x16e: {  	s29 =	sld [smem:$0x7CA]  }
0x16f: {  	s30 =	sld [smem:$0x7C7]  }
0x170: {  	s1 =	sld [smem:$0x7C6]  }
0x171: {  	s3 =	sld [smem:$0x7C5]  }
0x172: {  	s5 =	sld [smem:$0x7C3]  }
0x173: {  	s7 =	sld [smem:$0x7C2]  }
0x174: {  	s8 =	sld [smem:$0x7C1]  }
0x175: {  	s9 =	sld [smem:$0x7C0]  }
0x176: {  	v23 =	vand.u32 $0x7F, v19;
	s10 =	sld [smem:$0x7BF]  }
0x177: {  	v19 =	vor.u32 v2, v23;
	s11 =	sld [smem:$0x7BE]  }
0x178: {  	v20 =	vor.u32 v0, v23;
	s12 =	sld [smem:$0x7BD]  }
0x179: {  	s13 =	sld [smem:$0x7BC]  }
0x17a: {  	[sflag:s17] =	ssyncset.done $0x0;
	s15 =	sld [smem:$0x7BB]  }
0x17b: {  	s21 =	simm.s32 $0x600;
	s16 =	sld [smem:$0x7BA];
	[sflag:s17] =	ssyncadd.s32 $0xFFFFF800  }
0x17c: {  	s17 =	sld [smem:$0x7B9];
	v27 =	vld.idx.msk [tilespmem:v19+s21+$0x0], $0xffff  }
0x17d: {  	v30 =	vld.idx.msk [tilespmem:v20+s21+$0x0], $0xffff;
	s21 =	sld [smem:$0x7B5]  }
0x17e: {  	[smem:$0x794] =	sst s18  }
0x17f: {  	[smem:$0x795] =	sst s19  }
0x180: {  	[smem:$0x796] =	sst s20  }
0x181: {  	[smem:$0x797] =	sst s22  }
0x182: {  	[smem:$0x798] =	sst s23  }
0x183: {  	v25 =	vand.u32 $0x7F, v18;
	[smem:$0x799] =	sst s24  }
0x184: {  	v22 =	vor.u32 v0, v25;
	[smem:$0x79A] =	sst s25  }
0x185: {  	v24 =	vor.u32 v1, v25;
	[smem:$0x79B] =	sst s26  }
0x186: {  	v26 =	vor.u32 v1, v23;
	[smem:$0x79C] =	sst s28  }
0x187: {  	v28 =	vor.u32 v2, v25;
	[smem:$0x79D] =	sst s29  }
0x188: {  	v29 =	vor.u32 v3, v23;
	[smem:$0x79E] =	sst s30  }
0x189: {  	v21 =	vor.u32 v15, v23;
	v31 =	vor.u32 v3, v25;
	v32 =	vld.idx.msk [tilespmem:v22+s31+$0x0], $0xffff;
	[smem:$0x79F] =	sst s1  }
0x18a: {  	v34 =	vor.u32 v4, v23;
	v35 =	vor.u32 v13, v25;
	v36 =	vor.u32 v14, v23;
	s2 =	simm.s32 $0x600;
	v33 =	vld.idx.msk [tilespmem:v24+s31+$0x0], $0xffff;
	[smem:$0x7A0] =	sst s3  }
0x18b: {  	v37 =	vor.u32 v4, v25;
	v38 =	vor.u32 v12, v25;
	v39 =	vor.u32 v13, v23;
	v26 =	vld.idx.msk [tilespmem:v26+s2+$0x0], $0xffff;
	[smem:$0x7A1] =	sst s5  }
0x18c: {  	v40 =	vor.u32 v5, v23;
	v41 =	vor.u32 v11, v25;
	v42 =	vor.u32 v12, v23;
	v28 =	vld.idx.msk [tilespmem:v28+s31+$0x0], $0xffff;
	[smem:$0x7A2] =	sst s7  }
0x18d: {  	v43 =	vor.u32 v5, v25;
	v44 =	vor.u32 v10, v25;
	v45 =	vor.u32 v6, v23;
	v29 =	vld.idx.msk [tilespmem:v29+s2+$0x0], $0xffff;
	[smem:$0x7A3] =	sst s8  }
0x18e: {  	v47 =	vor.u32 v11, v23;
	v48 =	vor.u32 v10, v23;
	v49 =	vor.u32 v6, v25;
	v31 =	vld.idx.msk [tilespmem:v31+s31+$0x0], $0xffff;
	[smem:$0x7A4] =	sst s9  }
0x18f: {  	v51 =	vor.u32 v7, v23;
	v52 =	vor.u32 v8, v25;
	v34 =	vld.idx.msk [tilespmem:v34+s2+$0x0], $0xffff;
	[smem:$0x7A5] =	sst s10;
	v46 =	vmul.f32 v32, v30  }
0x190: {  	v53 =	vor.u32 v9, v23;
	v54 =	vor.u32 v7, v25;
	v18 =	vimm.f32 $0.0e+00;
	v37 =	vld.idx.msk [tilespmem:v37+s31+$0x0], $0xffff;
	[smem:$0x7A6] =	sst s11  }
0x191: {  	v19 =	vor.u32 v16, v25;
	v40 =	vld.idx.msk [tilespmem:v40+s2+$0x0], $0xffff;
	[smem:$0x7A7] =	sst s12;
	v50 =	vmul.f32 v33, v26;
	v46 =	vadd.f32 $0.0e+00, v46  }
0x192: {  	v20 =	vor.u32 v16, v23;
	v24 =	vor.u32 v14, v25;
	v22 =	vor.u32 v15, v25;
	v43 =	vld.idx.msk [tilespmem:v43+s31+$0x0], $0xffff;
	[smem:$0x7A8] =	sst s13  }
0x193: {  	v23 =	vor.u32 v8, v23;
	v45 =	vld.idx.msk [tilespmem:v45+s2+$0x0], $0xffff;
	[smem:$0x7A9] =	sst s15;
	v55 =	vmul.f32 v28, v27;
	v46 =	vadd.f32 v50, v46  }
0x194: {  	v25 =	vor.u32 v9, v25;
	v49 =	vld.idx.msk [tilespmem:v49+s31+$0x0], $0xffff;
	[smem:$0x7AA] =	sst s16;
	v26 =	vmul.f32 v26, v26;
	v30 =	vmul.f32 v30, v30  }
0x195: {  	v51 =	vld.idx.msk [tilespmem:v51+s2+$0x0], $0xffff;
	s18 =	sld [smem:$0x7B8];
	v32 =	vmul.f32 v32, v32;
	v61 =	vmul.f32 v31, v29;
	v46 =	vadd.f32 v55, v46  }
0x196: {  	v54 =	vld.idx.msk [tilespmem:v54+s31+$0x0], $0xffff;
	s19 =	sld [smem:$0x7B6];
	v27 =	vmul.f32 v27, v27;
	v33 =	vmul.f32 v33, v33;
	v30 =	vadd.f32 v30, v18  }
0x197: {  	v44 =	vld.idx.msk [tilespmem:v44+s31+$0x0], $0xffff;
	s22 =	sld [smem:$0x7B4];
	v62 =	vmul.f32 v37, v34;
	v32 =	vadd.f32 v32, v18;
	v46 =	vadd.f32 v61, v46  }
0x198: {  	v58 =	vld.idx.msk [tilespmem:v47+s2+$0x0], $0xffff;
	s23 =	rddreg [dreg:$0x1f];
	v28 =	vmul.f32 v28, v28;
	v29 =	vmul.f32 v29, v29;
	v26 =	vadd.f32 v26, v30  }
0x199: {  	s24 =	rddreg [dreg:$0x1e];
	v63 =	vmul.f32 v43, v40;
	v30 =	vld.idx.msk [tilespmem:v23+s2+$0x0], $0xffff;
	v23 =	vadd.f32 v33, v32;
	v46 =	vadd.f32 v62, v46  }
0x19a: {  	s25 =	rddreg [dreg:$0x1d];
	v31 =	vmul.f32 v31, v31;
	v34 =	vmul.f32 v34, v34;
	v50 =	vld.idx.msk [tilespmem:v52+s31+$0x0], $0xffff;
	v26 =	vadd.f32 v27, v26  }
0x19b: {  	s5 =	rddreg [dreg:$0x1a];
	v25 =	vld.idx.msk [tilespmem:v25+s31+$0x0], $0xffff;
	v52 =	vmul.f32 v49, v45;
	v23 =	vadd.f32 v28, v23;
	v32 =	vadd.f32 v63, v46  }
0x19c: {  	s15 =	rddreg [dreg:$0x19];
	v37 =	vmul.f32 v37, v37;
	v40 =	vmul.f32 v40, v40;
	v27 =	vld.idx.msk [tilespmem:v53+s2+$0x0], $0xffff;
	v26 =	vadd.f32 v29, v26  }
0x19d: {  	v38 =	vld.idx.msk [tilespmem:v38+s31+$0x0], $0xffff;
	s16 =	rddreg [dreg:$0x18];
	v55 =	vmul.f32 v54, v51;
	v23 =	vadd.f32 v31, v23;
	v28 =	vadd.f32 v52, v32  }
0x19e: {  	s20 =	simm.s32 $0x10;
	s7 =	rddreg [dreg:$0x16];
	v56 =	vmul.f32 v43, v43;
	v57 =	vmul.f32 v45, v45;
	v53 =	vld.idx.msk [tilespmem:v48+s2+$0x0], $0xffff;
	v26 =	vadd.f32 v34, v26  }
0x19f: {  	s8 =	rddreg [dreg:$0x14];
	v59 =	vmul.f32 v50, v30;
	v37 =	vadd.f32 v37, v23;
	v23 =	vld [tilespmem:s20+$0x0];
	v28 =	vadd.f32 v55, v28  }
0x1a0: {  	s9 =	rddreg [dreg:$0x13];
	v60 =	vmul.f32 v49, v49;
	v48 =	vmul.f32 v54, v54;
	v62 =	vld.idx.msk [tilespmem:v41+s31+$0x0], $0xffff;
	v26 =	vadd.f32 v40, v26  }
0x1a1: {  	v39 =	vld.idx.msk [tilespmem:v39+s2+$0x0], $0xffff;
	s10 =	rddreg [dreg:$0x12];
	v47 =	vmul.f32 v25, v27;
	v32 =	vadd.f32 v56, v37;
	v28 =	vadd.f32 v59, v28  }
0x1a2: {  	s11 =	rddreg [dreg:$0x11];
	v61 =	vmul.f32 v51, v51;
	v30 =	vmul.f32 v30, v30;
	v63 =	vld.idx.msk [tilespmem:v42+s2+$0x0], $0xffff;
	v26 =	vadd.f32 v57, v26  }
0x1a3: {  	v35 =	vld.idx.msk [tilespmem:v35+s31+$0x0], $0xffff;
	s13 =	rddreg [dreg:$0xf];
	v49 =	vmul.f32 v44, v53;
	v31 =	vadd.f32 v60, v32;
	v28 =	vadd.f32 v47, v28  }
0x1a4: {  	v36 =	vld.idx.msk [tilespmem:v36+s2+$0x0], $0xffff;
	[smem:$0x7AB] =	sst s17;
	v33 =	vmul.f32 v50, v50;
	(v2sf) =	vpush v23, $0x0;
	v26 =	vadd.f32 v61, v26  }
0x1a5: {  	[smem:$0x7B0] =	sst s23;
	v51 =	vld.idx.msk [tilespmem:v24+s31+$0x0], $0xffff;
	v50 =	vmul.f32 v62, v58;
	v31 =	vadd.f32 v48, v31;
	v28 =	vadd.f32 v49, v28  }
0x1a6: {  	[smem:$0x7B1] =	sst s24;
	v27 =	vmul.f32 v27, v27;
	v25 =	vmul.f32 v25, v25;
	v26 =	vadd.f32 v30, v26  }
0x1a7: {  	v21 =	vld.idx.msk [tilespmem:v21+s2+$0x0], $0xffff;
	[smem:$0x7B2] =	sst s25;
	v52 =	vmul.f32 v38, v63;
	v24 =	vadd.f32 v33, v31;
	v28 =	vadd.f32 v50, v28  }
0x1a8: {  	s26 =	simm.s32 $0x10;
	s17 =	rddreg [dreg:$0x17];
	v22 =	vld.idx.msk [tilespmem:v22+s31+$0x0], $0xffff;
	v29 =	vmul.f32 v53, v53;
	v53 =	vmul.f32 v44, v44;
	v26 =	vadd.f32 v27, v26  }
0x1a9: {  	[smem:$0x7B3] =	sst s26;
	v27 =	vmul.f32 v35, v39;
	v25 =	vadd.f32 v25, v24;
	v28 =	vadd.f32 v52, v28  }
0x1aa: {  	s24 =	rddreg [dreg:$0x15];
	v54 =	vmul.f32 v58, v58;
	v56 =	vmul.f32 v51, v36;
	v26 =	vadd.f32 v29, v26  }
0x1ab: {  	s28 =	simm.s32 $0x10600;
	s25 =	rddreg [dreg:$0x10];
	v55 =	vmul.f32 v62, v62;
	v24 =	vld [tilespmem:s20+$0x200];
	v25 =	vadd.f32 v53, v25;
	v27 =	vadd.f32 v27, v28  }
0x1ac: {  	s23 =	rddreg [dreg:$0xb];
	v20 =	vld.idx.msk [tilespmem:v20+s28+$0x0], $0xffff;
	v58 =	vmul.f32 v38, v38;
	v57 =	vmul.f32 v63, v63;
	v26 =	vadd.f32 v54, v26  }
0x1ad: {  	s29 =	simm.s32 $0x10E00;
	[smem:$0x7AE] =	sst s21;
	v59 =	vmul.f32 v22, v21;
	v25 =	vadd.f32 v55, v25;
	v27 =	vadd.f32 v56, v27  }
0x1ae: {  	s21 =	rddreg [dreg:$0xd];
	v19 =	vld.idx.msk [tilespmem:v19+s29+$0x0], $0xffff;
	v60 =	vmul.f32 v39, v39;
	(v2sf) =	vpush v23, $0x1;
	v26 =	vadd.f32 v57, v26  }
0x1af: {  	[smem:$0x7AC] =	sst s18;
	v61 =	vmul.f32 v35, v35;
	v25 =	vadd.f32 v58, v25;
	v27 =	vadd.f32 v59, v27  }
0x1b0: {  	[smem:$0x7AD] =	sst s19;
	v62 =	vmul.f32 v36, v36;
	(v2sf) =	vpush v24, $0x0;
	v26 =	vadd.f32 v60, v26  }
0x1b1: {  	[smem:$0x7AF] =	sst s22;
	v30 =	vmul.f32 v51, v51;
	v25 =	vadd.f32 v61, v25;
	v20 =	vadd.f32 v27, v20  }
0x1b2: {  	s18 =	rddreg [dreg:$0x1c];
	v21 =	vmul.f32 v21, v21;
	(v2sf) =	vpush v24, $0x1;
	v26 =	vadd.f32 v62, v26  }
0x1b3: {  	s0 =	simm.s32 $0x80;
	s19 =	rddreg [dreg:$0x1b];
	v28 =	vadd.f32 v30, v25;
	v27 =	vmul.f32 v22, v22;
	v63 =	vadd.f32 v20, v19  }
0x1b4: {  	s22 =	rddreg [dreg:$0xc];
	s31 =	simm.s32 $0x0;
	s30 =	spop (v2sf);
	(v2sf) =	vpush v23, $0x2;
	v21 =	vadd.f32 v21, v26;
	v22 =	vand.u32 $0x7F, v24  }
0x1b5: {  	s20 =	rddreg [dreg:$0xe];
	s26 =	sand.u32 $0x1FFFFF80, s30;
	s12 =	sshrl.u32 s30, $0x3;
	v25 =	vld [tilespmem:s31+$0x400];
	v20 =	vand.u32 $0x7F, v23;
	v19 =	vadd.f32 v27, v28;
	v26 =	vadd.f32 v63, v17  }
.LBB2_2:
0x1b6: {  	_ =	sdelay $0x2  }
0x1b7: {  	s30 =	rddreg [dreg:$0x3]  }
0x1b8: {  	s29 =	simm.s32 $0x600;
	s26 =	sadd.s32 s30, s26  }
0x1b9: {  	[tilespmem:s29], [sflag:$0x1] =	stream.linear.gather [hbm4b:s26+s6], $0x400, $0x38;
	[tilespmem:$0x11700] =	vst v63  }
0x1ba: {  	s1 =	rddreg [dreg:$0xa];
	s3 =	smov.u32 s0;
	s26 =	sadd.s32 $0xF4280, s26  }
0x1bb: {  	[tilespmem:s14], [sflag:$0x1] =	stream.linear.gather [hbm4b:s26+s6], $0x400, $0x38;
	[tilespmem:$0x11700] =	vst v63  }
0x1bc: {  	[smem:$0x792] =	sst s3;
	s2 =	spop (v2sf)  }
0x1bd: {  	s12 =	sand.u32 $0x1FFFFFF0, s12;
	[smem:$0x791] =	sst s4;
	s31 =	spop (v2sf)  }
0x1be: {  	(v2sf) =	vpush v24, $0x2;
	s3 =	sand.u32 $0x1FFFFF80, s2;
	s2 =	sshrl.u32 s2, $0x3;
	s14 =	sand.u32 $0x1FFFFF80, s31  }
0x1bf: {  	s4 =	sshrl.u32 s31, $0x3;
	s28 =	spop (v2sf);
	s31 =	rddreg [dreg:$0x4]  }
0x1c0: {  	s26 =	sadd.s32 s31, s14;
	s29 =	sand.u32 $0x1FFFFF80, s28;
	s14 =	simm.s32 $0x8600  }
0x1c1: {  	(v2sf) =	vpush v23, $0x3;
	[tilespmem:s14], [sflag:$0x1] =	stream.linear.gather [hbm4b:s26+s6], $0x400, $0x38;
	[tilespmem:$0x11700] =	vst v63  }
0x1c2: {  	s28 =	sshrl.u32 s28, $0x3;
	s26 =	sadd.s32 $0xF4280, s26;
	s14 =	rddreg [dreg:$0x5]  }
0x1c3: {  	(v2sf) =	vpush v24, $0x3;
	[tilespmem:s1], [sflag:$0x1] =	stream.linear.gather [hbm4b:s26+s6], $0x400, $0x38;
	[tilespmem:$0x11700] =	vst v63  }
0x1c4: {  	s26 =	sadd.s32 s14, s12;
	s12 =	sand.u32 $0x1FFFFFF0, s28;
	s28 =	simm.s32 $0x10600  }
0x1c5: {  	[tilespmem:s28], [sflag:$0x2] =	stream.linear.gather [hbm4b:s26+s6], $0x80, $0x38;
	[tilespmem:$0x11700] =	vst v63  }
0x1c6: {  	s2 =	sand.u32 $0x1FFFFFF0, s2;
	s4 =	sand.u32 $0x1FFFFFF0, s4;
	s28 =	rddreg [dreg:$0x6]  }
0x1c7: {  	s26 =	simm.s32 $0x10E00;
	s1 =	sadd.s32 s28, s4;
	s4 =	spop (v2sf)  }
0x1c8: {  	[tilespmem:s26], [sflag:$0x2] =	stream.linear.gather [hbm4b:s1+s6], $0x80, $0x38;
	[tilespmem:$0x11700] =	vst v63  }
0x1c9: {  	s29 =	sadd.s32 s31, s29;
	(v2sf) =	vpush v23, $0x4;
	s26 =	sadd.s32 s30, s3;
	s3 =	sand.u32 $0x1FFFFF80, s4  }
0x1ca: {  	[tilespmem:s23], [sflag:$0x1] =	stream.linear.gather [hbm4b:s26+s6], $0x400, $0x38;
	[tilespmem:$0x11700] =	vst v63  }
0x1cb: {  	s4 =	sshrl.u32 s4, $0x3;
	(v2sf) =	vpush v24, $0x4;
	s1 =	sadd.s32 $0xF4280, s26;
	s3 =	sadd.s32 s30, s3  }
0x1cc: {  	[tilespmem:s22], [sflag:$0x1] =	stream.linear.gather [hbm4b:s1+s6], $0x400, $0x38;
	[tilespmem:$0x11700] =	vst v63  }
0x1cd: {  	s26 =	sand.u32 $0x1FFFFFF0, s4;
	s1 =	sadd.s32 $0xF4280, s29;
	s4 =	spop (v2sf)  }
0x1ce: {  	s22 =	sadd.s32 s14, s2;
	s23 =	sand.u32 $0x1FFFFF80, s4;
	s4 =	sshrl.u32 s4, $0x3  }
0x1cf: {  	[tilespmem:s21], [sflag:$0x1] =	stream.linear.gather [hbm4b:s29+s6], $0x400, $0x38;
	[tilespmem:$0x11700] =	vst v63  }
0x1d0: {  	s29 =	sadd.s32 s28, s12;
	s21 =	sand.u32 $0x1FFFFFF0, s4;
	s4 =	spop (v2sf)  }
0x1d1: {  	(v2sf) =	vpush v23, $0x5;
	[tilespmem:s20], [sflag:$0x1] =	stream.linear.gather [hbm4b:s1+s6], $0x400, $0x38;
	[tilespmem:$0x11700] =	vst v63  }
0x1d2: {  	s2 =	sand.u32 $0x1FFFFF80, s4;
	s20 =	spop (v2sf);
	(v2sf) =	vpush v24, $0x5;
	s4 =	sshrl.u32 s4, $0x3  }
0x1d3: {  	[tilespmem:s13], [sflag:$0x2] =	stream.linear.gather [hbm4b:s22+s6], $0x80, $0x38;
	[tilespmem:$0x11700] =	vst v63  }
0x1d4: {  	s1 =	sadd.s32 $0xF4280, s3;
	s22 =	sand.u32 $0x1FFFFFF0, s4;
	s4 =	sshrl.u32 s20, $0x3  }
0x1d5: {  	[tilespmem:s25], [sflag:$0x2] =	stream.linear.gather [hbm4b:s29+s6], $0x80, $0x38;
	[tilespmem:$0x11700] =	vst v63  }
0x1d6: {  	s12 =	sand.u32 $0x1FFFFF80, s20;
	s20 =	sadd.s32 s31, s23;
	s13 =	sand.u32 $0x1FFFFFF0, s4  }
0x1d7: {  	[tilespmem:s11], [sflag:$0x1] =	stream.linear.gather [hbm4b:s3+s6], $0x400, $0x38;
	[tilespmem:$0x11700] =	vst v63  }
0x1d8: {  	s29 =	sadd.s32 s14, s26;
	s26 =	sadd.s32 s31, s12;
	s11 =	spop (v2sf)  }
0x1d9: {  	[tilespmem:s10], [sflag:$0x1] =	stream.linear.gather [hbm4b:s1+s6], $0x400, $0x38;
	[tilespmem:$0x11700] =	vst v63  }
0x1da: {  	(v2sf) =	vpush v23, $0x6;
	s23 =	sand.u32 $0x1FFFFF80, s11;
	s25 =	spop (v2sf);
	s3 =	sshrl.u32 s11, $0x3  }
0x1db: {  	[tilespmem:s9], [sflag:$0x1] =	stream.linear.gather [hbm4b:s20+s6], $0x400, $0x38;
	[tilespmem:$0x11700] =	vst v63  }
0x1dc: {  	(v2sf) =	vpush v24, $0x6;
	s1 =	sadd.s32 $0xF4280, s20;
	s4 =	sand.u32 $0x1FFFFF80, s25;
	s9 =	sshrl.u32 s25, $0x3  }
0x1dd: {  	[tilespmem:s8], [sflag:$0x1] =	stream.linear.gather [hbm4b:s1+s6], $0x400, $0x38;
	[tilespmem:$0x11700] =	vst v63  }
0x1de: {  	s10 =	sadd.s32 s28, s21;
	s12 =	sadd.s32 s30, s23;
	s20 =	sand.u32 $0x1FFFFFF0, s9  }
0x1df: {  	[tilespmem:s24], [sflag:$0x2] =	stream.linear.gather [hbm4b:s29+s6], $0x80, $0x38;
	[tilespmem:$0x11700] =	vst v63  }
0x1e0: {  	s8 =	sand.u32 $0x1FFFFFF0, s3;
	s11 =	spop (v2sf);
	s24 =	sadd.s32 s30, s2  }
0x1e1: {  	s21 =	sand.u32 $0x1FFFFF80, s11;
	s25 =	spop (v2sf);
	s1 =	sadd.s32 $0xF4280, s24  }
0x1e2: {  	[tilespmem:s7], [sflag:$0x2] =	stream.linear.gather [hbm4b:s10+s6], $0x80, $0x38;
	[tilespmem:$0x11700] =	vst v63  }
0x1e3: {  	(v2sf) =	vpush v23, $0x7;
	s3 =	sshrl.u32 s11, $0x3;
	s9 =	sand.u32 $0x1FFFFF80, s25;
	s2 =	sshrl.u32 s25, $0x3  }
0x1e4: {  	(v2sf) =	vpush v24, $0x7;
	[tilespmem:s17], [sflag:$0x1] =	stream.linear.gather [hbm4b:s24+s6], $0x400, $0x38;
	[tilespmem:$0x11700] =	vst v63  }
0x1e5: {  	s7 =	sadd.s32 s28, s13;
	s25 =	sld [smem:$0x7B0];
	s21 =	sadd.s32 s30, s21  }
0x1e6: {  	[tilespmem:s16], [sflag:$0x1] =	stream.linear.gather [hbm4b:s1+s6], $0x400, $0x38;
	[tilespmem:$0x11700] =	vst v63  }
0x1e7: {  	s10 =	sand.u32 $0x1FFFFFF0, s2;
	s17 =	sld [smem:$0x7B2];
	s1 =	sadd.s32 $0xF4280, s26  }
0x1e8: {  	[tilespmem:s15], [sflag:$0x1] =	stream.linear.gather [hbm4b:s26+s6], $0x400, $0x38;
	[tilespmem:$0x11700] =	vst v63  }
0x1e9: {  	s29 =	spop (v2sf);
	s15 =	sand.u32 $0x1FFFFFF0, s3;
	s3 =	sadd.s32 s14, s22  }
0x1ea: {  	(v2sf) =	vpush v23, $0x8;
	[tilespmem:s5], [sflag:$0x1] =	stream.linear.gather [hbm4b:s1+s6], $0x400, $0x38;
	[tilespmem:$0x11700] =	vst v63  }
0x1eb: {  	s11 =	sand.u32 $0x1FFFFF80, s29;
	s2 =	sshrl.u32 s29, $0x3;
	s5 =	spop (v2sf)  }
0x1ec: {  	s22 =	sadd.s32 s31, s4;
	s26 =	sld [smem:$0x7AF];
	(v2sf) =	vpush v24, $0x8;
	s13 =	sand.u32 $0x1FFFFF80, s5  }
0x1ed: {  	[tilespmem:s19], [sflag:$0x2] =	stream.linear.gather [hbm4b:s3+s6], $0x80, $0x38;
	[tilespmem:$0x11700] =	vst v63  }
0x1ee: {  	s16 =	sshrl.u32 s5, $0x3;
	s5 =	sadd.s32 s28, s20;
	s20 =	sld [smem:$0x7AD]  }
0x1ef: {  	[tilespmem:s18], [sflag:$0x2] =	stream.linear.gather [hbm4b:s7+s6], $0x80, $0x38;
	[tilespmem:$0x11700] =	vst v63  }
0x1f0: {  	s29 =	sadd.s32 s14, s8;
	s1 =	sadd.s32 $0xF4280, s12;
	s18 =	sld [smem:$0x7B1]  }
0x1f1: {  	[tilespmem:s17], [sflag:$0x1] =	stream.linear.gather [hbm4b:s12+s6], $0x400, $0x38;
	[tilespmem:$0x11700] =	vst v63  }
0x1f2: {  	s19 =	sand.u32 $0x1FFFFFF0, s2;
	s16 =	sand.u32 $0x1FFFFFF0, s16;
	s17 =	spop (v2sf)  }
0x1f3: {  	(v2sf) =	vpush v23, $0x9;
	s12 =	sld [smem:$0x7B7];
	s23 =	sshrl.u32 s17, $0x3;
	s24 =	spop (v2sf)  }
0x1f4: {  	[tilespmem:s18], [sflag:$0x1] =	stream.linear.gather [hbm4b:s1+s6], $0x400, $0x38;
	[tilespmem:$0x11700] =	vst v63  }
0x1f5: {  	(v2sf) =	vpush v24, $0x9;
	s1 =	sadd.s32 $0xF4280, s22;
	s4 =	sand.u32 $0x1FFFFF80, s24;
	s3 =	sshrl.u32 s24, $0x3  }
0x1f6: {  	[tilespmem:s25], [sflag:$0x1] =	stream.linear.gather [hbm4b:s22+s6], $0x400, $0x38;
	[tilespmem:$0x11700] =	vst v63  }
0x1f7: {  	s8 =	sand.u32 $0x1FFFFFF0, s23;
	s7 =	sand.u32 $0x1FFFFFF0, s3;
	s3 =	sld [smem:$0x7AE]  }
0x1f8: {  	[tilespmem:s26], [sflag:$0x1] =	stream.linear.gather [hbm4b:s1+s6], $0x400, $0x38;
	[tilespmem:$0x11700] =	vst v63  }
0x1f9: {  	s25 =	sld [smem:$0x7AC];
	s18 =	spop (v2sf);
	s1 =	sadd.s32 $0xF4280, s21  }
0x1fa: {  	[tilespmem:s3], [sflag:$0x2] =	stream.linear.gather [hbm4b:s29+s6], $0x80, $0x38;
	[tilespmem:$0x11700] =	vst v63  }
0x1fb: {  	(v2sf) =	vpush v23, $0xA;
	s26 =	sadd.s32 s31, s9;
	s22 =	sand.u32 $0x1FFFFF80, s18;
	s23 =	spop (v2sf)  }
0x1fc: {  	[tilespmem:s20], [sflag:$0x2] =	stream.linear.gather [hbm4b:s5+s6], $0x80, $0x38;
	[tilespmem:$0x11700] =	vst v63  }
0x1fd: {  	s24 =	sshrl.u32 s18, $0x3;
	(v2sf) =	vpush v24, $0xA;
	s3 =	sand.u32 $0x1FFFFF80, s23;
	s29 =	sshrl.u32 s23, $0x3  }
0x1fe: {  	s5 =	sand.u32 $0x1FFFFFF0, s24;
	s9 =	sand.u32 $0x1FFFFFF0, s29;
	s29 =	sld [smem:$0x7A8]  }
0x1ff: {  	[tilespmem:s12], [sflag:$0x1] =	stream.linear.gather [hbm4b:s21+s6], $0x400, $0x38;
	[tilespmem:$0x11700] =	vst v63  }
0x200: {  	s23 =	sadd.s32 s14, s15;
	s15 =	sadd.s32 s30, s11;
	s12 =	sld [smem:$0x7AB]  }
0x201: {  	[tilespmem:s25], [sflag:$0x1] =	stream.linear.gather [hbm4b:s1+s6], $0x400, $0x38;
	[tilespmem:$0x11700] =	vst v63  }
0x202: {  	s21 =	sld [smem:$0x7AA];
	s1 =	sadd.s32 $0xF4280, s26;
	s18 =	spop (v2sf)  }
0x203: {  	[tilespmem:s12], [sflag:$0x1] =	stream.linear.gather [hbm4b:s26+s6], $0x400, $0x38;
	[tilespmem:$0x11700] =	vst v63  }
0x204: {  	s25 =	sld [smem:$0x7A9];
	s20 =	sand.u32 $0x1FFFFF80, s18;
	s24 =	spop (v2sf)  }
0x205: {  	[tilespmem:s21], [sflag:$0x1] =	stream.linear.gather [hbm4b:s1+s6], $0x400, $0x38;
	[tilespmem:$0x11700] =	vst v63  }
0x206: {  	s26 =	sadd.s32 s28, s10;
	s2 =	sshrl.u32 s18, $0x3;
	s10 =	sand.u32 $0x1FFFFF80, s24  }
0x207: {  	[tilespmem:s25], [sflag:$0x2] =	stream.linear.gather [hbm4b:s23+s6], $0x80, $0x38;
	[tilespmem:$0x11700] =	vst v63  }
0x208: {  	s11 =	sand.u32 $0x1FFFFFF0, s2;
	s18 =	sshrl.u32 s24, $0x3;
	s21 =	sld [smem:$0x7A7]  }
0x209: {  	[tilespmem:s29], [sflag:$0x2] =	stream.linear.gather [hbm4b:s26+s6], $0x80, $0x38;
	[tilespmem:$0x11700] =	vst v63  }
0x20a: {  	s24 =	sadd.s32 s31, s13;
	s23 =	sld [smem:$0x7A6];
	s2 =	spop (v2sf)  }
0x20b: {  	(v2sf) =	vpush v23, $0xB;
	[tilespmem:s21], [sflag:$0x1] =	stream.linear.gather [hbm4b:s15+s6], $0x400, $0x38;
	[tilespmem:$0x11700] =	vst v63  }
0x20c: {  	(v2sf) =	vpush v24, $0xB;
	s1 =	sadd.s32 $0xF4280, s15;
	s26 =	sld [smem:$0x7A5];
	s25 =	spop (v2sf)  }
0x20d: {  	[tilespmem:s23], [sflag:$0x1] =	stream.linear.gather [hbm4b:s1+s6], $0x400, $0x38;
	[tilespmem:$0x11700] =	vst v63  }
0x20e: {  	s29 =	sld [smem:$0x7A4];
	s13 =	sand.u32 $0x1FFFFF80, s25;
	s12 =	sshrl.u32 s25, $0x3  }
0x20f: {  	[tilespmem:s26], [sflag:$0x1] =	stream.linear.gather [hbm4b:s24+s6], $0x400, $0x38;
	[tilespmem:$0x11700] =	vst v63  }
0x210: {  	s25 =	sld [smem:$0x7A3];
	s1 =	sadd.s32 $0xF4280, s24;
	s23 =	sadd.s32 s14, s19  }
0x211: {  	[tilespmem:s29], [sflag:$0x1] =	stream.linear.gather [hbm4b:s1+s6], $0x400, $0x38;
	[tilespmem:$0x11700] =	vst v63  }
0x212: {  	s24 =	sshrl.u32 s2, $0x3;
	s29 =	sand.u32 $0x1FFFFF80, s17;
	s17 =	sld [smem:$0x7A2]  }
0x213: {  	[tilespmem:s25], [sflag:$0x2] =	stream.linear.gather [hbm4b:s23+s6], $0x80, $0x38;
	[tilespmem:$0x11700] =	vst v63  }
0x214: {  	s26 =	sadd.s32 s28, s16;
	s19 =	sand.u32 $0x1FFFFFF0, s24;
	s24 =	sld [smem:$0x7A1]  }
0x215: {  	[tilespmem:s17], [sflag:$0x2] =	stream.linear.gather [hbm4b:s26+s6], $0x80, $0x38;
	[tilespmem:$0x11700] =	vst v63  }
0x216: {  	s21 =	sadd.s32 s30, s29;
	s23 =	sld [smem:$0x7C4]  }
0x217: {  	(v2sf) =	vpush v23, $0xC;
	[tilespmem:s24], [sflag:$0x1] =	stream.linear.gather [hbm4b:s21+s6], $0x400, $0x38;
	[tilespmem:$0x11700] =	vst v63  }
0x218: {  	(v2sf) =	vpush v24, $0xC;
	s1 =	sadd.s32 $0xF4280, s21  }
0x219: {  	[tilespmem:s23], [sflag:$0x1] =	stream.linear.gather [hbm4b:s1+s6], $0x400, $0x38;
	[tilespmem:$0x11700] =	vst v63  }
0x21a: {  	s17 =	spop (v2sf);
	s23 =	sld [smem:$0x7A0]  }
0x21b: {  	s26 =	sadd.s32 s31, s4;
	s25 =	spop (v2sf)  }
0x21c: {  	s4 =	sand.u32 $0x1FFFFF80, s25;
	s29 =	sshrl.u32 s25, $0x3;
	s25 =	sld [smem:$0x79F]  }
0x21d: {  	[tilespmem:s23], [sflag:$0x1] =	stream.linear.gather [hbm4b:s26+s6], $0x400, $0x38;
	[tilespmem:$0x11700] =	vst v63  }
0x21e: {  	s24 =	sadd.s32 $0xF4280, s26;
	s1 =	sand.u32 $0x1FFFFFF0, s29;
	s29 =	sld [smem:$0x79E]  }
0x21f: {  	(v2sf) =	vpush v23, $0xD;
	[tilespmem:s25], [sflag:$0x1] =	stream.linear.gather [hbm4b:s24+s6], $0x400, $0x38;
	[tilespmem:$0x11700] =	vst v63  }
0x220: {  	s8 =	sadd.s32 s14, s8;
	s15 =	sand.u32 $0x1FFFFFF0, s18;
	s26 =	sld [smem:$0x7C8]  }
0x221: {  	[tilespmem:s29], [sflag:$0x2] =	stream.linear.gather [hbm4b:s8+s6], $0x80, $0x38;
	[tilespmem:$0x11700] =	vst v63  }
0x222: {  	s7 =	sadd.s32 s28, s7;
	s18 =	sand.u32 $0x1FFFFF80, s2;
	s23 =	sld [smem:$0x7C9]  }
0x223: {  	[tilespmem:s26], [sflag:$0x2] =	stream.linear.gather [hbm4b:s7+s6], $0x80, $0x38;
	[tilespmem:$0x11700] =	vst v63  }
0x224: {  	s2 =	sand.u32 $0x1FFFFFF0, s12;
	s16 =	sand.u32 $0x1FFFFF80, s17;
	s25 =	sadd.s32 s30, s22  }
0x225: {  	[tilespmem:s23], [sflag:$0x1] =	stream.linear.gather [hbm4b:s25+s6], $0x400, $0x38;
	[tilespmem:$0x11700] =	vst v63  }
0x226: {  	s17 =	sshrl.u32 s17, $0x3;
	s24 =	spop (v2sf);
	s23 =	sld [smem:$0x79D]  }
0x227: {  	s12 =	sand.u32 $0x1FFFFFF0, s17;
	s22 =	sadd.s32 $0xF4280, s25;
	s29 =	spop (v2sf)  }
0x228: {  	s7 =	sand.u32 $0x1FFFFF80, s29;
	s25 =	sshrl.u32 s29, $0x3;
	s29 =	sld [smem:$0x79C]  }
0x229: {  	(v2sf) =	vpush v24, $0xD;
	[tilespmem:s23], [sflag:$0x1] =	stream.linear.gather [hbm4b:s22+s6], $0x400, $0x38;
	[tilespmem:$0x11700] =	vst v63  }
0x22a: {  	s17 =	sshrl.u32 s24, $0x3;
	s26 =	sand.u32 $0x1FFFFF80, s24;
	s24 =	sadd.s32 s31, s3  }
0x22b: {  	[tilespmem:s29], [sflag:$0x1] =	stream.linear.gather [hbm4b:s24+s6], $0x400, $0x38;
	[tilespmem:$0x11700] =	vst v63  }
0x22c: {  	s22 =	sadd.s32 $0xF4280, s24;
	s24 =	sld [smem:$0x79B]  }
0x22d: {  	s3 =	sand.u32 $0x1FFFFFF0, s17  }
0x22e: {  	s8 =	sand.u32 $0x1FFFFFF0, s25;
	s23 =	sld [smem:$0x7CD];
	s29 =	spop (v2sf)  }
0x22f: {  	[tilespmem:s24], [sflag:$0x1] =	stream.linear.gather [hbm4b:s22+s6], $0x400, $0x38;
	[tilespmem:$0x11700] =	vst v63  }
0x230: {  	s5 =	sadd.s32 s14, s5;
	s25 =	sld [smem:$0x7CE];
	s17 =	sand.u32 $0x1FFFFF80, s29  }
0x231: {  	[tilespmem:s23], [sflag:$0x2] =	stream.linear.gather [hbm4b:s5+s6], $0x80, $0x38;
	[tilespmem:$0x11700] =	vst v63  }
0x232: {  	s29 =	sshrl.u32 s29, $0x3;
	s24 =	sadd.s32 s28, s9;
	s23 =	sld [smem:$0x79A]  }
0x233: {  	(v2sf) =	vpush v23, $0xE;
	[tilespmem:s25], [sflag:$0x2] =	stream.linear.gather [hbm4b:s24+s6], $0x80, $0x38;
	[tilespmem:$0x11700] =	vst v63  }
0x234: {  	s5 =	sand.u32 $0x1FFFFFF0, s29;
	s29 =	sld [smem:$0x799];
	s25 =	sadd.s32 s30, s20  }
0x235: {  	(v2sf) =	vpush v24, $0xE;
	[tilespmem:s23], [sflag:$0x1] =	stream.linear.gather [hbm4b:s25+s6], $0x400, $0x38;
	[tilespmem:$0x11700] =	vst v63  }
0x236: {  	s24 =	sadd.s32 $0xF4280, s25  }
0x237: {  	[tilespmem:s29], [sflag:$0x1] =	stream.linear.gather [hbm4b:s24+s6], $0x400, $0x38;
	[tilespmem:$0x11700] =	vst v63  }
0x238: {  	s22 =	spop (v2sf);
	s24 =	sld [smem:$0x798]  }
0x239: {  	s9 =	sand.u32 $0x1FFFFF80, s22  }
0x23a: {  	s25 =	sshrl.u32 s22, $0x3;
	s23 =	sadd.s32 s31, s10;
	s22 =	sld [smem:$0x7D2]  }
0x23b: {  	[tilespmem:s24], [sflag:$0x1] =	stream.linear.gather [hbm4b:s23+s6], $0x400, $0x38;
	[tilespmem:$0x11700] =	vst v63  }
0x23c: {  	s10 =	sand.u32 $0x1FFFFFF0, s25;
	s25 =	sadd.s32 $0xF4280, s23;
	s29 =	sld [smem:$0x7D3]  }
0x23d: {  	(v2sf) =	vpush v23, $0xF;
	[tilespmem:s22], [sflag:$0x1] =	stream.linear.gather [hbm4b:s25+s6], $0x400, $0x38;
	[tilespmem:$0x11700] =	vst v63  }
0x23e: {  	s11 =	sadd.s32 s14, s11;
	s24 =	sld [smem:$0x7D4]  }
0x23f: {  	[tilespmem:s29], [sflag:$0x2] =	stream.linear.gather [hbm4b:s11+s6], $0x80, $0x38;
	[tilespmem:$0x11700] =	vst v63  }
0x240: {  	s29 =	sadd.s32 s28, s15  }
0x241: {  	[tilespmem:s24], [sflag:$0x2] =	stream.linear.gather [hbm4b:s29+s6], $0x80, $0x38;
	[tilespmem:$0x11700] =	vst v63  }
0x242: {  	(v2sf) =	vpush v24, $0xF;
	s23 =	spop (v2sf);
	s29 =	sld [smem:$0x797]  }
0x243: {  	s18 =	sadd.s32 s30, s18;
	s20 =	sand.u32 $0x1FFFFF80, s23;
	s21 =	sshrl.u32 s23, $0x3  }
0x244: {  	s23 =	sadd.s32 $0xF4280, s18;
	s25 =	spop (v2sf);
	s24 =	sld [smem:$0x796]  }
0x245: {  	[tilespmem:s29], [sflag:$0x1] =	stream.linear.gather [hbm4b:s18+s6], $0x400, $0x38;
	[tilespmem:$0x11700] =	vst v63  }
0x246: {  	s15 =	sand.u32 $0x1FFFFF80, s25;
	s25 =	sshrl.u32 s25, $0x3;
	s29 =	sld [smem:$0x795]  }
0x247: {  	[tilespmem:s24], [sflag:$0x1] =	stream.linear.gather [hbm4b:s23+s6], $0x400, $0x38;
	[tilespmem:$0x11700] =	vst v63  }
0x248: {  	s13 =	sadd.s32 s31, s13;
	s11 =	sand.u32 $0x1FFFFFF0, s25;
	s25 =	sld [smem:$0x7D8]  }
0x249: {  	[tilespmem:s29], [sflag:$0x1] =	stream.linear.gather [hbm4b:s13+s6], $0x400, $0x38;
	[tilespmem:$0x11700] =	vst v63  }
0x24a: {  	s19 =	sadd.s32 s14, s19;
	s13 =	sadd.s32 $0xF4280, s13;
	s29 =	sld [smem:$0x794]  }
0x24b: {  	[tilespmem:s25], [sflag:$0x1] =	stream.linear.gather [hbm4b:s13+s6], $0x400, $0x38;
	[tilespmem:$0x11700] =	vst v63  }
0x24c: {  	s22 =	spop (v2sf);
	s18 =	sand.u32 $0x1FFFFFF0, s21;
	s25 =	sld [smem:$0x7DA]  }
0x24d: {  	[tilespmem:s29], [sflag:$0x2] =	stream.linear.gather [hbm4b:s19+s6], $0x80, $0x38;
	[tilespmem:$0x11700] =	vst v63  }
0x24e: {  	s21 =	sand.u32 $0x1FFFFF80, s22;
	s23 =	sshrl.u32 s22, $0x3;
	s22 =	sadd.s32 s28, s2  }
0x24f: {  	[tilespmem:s25], [sflag:$0x2] =	stream.linear.gather [hbm4b:s22+s6], $0x80, $0x38;
	[tilespmem:$0x11700] =	vst v63  }
0x250: {  	s25 =	sld [smem:$0x791]  }
0x251: {  	s24 =	spop (v2sf)  }
0x252: {  	s19 =	sand.u32 $0x1FFFFF80, s24;
	s29 =	sadd.s32 s30, s16;
	s16 =	sld [smem:$0x7DC]  }
0x253: {  	[tilespmem:s25], [sflag:$0x1] =	stream.linear.gather [hbm4b:s29+s6], $0x400, $0x38;
	[tilespmem:$0x11700] =	vst v63  }
0x254: {  	s22 =	sshrl.u32 s24, $0x3;
	s24 =	sld [smem:$0x7DD];
	s29 =	sadd.s32 $0xF4280, s29  }
0x255: {  	[tilespmem:s16], [sflag:$0x1] =	stream.linear.gather [hbm4b:s29+s6], $0x400, $0x38;
	[tilespmem:$0x11700] =	vst v63  }
0x256: {  	s4 =	sadd.s32 s31, s4;
	s2 =	sand.u32 $0x1FFFFFF0, s23;
	s25 =	sld [smem:$0x7DE]  }
0x257: {  	[tilespmem:s24], [sflag:$0x1] =	stream.linear.gather [hbm4b:s4+s6], $0x400, $0x38;
	[tilespmem:$0x11700] =	vst v63  }
0x258: {  	s23 =	sld [smem:$0x7DF];
	s13 =	sand.u32 $0x1FFFFFF0, s22;
	s22 =	sadd.s32 $0xF4280, s4  }
0x259: {  	[tilespmem:s25], [sflag:$0x1] =	stream.linear.gather [hbm4b:s22+s6], $0x400, $0x38;
	[tilespmem:$0x11700] =	vst v63  }
0x25a: {  	s24 =	sadd.s32 s14, s12;
	s25 =	sld [smem:$0x7E0]  }
0x25b: {  	[tilespmem:s23], [sflag:$0x2] =	stream.linear.gather [hbm4b:s24+s6], $0x80, $0x38;
	[tilespmem:$0x11700] =	vst v63  }
0x25c: {  	s1 =	sadd.s32 s28, s1;
	s4 =	sld [smem:$0x7E1]  }
0x25d: {  	[tilespmem:s25], [sflag:$0x2] =	stream.linear.gather [hbm4b:s1+s6], $0x80, $0x38;
	[tilespmem:$0x11700] =	vst v63  }
0x25e: {  	p0 =	sne.s32 s0, $0x7C0;
	s16 =	sadd.s32 s30, s26;
	s22 =	sld [smem:$0x7E2]  }
0x25f: {  	[tilespmem:s4], [sflag:$0x1] =	stream.linear.gather [hbm4b:s16+s6], $0x400, $0x38;
	[tilespmem:$0x11700] =	vst v63  }
0x260: {  	s29 =	sadd.s32 $0x40, s0;
	s0 =	sadd.s32 $0xF4280, s16;
	s23 =	sld [smem:$0x7E3]  }
0x261: {  	[tilespmem:s22], [sflag:$0x1] =	stream.linear.gather [hbm4b:s0+s6], $0x400, $0x38;
	[tilespmem:$0x11700] =	vst v63  }
0x262: {  	s24 =	sadd.s32 s31, s7;
	s25 =	sld [smem:$0x7E4]  }
0x263: {  	[tilespmem:s23], [sflag:$0x1] =	stream.linear.gather [hbm4b:s24+s6], $0x400, $0x38;
	[tilespmem:$0x11700] =	vst v63  }
0x264: {  	s26 =	sld [smem:$0x7E5];
	s0 =	sadd.s32 $0xF4280, s24  }
0x265: {  	[tilespmem:s25], [sflag:$0x1] =	stream.linear.gather [hbm4b:s0+s6], $0x400, $0x38;
	[tilespmem:$0x11700] =	vst v63  }
0x266: {  	s7 =	sld [smem:$0x7E6];
	s4 =	sadd.s32 s14, s3  }
0x267: {  	[tilespmem:s26], [sflag:$0x2] =	stream.linear.gather [hbm4b:s4+s6], $0x80, $0x38;
	[tilespmem:$0x11700] =	vst v63  }
0x268: {  	s12 =	sadd.s32 s28, s8;
	s16 =	sld [smem:$0x7E7]  }
0x269: {  	[tilespmem:s7], [sflag:$0x2] =	stream.linear.gather [hbm4b:s12+s6], $0x80, $0x38;
	[tilespmem:$0x11700] =	vst v63  }
0x26a: {  	s17 =	sadd.s32 s30, s17;
	s22 =	sld [smem:$0x7E9]  }
0x26b: {  	[tilespmem:s16], [sflag:$0x1] =	stream.linear.gather [hbm4b:s17+s6], $0x400, $0x38;
	[tilespmem:$0x11700] =	vst v63  }
0x26c: {  	s23 =	sld [smem:$0x7EB];
	s0 =	sadd.s32 $0xF4280, s17  }
0x26d: {  	[tilespmem:s22], [sflag:$0x1] =	stream.linear.gather [hbm4b:s0+s6], $0x400, $0x38;
	[tilespmem:$0x11700] =	vst v63  }
0x26e: {  	s24 =	sadd.s32 s31, s9;
	s25 =	sld [smem:$0x7EC]  }
0x26f: {  	[tilespmem:s23], [sflag:$0x1] =	stream.linear.gather [hbm4b:s24+s6], $0x400, $0x38;
	[tilespmem:$0x11700] =	vst v63  }
0x270: {  	s26 =	sld [smem:$0x7ED];
	s0 =	sadd.s32 $0xF4280, s24  }
0x271: {  	[tilespmem:s25], [sflag:$0x1] =	stream.linear.gather [hbm4b:s0+s6], $0x400, $0x38;
	[tilespmem:$0x11700] =	vst v63  }
0x272: {  	s4 =	sadd.s32 s14, s5;
	s5 =	sld [smem:$0x7EE]  }
0x273: {  	[tilespmem:s26], [sflag:$0x2] =	stream.linear.gather [hbm4b:s4+s6], $0x80, $0x38;
	[tilespmem:$0x11700] =	vst v63  }
0x274: {  	s8 =	sld [smem:$0x7F0];
	s7 =	sadd.s32 s28, s10  }
0x275: {  	[tilespmem:s5], [sflag:$0x2] =	stream.linear.gather [hbm4b:s7+s6], $0x80, $0x38;
	[tilespmem:$0x11700] =	vst v63  }
0x276: {  	s9 =	sadd.s32 s30, s20;
	s10 =	sld [smem:$0x7F2]  }
0x277: {  	[tilespmem:s8], [sflag:$0x1] =	stream.linear.gather [hbm4b:s9+s6], $0x400, $0x38;
	[tilespmem:$0x11700] =	vst v63  }
0x278: {  	s12 =	sld [smem:$0x7F4];
	s0 =	sadd.s32 $0xF4280, s9  }
0x279: {  	[tilespmem:s10], [sflag:$0x1] =	stream.linear.gather [hbm4b:s0+s6], $0x400, $0x38;
	[tilespmem:$0x11700] =	vst v63  }
0x27a: {  	s15 =	sadd.s32 s31, s15;
	s16 =	sld [smem:$0x7F5]  }
0x27b: {  	[tilespmem:s12], [sflag:$0x1] =	stream.linear.gather [hbm4b:s15+s6], $0x400, $0x38;
	[tilespmem:$0x11700] =	vst v63  }
0x27c: {  	s17 =	sld [smem:$0x7F6];
	s0 =	sadd.s32 $0xF4280, s15  }
0x27d: {  	[tilespmem:s16], [sflag:$0x1] =	stream.linear.gather [hbm4b:s0+s6], $0x400, $0x38;
	[tilespmem:$0x11700] =	vst v63  }
0x27e: {  	s20 =	sadd.s32 s14, s18;
	s22 =	sld [smem:$0x7F7]  }
0x27f: {  	[tilespmem:s17], [sflag:$0x2] =	stream.linear.gather [hbm4b:s20+s6], $0x80, $0x38;
	[tilespmem:$0x11700] =	vst v63  }
0x280: {  	s23 =	sadd.s32 s28, s11;
	s24 =	sld [smem:$0x7F8]  }
0x281: {  	[tilespmem:s22], [sflag:$0x2] =	stream.linear.gather [hbm4b:s23+s6], $0x80, $0x38;
	[tilespmem:$0x11700] =	vst v63  }
0x282: {  	s25 =	sadd.s32 s30, s21;
	s26 =	sld [smem:$0x7F9]  }
0x283: {  	[tilespmem:s24], [sflag:$0x1] =	stream.linear.gather [hbm4b:s25+s6], $0x400, $0x38;
	[tilespmem:$0x11700] =	vst v63  }
0x284: {  	s30 =	sld [smem:$0x7FA];
	s0 =	sadd.s32 $0xF4280, s25  }
0x285: {  	[tilespmem:s26], [sflag:$0x1] =	stream.linear.gather [hbm4b:s0+s6], $0x400, $0x38;
	[tilespmem:$0x11700] =	vst v63  }
0x286: {  	s3 =	sadd.s32 s31, s19;
	s4 =	sld [smem:$0x7FB]  }
0x287: {  	[tilespmem:s30], [sflag:$0x1] =	stream.linear.gather [hbm4b:s3+s6], $0x400, $0x38;
	[tilespmem:$0x11700] =	vst v63  }
0x288: {  	s5 =	sld [smem:$0x7FC];
	s0 =	sadd.s32 $0xF4280, s3  }
0x289: {  	[tilespmem:s4], [sflag:$0x1] =	stream.linear.gather [hbm4b:s0+s6], $0x400, $0x38;
	[tilespmem:$0x11700] =	vst v63  }
0x28a: {  	s7 =	sadd.s32 s14, s2;
	s8 =	sld [smem:$0x7FD]  }
0x28b: {  	[tilespmem:s5], [sflag:$0x2] =	stream.linear.gather [hbm4b:s7+s6], $0x80, $0x38;
	[tilespmem:$0x11700] =	vst v63  }
0x28c: {  	s9 =	sadd.s32 s28, s13;
	s10 =	simm.s32 $0x1  }
0x28d: {  	[tilespmem:s8], [sflag:$0x2] =	stream.linear.gather [hbm4b:s9+s6], $0x80, $0x38;
	[tilespmem:$0x11700] =	vst v63  }
0x28e: {  	_ =	swait.ge [sflag:s10], $0x8000  }
0x28f: {  	[sflag:s10] =	ssyncset.done $0x0  }
0x290: {  	[sflag:s10] =	ssyncadd.s32 $0xFFFF8000  }
0x291: {  	_ =	swait.ge [sflag:s10], $0x8000  }
0x292: {  	[sflag:s10] =	ssyncset.done $0x0  }
0x293: {  	s11 =	simm.s32 $0x2;
	[sflag:s10] =	ssyncadd.s32 $0xFFFF8000  }
0x294: {  	_ =	swait.ge [sflag:s11], $0x800  }
0x295: {  	[sflag:s11] =	ssyncset.done $0x0  }
0x296: {  	[sflag:s11] =	ssyncadd.s32 $0xFFFFF800  }
0x297: {  	_ =	swait.ge [sflag:s11], $0x800  }
0x298: {  	s14 =	rddreg [dreg:$0x9]  }
0x299: {  	s12 =	sld [smem:$0x7D9]  }
0x29a: {  	s4 =	sld [smem:$0x7DB]  }
0x29b: {  	s15 =	sld [smem:$0x7D7]  }
0x29c: {  	s17 =	sld [smem:$0x7D6]  }
0x29d: {  	s18 =	sld [smem:$0x7D5]  }
0x29e: {  	s19 =	sld [smem:$0x7D1]  }
0x29f: {  	s20 =	sld [smem:$0x7D0]  }
0x2a0: {  	s22 =	sld [smem:$0x7CF]  }
0x2a1: {  	s23 =	sld [smem:$0x7CC]  }
0x2a2: {  	s24 =	sld [smem:$0x7CB]  }
0x2a3: {  	s25 =	sld [smem:$0x7CA]  }
0x2a4: {  	s26 =	sld [smem:$0x7C7]  }
0x2a5: {  	v23 =	vor.u32 v2, v20;
	s28 =	sld [smem:$0x7C6]  }
0x2a6: {  	v24 =	vor.u32 v1, v22;
	s30 =	sld [smem:$0x7C5]  }
0x2a7: {  	v29 =	vor.u32 v1, v20;
	s31 =	sld [smem:$0x7C3]  }
0x2a8: {  	v31 =	vor.u32 v0, v20;
	[sflag:s11] =	ssyncset.done $0x0;
	s2 =	sld [smem:$0x7C2]  }
0x2a9: {  	v32 =	vor.u32 v0, v22;
	s13 =	simm.s32 $0x600;
	s3 =	sld [smem:$0x7C1];
	[sflag:s11] =	ssyncadd.s32 $0xFFFFF800  }
0x2aa: {  	v34 =	vor.u32 v2, v22;
	s16 =	simm.s32 $0x8600;
	s7 =	sld [smem:$0x7C0];
	v33 =	vld.idx.msk [tilespmem:v23+s13+$0x0], $0xffff  }
0x2ab: {  	s8 =	sld [smem:$0x7BF];
	v35 =	vld.idx.msk [tilespmem:v24+s16+$0x0], $0xffff  }
0x2ac: {  	s10 =	sld [smem:$0x7BE];
	v37 =	vld.idx.msk [tilespmem:v29+s13+$0x0], $0xffff  }
0x2ad: {  	s11 =	sld [smem:$0x7BD];
	v39 =	vld.idx.msk [tilespmem:v31+s13+$0x0], $0xffff  }
0x2ae: {  	v32 =	vld.idx.msk [tilespmem:v32+s16+$0x0], $0xffff;
	s13 =	sld [smem:$0x7BB]  }
0x2af: {  	v34 =	vld.idx.msk [tilespmem:v34+s16+$0x0], $0xffff;
	s16 =	sld [smem:$0x7B9]  }
0x2b0: {  	[smem:$0x794] =	sst s12  }
0x2b1: {  	[smem:$0x795] =	sst s15  }
0x2b2: {  	[smem:$0x796] =	sst s17  }
0x2b3: {  	[smem:$0x797] =	sst s18  }
0x2b4: {  	[smem:$0x798] =	sst s19  }
0x2b5: {  	[smem:$0x799] =	sst s20  }
0x2b6: {  	[smem:$0x79A] =	sst s22  }
0x2b7: {  	[smem:$0x79B] =	sst s23  }
0x2b8: {  	[smem:$0x79C] =	sst s24  }
0x2b9: {  	[smem:$0x79D] =	sst s25  }
0x2ba: {  	[smem:$0x79E] =	sst s26  }
0x2bb: {  	[smem:$0x79F] =	sst s28  }
0x2bc: {  	[smem:$0x7A0] =	sst s30  }
0x2bd: {  	[smem:$0x7A1] =	sst s31  }
0x2be: {  	v27 =	vor.u32 v15, v20;
	[smem:$0x7A2] =	sst s2  }
0x2bf: {  	v36 =	vor.u32 v3, v20;
	v28 =	vor.u32 v15, v22;
	v38 =	vor.u32 v3, v22;
	[smem:$0x7A3] =	sst s3  }
0x2c0: {  	v30 =	vor.u32 v13, v22;
	v40 =	vor.u32 v4, v20;
	v41 =	vor.u32 v4, v22;
	[smem:$0x7A4] =	sst s7  }
0x2c1: {  	v42 =	vor.u32 v11, v22;
	v43 =	vor.u32 v12, v20;
	v44 =	vor.u32 v5, v20;
	[smem:$0x7A5] =	sst s8  }
0x2c2: {  	v45 =	vor.u32 v10, v22;
	v46 =	vor.u32 v11, v20;
	v25 =	vsub.f32 v26, v25;
	[smem:$0x7A6] =	sst s10  }
0x2c3: {  	v47 =	vor.u32 v5, v22;
	v48 =	vor.u32 v6, v20;
	v49 =	vor.u32 v10, v20;
	s1 =	simm.s32 $0x600;
	s12 =	sld [smem:$0x7BC]  }
0x2c4: {  	v50 =	vor.u32 v8, v22;
	v51 =	vor.u32 v9, v20;
	v25 =	vmul.f32 v25, v25;
	s21 =	simm.s32 $0x8600;
	v36 =	vld.idx.msk [tilespmem:v36+s1+$0x0], $0xffff;
	s15 =	sld [smem:$0x7BA]  }
0x2c5: {  	v52 =	vor.u32 v9, v22;
	v54 =	vor.u32 v6, v22;
	v55 =	vor.u32 v8, v20;
	v38 =	vld.idx.msk [tilespmem:v38+s21+$0x0], $0xffff;
	s17 =	sld [smem:$0x7B8]  }
0x2c6: {  	v26 =	vor.u32 v16, v20;
	v18 =	vadd.f32 v25, v18;
	v25 =	vor.u32 v16, v22;
	v40 =	vld.idx.msk [tilespmem:v40+s1+$0x0], $0xffff;
	s18 =	sld [smem:$0x7B6]  }
0x2c7: {  	v24 =	vor.u32 v14, v22;
	v41 =	vld.idx.msk [tilespmem:v41+s21+$0x0], $0xffff;
	s19 =	sld [smem:$0x792];
	v56 =	vmul.f32 v39, v39;
	v39 =	vmul.f32 v32, v39  }
0x2c8: {  	v29 =	vor.u32 v14, v20;
	v31 =	vor.u32 v12, v22;
	v23 =	vor.u32 v13, v20;
	v44 =	vld.idx.msk [tilespmem:v44+s1+$0x0], $0xffff;
	s20 =	sld [smem:$0x7B5]  }
0x2c9: {  	v47 =	vld.idx.msk [tilespmem:v47+s21+$0x0], $0xffff;
	s22 =	rddreg [dreg:$0x1f];
	v53 =	vmul.f32 v37, v37;
	v37 =	vmul.f32 v35, v37;
	v39 =	vadd.f32 $0.0e+00, v39  }
0x2ca: {  	v20 =	vor.u32 v7, v20;
	v22 =	vor.u32 v7, v22;
	v48 =	vld.idx.msk [tilespmem:v48+s1+$0x0], $0xffff;
	s23 =	rddreg [dreg:$0x1e];
	v57 =	vmul.f32 v33, v33  }
0x2cb: {  	s5 =	simm.s32 $0x8600;
	v58 =	vld.idx.msk [tilespmem:v55+s1+$0x0], $0xffff;
	s24 =	rddreg [dreg:$0x1d];
	v33 =	vmul.f32 v34, v33;
	v21 =	vadd.f32 v56, v21;
	v37 =	vadd.f32 v37, v39  }
0x2cc: {  	s9 =	simm.s32 $0x8600;
	v60 =	vld.idx.msk [tilespmem:v50+s5+$0x0], $0xffff;
	s28 =	sld [smem:$0x7B3];
	v62 =	vmul.f32 v36, v36;
	v32 =	vmul.f32 v32, v32  }
0x2cd: {  	v52 =	vld.idx.msk [tilespmem:v52+s9+$0x0], $0xffff;
	s7 =	rddreg [dreg:$0x16];
	v36 =	vmul.f32 v38, v36;
	v21 =	vadd.f32 v53, v21;
	v33 =	vadd.f32 v33, v37  }
0x2ce: {  	s8 =	rddreg [dreg:$0x14];
	v35 =	vmul.f32 v35, v35;
	v19 =	vadd.f32 v32, v19;
	v53 =	vld.idx.msk [tilespmem:v54+s21+$0x0], $0xffff  }
0x2cf: {  	s10 =	rddreg [dreg:$0x12];
	v20 =	vld.idx.msk [tilespmem:v20+s1+$0x0], $0xffff;
	v54 =	vmul.f32 v41, v40;
	v21 =	vadd.f32 v57, v21;
	v33 =	vadd.f32 v36, v33  }
0x2d0: {  	[smem:$0x7A7] =	sst s11;
	v34 =	vmul.f32 v34, v34;
	v63 =	vmul.f32 v40, v40;
	v22 =	vld.idx.msk [tilespmem:v22+s5+$0x0], $0xffff;
	v19 =	vadd.f32 v35, v19  }
0x2d1: {  	v49 =	vld.idx.msk [tilespmem:v49+s1+$0x0], $0xffff;
	[smem:$0x7B0] =	sst s22;
	v59 =	vmul.f32 v47, v44;
	v21 =	vadd.f32 v62, v21;
	v32 =	vadd.f32 v54, v33  }
0x2d2: {  	v55 =	vld.idx.msk [tilespmem:v45+s9+$0x0], $0xffff;
	s25 =	simm.s32 $0x10600;
	[smem:$0x7B1] =	sst s23;
	v38 =	vmul.f32 v38, v38;
	v61 =	vmul.f32 v48, v48;
	v19 =	vadd.f32 v34, v19  }
0x2d3: {  	[smem:$0x7B2] =	sst s24;
	v26 =	vld.idx.msk [tilespmem:v26+s25+$0x0], $0xffff;
	v21 =	vadd.f32 v63, v21;
	v63 =	vmul.f32 v53, v48;
	v32 =	vadd.f32 v59, v32  }
0x2d4: {  	s24 =	rddreg [dreg:$0x15];
	v37 =	vmul.f32 v41, v41;
	v57 =	vmul.f32 v44, v44;
	v62 =	vld.idx.msk [tilespmem:v51+s1+$0x0], $0xffff;
	v19 =	vadd.f32 v38, v19  }
0x2d5: {  	s11 =	rddreg [dreg:$0x11];
	s0 =	sshra.s32 s19, $0x2;
	v50 =	vld.idx.msk [tilespmem:v23+s1+$0x0], $0xffff;
	v54 =	vmul.f32 v20, v20;
	v20 =	vmul.f32 v22, v20;
	v32 =	vadd.f32 v63, v32  }
0x2d6: {  	s25 =	rddreg [dreg:$0x10];
	v23 =	vld [tilespmem:s0+$0x0];
	v36 =	vmul.f32 v47, v47;
	v19 =	vadd.f32 v37, v19;
	v21 =	vadd.f32 v57, v21  }
0x2d7: {  	s22 =	rddreg [dreg:$0xc];
	v56 =	vmul.f32 v58, v58;
	v58 =	vmul.f32 v60, v58;
	v57 =	vld.idx.msk [tilespmem:v46+s1+$0x0], $0xffff;
	v20 =	vadd.f32 v20, v32  }
0x2d8: {  	s23 =	rddreg [dreg:$0xb];
	v53 =	vmul.f32 v53, v53;
	v59 =	vld.idx.msk [tilespmem:v42+s9+$0x0], $0xffff;
	v19 =	vadd.f32 v36, v19;
	v21 =	vadd.f32 v61, v21  }
0x2d9: {  	v43 =	vld.idx.msk [tilespmem:v43+s1+$0x0], $0xffff;
	[smem:$0x7A9] =	sst s13;
	v61 =	vmul.f32 v62, v62;
	v62 =	vmul.f32 v52, v62;
	v20 =	vadd.f32 v58, v20  }
0x2da: {  	[smem:$0x7AB] =	sst s16;
	v31 =	vld.idx.msk [tilespmem:v31+s9+$0x0], $0xffff;
	v51 =	vmul.f32 v55, v49  }
0x2db: {  	s16 =	rddreg [dreg:$0x18];
	v22 =	vmul.f32 v22, v22;
	v19 =	vadd.f32 v53, v19;
	v20 =	vadd.f32 v62, v20  }
0x2dc: {  	v30 =	vld.idx.msk [tilespmem:v30+s9+$0x0], $0xffff;
	s13 =	rddreg [dreg:$0xf];
	v60 =	vmul.f32 v60, v60;
	(v2sf) =	vpush v23, $0x0;
	v21 =	vadd.f32 v54, v21  }
0x2dd: {  	[smem:$0x7A8] =	sst s12;
	v29 =	vld.idx.msk [tilespmem:v29+s1+$0x0], $0xffff;
	v19 =	vadd.f32 v22, v19;
	v22 =	vmul.f32 v59, v57;
	v20 =	vadd.f32 v51, v20  }
0x2de: {  	[smem:$0x7AA] =	sst s15;
	v63 =	vmul.f32 v52, v52;
	v53 =	vmul.f32 v57, v57;
	v21 =	vadd.f32 v56, v21;
	v56 =	vld.idx.msk [tilespmem:v24+s9+$0x0], $0xffff  }
0x2df: {  	v28 =	vld.idx.msk [tilespmem:v28+s9+$0x0], $0xffff;
	[smem:$0x7AC] =	sst s17;
	v57 =	vmul.f32 v31, v43;
	v19 =	vadd.f32 v60, v19;
	v20 =	vadd.f32 v22, v20  }
0x2e0: {  	v27 =	vld.idx.msk [tilespmem:v27+s1+$0x0], $0xffff;
	[smem:$0x7AD] =	sst s18;
	v48 =	vmul.f32 v49, v49;
	v52 =	vmul.f32 v55, v55;
	v21 =	vadd.f32 v61, v21  }
0x2e1: {  	[smem:$0x7AE] =	sst s20;
	v19 =	vadd.f32 v63, v19;
	v22 =	vmul.f32 v30, v50;
	v20 =	vadd.f32 v57, v20  }
0x2e2: {  	s18 =	rddreg [dreg:$0x1c];
	(v2sf) =	vpush v23, $0x1;
	v54 =	vmul.f32 v59, v59;
	v21 =	vadd.f32 v48, v21  }
0x2e3: {  	s19 =	rddreg [dreg:$0x1b];
	v24 =	vld [tilespmem:s0+$0x200];
	v19 =	vadd.f32 v52, v19;
	v61 =	vmul.f32 v56, v29;
	v20 =	vadd.f32 v22, v20  }
0x2e4: {  	s15 =	rddreg [dreg:$0x19];
	v55 =	vmul.f32 v43, v43;
	v31 =	vmul.f32 v31, v31;
	v21 =	vadd.f32 v53, v21  }
0x2e5: {  	s26 =	simm.s32 $0x10E00;
	s17 =	rddreg [dreg:$0x17];
	v62 =	vmul.f32 v28, v27;
	v19 =	vadd.f32 v54, v19;
	v63 =	vadd.f32 v61, v20  }
0x2e6: {  	s20 =	rddreg [dreg:$0xe];
	v59 =	vld.idx.msk [tilespmem:v25+s26+$0x0], $0xffff;
	v58 =	vmul.f32 v50, v50;
	v30 =	vmul.f32 v30, v30;
	v21 =	vadd.f32 v55, v21  }
0x2e7: {  	s21 =	sld [smem:$0x7B4];
	v19 =	vadd.f32 v31, v19;
	v22 =	vmul.f32 v29, v29;
	v29 =	vadd.f32 v62, v63  }
0x2e8: {  	s5 =	rddreg [dreg:$0x1a];
	s30 =	smov.u32 s0;
	(v2sf) =	vpush v24, $0x0;
	v21 =	vadd.f32 v58, v21  }
.Ltmp0:
0x2e9: {  	[smem:$0x7B3] =	sst s30;
	v60 =	vmul.f32 v56, v56;
	v19 =	vadd.f32 v30, v19;
	v26 =	vadd.f32 v29, v26;
	(pc) =	sbr.rel @p0 .LBB2_2-.Ltmp0, $4  }
0x2ea: {  	[smem:$0x7AF] =	sst s21;
	v27 =	vmul.f32 v27, v27;
	(v2sf) =	vpush v24, $0x1;
	v21 =	vadd.f32 v22, v21  }
0x2eb: {  	s21 =	rddreg [dreg:$0xd];
	v28 =	vmul.f32 v28, v28;
	v19 =	vadd.f32 v60, v19;
	v26 =	vadd.f32 v26, v59  }
0x2ec: {  	s9 =	rddreg [dreg:$0x13];
	s31 =	spop (v2sf);
	(v2sf) =	vpush v23, $0x2;
	v20 =	vand.u32 $0x7F, v23;
	v21 =	vadd.f32 v27, v21  }
0x2ed: {  	v25 =	vld [tilespmem:s28+$0x400];
	s0 =	smov.u32 s29;
	s26 =	sand.u32 $0x1FFFFF80, s31;
	s12 =	sshrl.u32 s31, $0x3;
	v22 =	vand.u32 $0x7F, v24;
	v19 =	vadd.f32 v28, v19;
	v26 =	vadd.f32 v26, v17  }
0x2ee: {  	_ =	sdelay $0x2  }
0x2ef: {  	s28 =	rddreg [dreg:$0x3]  }
0x2f0: {  	s29 =	simm.s32 $0x600;
	s0 =	sadd.s32 s28, s26  }
0x2f1: {  	[tilespmem:s29], [sflag:$0x1] =	stream.linear.gather [hbm4b:s0+s6], $0x400, $0x38;
	[tilespmem:$0x11700] =	vst v63  }
0x2f2: {  	s0 =	sadd.s32 $0xF4280, s0  }
0x2f3: {  	[tilespmem:s14], [sflag:$0x1] =	stream.linear.gather [hbm4b:s0+s6], $0x400, $0x38;
	[tilespmem:$0x11700] =	vst v63  }
0x2f4: {  	s0 =	spop (v2sf)  }
0x2f5: {  	s3 =	rddreg [dreg:$0xa];
	s1 =	spop (v2sf)  }
0x2f6: {  	s30 =	simm.s32 $0x8600;
	s26 =	rddreg [dreg:$0x4];
	s2 =	sand.u32 $0x1FFFFF80, s1  }
0x2f7: {  	s31 =	sand.u32 $0x1FFFFFF0, s12;
	s12 =	rddreg [dreg:$0x5];
	s2 =	sadd.s32 s26, s2  }
0x2f8: {  	[tilespmem:s30], [sflag:$0x1] =	stream.linear.gather [hbm4b:s2+s6], $0x400, $0x38;
	[tilespmem:$0x11700] =	vst v63  }
0x2f9: {  	s14 =	rddreg [dreg:$0x6];
	s1 =	sshrl.u32 s1, $0x3;
	s2 =	sadd.s32 $0xF4280, s2  }
0x2fa: {  	[tilespmem:s3], [sflag:$0x1] =	stream.linear.gather [hbm4b:s2+s6], $0x400, $0x38;
	[tilespmem:$0x11700] =	vst v63  }
0x2fb: {  	s1 =	sand.u32 $0x1FFFFFF0, s1;
	s2 =	sadd.s32 s12, s31;
	s31 =	simm.s32 $0x10600  }
0x2fc: {  	[tilespmem:s31], [sflag:$0x2] =	stream.linear.gather [hbm4b:s2+s6], $0x80, $0x38;
	[tilespmem:$0x11700] =	vst v63  }
0x2fd: {  	s1 =	sadd.s32 s14, s1;
	s3 =	simm.s32 $0x10E00  }
0x2fe: {  	[tilespmem:s3], [sflag:$0x2] =	stream.linear.gather [hbm4b:s1+s6], $0x80, $0x38;
	[tilespmem:$0x11700] =	vst v63  }
0x2ff: {  	(v2sf) =	vpush v24, $0x2;
	s3 =	sand.u32 $0x1FFFFF80, s0  }
0x300: {  	s1 =	sadd.s32 s28, s3  }
0x301: {  	[tilespmem:s23], [sflag:$0x1] =	stream.linear.gather [hbm4b:s1+s6], $0x400, $0x38;
	[tilespmem:$0x11700] =	vst v63  }
0x302: {  	s23 =	spop (v2sf)  }
0x303: {  	s1 =	sadd.s32 $0xF4280, s1;
	s3 =	sand.u32 $0x1FFFFF80, s23  }
0x304: {  	[tilespmem:s22], [sflag:$0x1] =	stream.linear.gather [hbm4b:s1+s6], $0x400, $0x38;
	[tilespmem:$0x11700] =	vst v63  }
0x305: {  	s0 =	sshrl.u32 s0, $0x3;
	s2 =	sadd.s32 s26, s3  }
0x306: {  	[tilespmem:s21], [sflag:$0x1] =	stream.linear.gather [hbm4b:s2+s6], $0x400, $0x38;
	[tilespmem:$0x11700] =	vst v63  }
0x307: {  	s0 =	sand.u32 $0x1FFFFFF0, s0;
	s2 =	sadd.s32 $0xF4280, s2  }
0x308: {  	[tilespmem:s20], [sflag:$0x1] =	stream.linear.gather [hbm4b:s2+s6], $0x400, $0x38;
	[tilespmem:$0x11700] =	vst v63  }
0x309: {  	s0 =	sadd.s32 s12, s0;
	(v2sf) =	vpush v23, $0x3;
	s21 =	sshrl.u32 s23, $0x3  }
0x30a: {  	[tilespmem:s13], [sflag:$0x2] =	stream.linear.gather [hbm4b:s0+s6], $0x80, $0x38;
	[tilespmem:$0x11700] =	vst v63  }
0x30b: {  	s22 =	spop (v2sf);
	s0 =	sand.u32 $0x1FFFFFF0, s21  }
0x30c: {  	(v2sf) =	vpush v24, $0x3;
	s23 =	sand.u32 $0x1FFFFF80, s22;
	s0 =	sadd.s32 s14, s0  }
0x30d: {  	[tilespmem:s25], [sflag:$0x2] =	stream.linear.gather [hbm4b:s0+s6], $0x80, $0x38;
	[tilespmem:$0x11700] =	vst v63  }
0x30e: {  	s1 =	sadd.s32 s28, s23;
	s25 =	spop (v2sf)  }
0x30f: {  	[tilespmem:s11], [sflag:$0x1] =	stream.linear.gather [hbm4b:s1+s6], $0x400, $0x38;
	[tilespmem:$0x11700] =	vst v63  }
0x310: {  	s3 =	sand.u32 $0x1FFFFF80, s25;
	s1 =	sadd.s32 $0xF4280, s1  }
0x311: {  	[tilespmem:s10], [sflag:$0x1] =	stream.linear.gather [hbm4b:s1+s6], $0x400, $0x38;
	[tilespmem:$0x11700] =	vst v63  }
0x312: {  	s0 =	sshrl.u32 s22, $0x3;
	s2 =	sadd.s32 s26, s3  }
0x313: {  	[tilespmem:s9], [sflag:$0x1] =	stream.linear.gather [hbm4b:s2+s6], $0x400, $0x38;
	[tilespmem:$0x11700] =	vst v63  }
0x314: {  	s0 =	sand.u32 $0x1FFFFFF0, s0;
	s2 =	sadd.s32 $0xF4280, s2  }
0x315: {  	[tilespmem:s8], [sflag:$0x1] =	stream.linear.gather [hbm4b:s2+s6], $0x400, $0x38;
	[tilespmem:$0x11700] =	vst v63  }
0x316: {  	s0 =	sadd.s32 s12, s0;
	s9 =	sshrl.u32 s25, $0x3  }
0x317: {  	[tilespmem:s24], [sflag:$0x2] =	stream.linear.gather [hbm4b:s0+s6], $0x80, $0x38;
	[tilespmem:$0x11700] =	vst v63  }
0x318: {  	s10 =	spop (v2sf);
	s0 =	sand.u32 $0x1FFFFFF0, s9  }
0x319: {  	s11 =	sand.u32 $0x1FFFFF80, s10;
	s0 =	sadd.s32 s14, s0  }
0x31a: {  	(v2sf) =	vpush v23, $0x4;
	[tilespmem:s7], [sflag:$0x2] =	stream.linear.gather [hbm4b:s0+s6], $0x80, $0x38;
	[tilespmem:$0x11700] =	vst v63  }
0x31b: {  	s1 =	sadd.s32 s28, s11;
	s13 =	spop (v2sf)  }
0x31c: {  	(v2sf) =	vpush v24, $0x4;
	[tilespmem:s17], [sflag:$0x1] =	stream.linear.gather [hbm4b:s1+s6], $0x400, $0x38;
	[tilespmem:$0x11700] =	vst v63  }
0x31d: {  	s1 =	sadd.s32 $0xF4280, s1  }
0x31e: {  	[tilespmem:s16], [sflag:$0x1] =	stream.linear.gather [hbm4b:s1+s6], $0x400, $0x38;
	[tilespmem:$0x11700] =	vst v63  }
0x31f: {  	s16 =	sand.u32 $0x1FFFFF80, s13  }
0x320: {  	s0 =	sshrl.u32 s10, $0x3;
	s2 =	sadd.s32 s26, s16  }
0x321: {  	[tilespmem:s15], [sflag:$0x1] =	stream.linear.gather [hbm4b:s2+s6], $0x400, $0x38;
	[tilespmem:$0x11700] =	vst v63  }
0x322: {  	s0 =	sand.u32 $0x1FFFFFF0, s0;
	s2 =	sadd.s32 $0xF4280, s2  }
0x323: {  	[tilespmem:s5], [sflag:$0x1] =	stream.linear.gather [hbm4b:s2+s6], $0x400, $0x38;
	[tilespmem:$0x11700] =	vst v63  }
0x324: {  	s0 =	sadd.s32 s12, s0;
	s17 =	sshrl.u32 s13, $0x3  }
0x325: {  	[tilespmem:s19], [sflag:$0x2] =	stream.linear.gather [hbm4b:s0+s6], $0x80, $0x38;
	[tilespmem:$0x11700] =	vst v63  }
0x326: {  	s0 =	sand.u32 $0x1FFFFFF0, s17  }
0x327: {  	s0 =	sadd.s32 s14, s0  }
0x328: {  	[tilespmem:s18], [sflag:$0x2] =	stream.linear.gather [hbm4b:s0+s6], $0x80, $0x38;
	[tilespmem:$0x11700] =	vst v63  }
0x329: {  	s18 =	spop (v2sf);
	(v2sf) =	vpush v23, $0x5;
	_ =	sdelay $0x1  }
0x32a: {  	s20 =	sld [smem:$0x7B2];
	s22 =	spop (v2sf);
	(v2sf) =	vpush v24, $0x5  }
0x32b: {  	s19 =	sand.u32 $0x1FFFFF80, s18  }
0x32c: {  	s21 =	sld [smem:$0x7B1];
	s1 =	sadd.s32 s28, s19  }
0x32d: {  	[tilespmem:s20], [sflag:$0x1] =	stream.linear.gather [hbm4b:s1+s6], $0x400, $0x38;
	[tilespmem:$0x11700] =	vst v63  }
0x32e: {  	s24 =	sld [smem:$0x7B0];
	s23 =	sand.u32 $0x1FFFFF80, s22;
	s1 =	sadd.s32 $0xF4280, s1  }
0x32f: {  	[tilespmem:s21], [sflag:$0x1] =	stream.linear.gather [hbm4b:s1+s6], $0x400, $0x38;
	[tilespmem:$0x11700] =	vst v63  }
0x330: {  	s25 =	sld [smem:$0x7AF];
	s0 =	sshrl.u32 s18, $0x3;
	s2 =	sadd.s32 s26, s23  }
0x331: {  	[tilespmem:s24], [sflag:$0x1] =	stream.linear.gather [hbm4b:s2+s6], $0x400, $0x38;
	[tilespmem:$0x11700] =	vst v63  }
0x332: {  	s5 =	sld [smem:$0x7AE];
	s0 =	sand.u32 $0x1FFFFFF0, s0;
	s2 =	sadd.s32 $0xF4280, s2  }
0x333: {  	[tilespmem:s25], [sflag:$0x1] =	stream.linear.gather [hbm4b:s2+s6], $0x400, $0x38;
	[tilespmem:$0x11700] =	vst v63  }
0x334: {  	s8 =	sld [smem:$0x7AD];
	s7 =	sshrl.u32 s22, $0x3;
	s0 =	sadd.s32 s12, s0  }
0x335: {  	[tilespmem:s5], [sflag:$0x2] =	stream.linear.gather [hbm4b:s0+s6], $0x80, $0x38;
	[tilespmem:$0x11700] =	vst v63  }
0x336: {  	s0 =	sand.u32 $0x1FFFFFF0, s7  }
0x337: {  	s0 =	sadd.s32 s14, s0;
	s9 =	spop (v2sf);
	(v2sf) =	vpush v23, $0x6  }
0x338: {  	[tilespmem:s8], [sflag:$0x2] =	stream.linear.gather [hbm4b:s0+s6], $0x80, $0x38;
	[tilespmem:$0x11700] =	vst v63  }
0x339: {  	s10 =	sld [smem:$0x7B7];
	s16 =	spop (v2sf);
	(v2sf) =	vpush v24, $0x6  }
0x33a: {  	s11 =	sand.u32 $0x1FFFFF80, s9  }
0x33b: {  	s15 =	sld [smem:$0x7AC];
	s2 =	sadd.s32 s28, s11  }
0x33c: {  	[tilespmem:s10], [sflag:$0x1] =	stream.linear.gather [hbm4b:s2+s6], $0x400, $0x38;
	[tilespmem:$0x11700] =	vst v63  }
0x33d: {  	s18 =	sld [smem:$0x7AB];
	s17 =	sand.u32 $0x1FFFFF80, s16;
	s13 =	sadd.s32 $0xF4280, s2  }
0x33e: {  	[tilespmem:s15], [sflag:$0x1] =	stream.linear.gather [hbm4b:s13+s6], $0x400, $0x38;
	[tilespmem:$0x11700] =	vst v63  }
0x33f: {  	s19 =	sld [smem:$0x7AA];
	s0 =	sshrl.u32 s9, $0x3;
	s2 =	sadd.s32 s26, s17  }
0x340: {  	[tilespmem:s18], [sflag:$0x1] =	stream.linear.gather [hbm4b:s2+s6], $0x400, $0x38;
	[tilespmem:$0x11700] =	vst v63  }
0x341: {  	s20 =	sld [smem:$0x7A9];
	s0 =	sand.u32 $0x1FFFFFF0, s0;
	s2 =	sadd.s32 $0xF4280, s2  }
0x342: {  	[tilespmem:s19], [sflag:$0x1] =	stream.linear.gather [hbm4b:s2+s6], $0x400, $0x38;
	[tilespmem:$0x11700] =	vst v63  }
0x343: {  	s22 =	sld [smem:$0x7A8];
	s21 =	sshrl.u32 s16, $0x3;
	s0 =	sadd.s32 s12, s0  }
0x344: {  	[tilespmem:s20], [sflag:$0x2] =	stream.linear.gather [hbm4b:s0+s6], $0x80, $0x38;
	[tilespmem:$0x11700] =	vst v63  }
0x345: {  	s0 =	sand.u32 $0x1FFFFFF0, s21  }
0x346: {  	s0 =	sadd.s32 s14, s0;
	s23 =	spop (v2sf);
	(v2sf) =	vpush v23, $0x7  }
0x347: {  	[tilespmem:s22], [sflag:$0x2] =	stream.linear.gather [hbm4b:s0+s6], $0x80, $0x38;
	[tilespmem:$0x11700] =	vst v63  }
0x348: {  	s25 =	sld [smem:$0x7A7];
	s5 =	spop (v2sf);
	(v2sf) =	vpush v24, $0x7  }
0x349: {  	s24 =	sand.u32 $0x1FFFFF80, s23  }
0x34a: {  	s3 =	sld [smem:$0x7A6];
	s1 =	sadd.s32 s28, s24  }
0x34b: {  	[tilespmem:s25], [sflag:$0x1] =	stream.linear.gather [hbm4b:s1+s6], $0x400, $0x38;
	[tilespmem:$0x11700] =	vst v63  }
0x34c: {  	s8 =	sld [smem:$0x7A5];
	s7 =	sand.u32 $0x1FFFFF80, s5;
	s1 =	sadd.s32 $0xF4280, s1  }
0x34d: {  	[tilespmem:s3], [sflag:$0x1] =	stream.linear.gather [hbm4b:s1+s6], $0x400, $0x38;
	[tilespmem:$0x11700] =	vst v63  }
0x34e: {  	s9 =	sld [smem:$0x7A4];
	s0 =	sshrl.u32 s23, $0x3;
	s2 =	sadd.s32 s26, s7  }
0x34f: {  	[tilespmem:s8], [sflag:$0x1] =	stream.linear.gather [hbm4b:s2+s6], $0x400, $0x38;
	[tilespmem:$0x11700] =	vst v63  }
0x350: {  	s10 =	sld [smem:$0x7A3];
	s0 =	sand.u32 $0x1FFFFFF0, s0;
	s2 =	sadd.s32 $0xF4280, s2  }
0x351: {  	[tilespmem:s9], [sflag:$0x1] =	stream.linear.gather [hbm4b:s2+s6], $0x400, $0x38;
	[tilespmem:$0x11700] =	vst v63  }
0x352: {  	s15 =	sld [smem:$0x7A2];
	s11 =	sshrl.u32 s5, $0x3;
	s0 =	sadd.s32 s12, s0  }
0x353: {  	[tilespmem:s10], [sflag:$0x2] =	stream.linear.gather [hbm4b:s0+s6], $0x80, $0x38;
	[tilespmem:$0x11700] =	vst v63  }
0x354: {  	s0 =	sand.u32 $0x1FFFFFF0, s11  }
0x355: {  	s18 =	sld [smem:$0x7A1];
	s0 =	sadd.s32 s14, s0;
	s13 =	spop (v2sf);
	(v2sf) =	vpush v23, $0x8  }
0x356: {  	[tilespmem:s15], [sflag:$0x2] =	stream.linear.gather [hbm4b:s0+s6], $0x80, $0x38;
	[tilespmem:$0x11700] =	vst v63  }
0x357: {  	s17 =	sld [smem:$0x7C4];
	s16 =	sand.u32 $0x1FFFFF80, s13;
	s19 =	spop (v2sf);
	(v2sf) =	vpush v24, $0x8  }
0x358: {  	s21 =	sld [smem:$0x7A0];
	s0 =	sadd.s32 s28, s16  }
0x359: {  	[tilespmem:s18], [sflag:$0x1] =	stream.linear.gather [hbm4b:s0+s6], $0x400, $0x38;
	[tilespmem:$0x11700] =	vst v63  }
0x35a: {  	s22 =	sld [smem:$0x79F];
	s20 =	sand.u32 $0x1FFFFF80, s19;
	s0 =	sadd.s32 $0xF4280, s0  }
0x35b: {  	[tilespmem:s17], [sflag:$0x1] =	stream.linear.gather [hbm4b:s0+s6], $0x400, $0x38;
	[tilespmem:$0x11700] =	vst v63  }
0x35c: {  	s23 =	sld [smem:$0x79E];
	s1 =	sshrl.u32 s13, $0x3;
	s2 =	sadd.s32 s26, s20  }
0x35d: {  	[tilespmem:s21], [sflag:$0x1] =	stream.linear.gather [hbm4b:s2+s6], $0x400, $0x38;
	[tilespmem:$0x11700] =	vst v63  }
0x35e: {  	s1 =	sand.u32 $0x1FFFFFF0, s1;
	s0 =	sshrl.u32 s19, $0x3;
	s2 =	sadd.s32 $0xF4280, s2  }
0x35f: {  	[tilespmem:s22], [sflag:$0x1] =	stream.linear.gather [hbm4b:s2+s6], $0x400, $0x38;
	[tilespmem:$0x11700] =	vst v63  }
0x360: {  	s24 =	sld [smem:$0x7C8];
	s1 =	sadd.s32 s12, s1;
	s0 =	sand.u32 $0x1FFFFFF0, s0  }
0x361: {  	[tilespmem:s23], [sflag:$0x2] =	stream.linear.gather [hbm4b:s1+s6], $0x80, $0x38;
	[tilespmem:$0x11700] =	vst v63  }
0x362: {  	s5 =	sld [smem:$0x7C9];
	s0 =	sadd.s32 s14, s0  }
0x363: {  	[tilespmem:s24], [sflag:$0x2] =	stream.linear.gather [hbm4b:s0+s6], $0x80, $0x38;
	[tilespmem:$0x11700] =	vst v63  }
0x364: {  	s9 =	sld [smem:$0x79D];
	s25 =	spop (v2sf);
	(v2sf) =	vpush v23, $0x9  }
0x365: {  	s15 =	sld [smem:$0x79B];
	s7 =	sand.u32 $0x1FFFFF80, s25  }
0x366: {  	s13 =	sld [smem:$0x79C];
	s10 =	spop (v2sf);
	(v2sf) =	vpush v24, $0x9;
	s2 =	sadd.s32 s28, s7  }
0x367: {  	[tilespmem:s5], [sflag:$0x1] =	stream.linear.gather [hbm4b:s2+s6], $0x400, $0x38;
	[tilespmem:$0x11700] =	vst v63  }
0x368: {  	s16 =	sld [smem:$0x7CD];
	s11 =	sand.u32 $0x1FFFFF80, s10;
	s8 =	sadd.s32 $0xF4280, s2  }
0x369: {  	[tilespmem:s9], [sflag:$0x1] =	stream.linear.gather [hbm4b:s8+s6], $0x400, $0x38;
	[tilespmem:$0x11700] =	vst v63  }
0x36a: {  	s18 =	sld [smem:$0x7CE];
	s0 =	sshrl.u32 s25, $0x3;
	s2 =	sadd.s32 s26, s11  }
0x36b: {  	[tilespmem:s13], [sflag:$0x1] =	stream.linear.gather [hbm4b:s2+s6], $0x400, $0x38;
	[tilespmem:$0x11700] =	vst v63  }
0x36c: {  	s21 =	sld [smem:$0x79A];
	s0 =	sand.u32 $0x1FFFFFF0, s0;
	s2 =	sadd.s32 $0xF4280, s2  }
0x36d: {  	[tilespmem:s15], [sflag:$0x1] =	stream.linear.gather [hbm4b:s2+s6], $0x400, $0x38;
	[tilespmem:$0x11700] =	vst v63  }
0x36e: {  	s23 =	sld [smem:$0x799];
	s17 =	sshrl.u32 s10, $0x3;
	s0 =	sadd.s32 s12, s0  }
0x36f: {  	[tilespmem:s16], [sflag:$0x2] =	stream.linear.gather [hbm4b:s0+s6], $0x80, $0x38;
	[tilespmem:$0x11700] =	vst v63  }
0x370: {  	s25 =	sld [smem:$0x7D2];
	s0 =	sand.u32 $0x1FFFFFF0, s17  }
0x371: {  	s7 =	sld [smem:$0x798];
	s0 =	sadd.s32 s14, s0  }
0x372: {  	[tilespmem:s18], [sflag:$0x2] =	stream.linear.gather [hbm4b:s0+s6], $0x80, $0x38;
	[tilespmem:$0x11700] =	vst v63  }
0x373: {  	s10 =	sld [smem:$0x7D4];
	s19 =	spop (v2sf);
	(v2sf) =	vpush v23, $0xA  }
0x374: {  	s8 =	sld [smem:$0x7D3];
	s20 =	sand.u32 $0x1FFFFF80, s19;
	(v2sf) =	vpush v24, $0xA  }
0x375: {  	s15 =	sld [smem:$0x797];
	s22 =	spop (v2sf);
	s1 =	sadd.s32 s28, s20  }
0x376: {  	[tilespmem:s21], [sflag:$0x1] =	stream.linear.gather [hbm4b:s1+s6], $0x400, $0x38;
	[tilespmem:$0x11700] =	vst v63  }
0x377: {  	s17 =	sld [smem:$0x796];
	s24 =	sand.u32 $0x1FFFFF80, s22;
	(v2sf) =	vpush v23, $0xB;
	s1 =	sadd.s32 $0xF4280, s1  }
0x378: {  	[tilespmem:s23], [sflag:$0x1] =	stream.linear.gather [hbm4b:s1+s6], $0x400, $0x38;
	[tilespmem:$0x11700] =	vst v63  }
0x379: {  	s0 =	sshrl.u32 s19, $0x3;
	s19 =	sld [smem:$0x7D8];
	s1 =	sadd.s32 s26, s24  }
0x37a: {  	[tilespmem:s7], [sflag:$0x1] =	stream.linear.gather [hbm4b:s1+s6], $0x400, $0x38;
	[tilespmem:$0x11700] =	vst v63  }
0x37b: {  	s0 =	sand.u32 $0x1FFFFFF0, s0;
	s20 =	sld [smem:$0x795];
	s1 =	sadd.s32 $0xF4280, s1  }
0x37c: {  	[tilespmem:s25], [sflag:$0x1] =	stream.linear.gather [hbm4b:s1+s6], $0x400, $0x38;
	[tilespmem:$0x11700] =	vst v63  }
0x37d: {  	s9 =	sshrl.u32 s22, $0x3;
	s22 =	sld [smem:$0x7DA];
	s0 =	sadd.s32 s12, s0  }
0x37e: {  	[tilespmem:s8], [sflag:$0x2] =	stream.linear.gather [hbm4b:s0+s6], $0x80, $0x38;
	[tilespmem:$0x11700] =	vst v63  }
0x37f: {  	s23 =	sld [smem:$0x794];
	s0 =	sand.u32 $0x1FFFFFF0, s9  }
0x380: {  	s8 =	sld [smem:$0x7DC];
	s0 =	sadd.s32 s14, s0  }
0x381: {  	[tilespmem:s10], [sflag:$0x2] =	stream.linear.gather [hbm4b:s0+s6], $0x80, $0x38;
	[tilespmem:$0x11700] =	vst v63  }
0x382: {  	s10 =	sld [smem:$0x7DD];
	s11 =	spop (v2sf)  }
0x383: {  	s13 =	sand.u32 $0x1FFFFF80, s11;
	s16 =	spop (v2sf);
	(v2sf) =	vpush v24, $0xB;
	s0 =	sshrl.u32 s11, $0x3  }
0x384: {  	s1 =	sadd.s32 s28, s13;
	s18 =	sand.u32 $0x1FFFFF80, s16;
	s0 =	sand.u32 $0x1FFFFFF0, s0  }
0x385: {  	[tilespmem:s15], [sflag:$0x1] =	stream.linear.gather [hbm4b:s1+s6], $0x400, $0x38;
	[tilespmem:$0x11700] =	vst v63  }
0x386: {  	s21 =	sshrl.u32 s16, $0x3;
	s25 =	spop (v2sf);
	s1 =	sadd.s32 $0xF4280, s1  }
0x387: {  	[tilespmem:s17], [sflag:$0x1] =	stream.linear.gather [hbm4b:s1+s6], $0x400, $0x38;
	[tilespmem:$0x11700] =	vst v63  }
0x388: {  	s16 =	sld [smem:$0x7DF];
	s0 =	sadd.s32 s12, s0;
	s1 =	sadd.s32 s26, s18  }
0x389: {  	[tilespmem:s20], [sflag:$0x1] =	stream.linear.gather [hbm4b:s1+s6], $0x400, $0x38;
	[tilespmem:$0x11700] =	vst v63  }
0x38a: {  	(v2sf) =	vpush v23, $0xC;
	s5 =	sand.u32 $0x1FFFFF80, s25;
	s15 =	sld [smem:$0x7DE];
	s1 =	sadd.s32 $0xF4280, s1  }
0x38b: {  	[tilespmem:s19], [sflag:$0x1] =	stream.linear.gather [hbm4b:s1+s6], $0x400, $0x38;
	[tilespmem:$0x11700] =	vst v63  }
0x38c: {  	s24 =	sand.u32 $0x1FFFFFF0, s21;
	s7 =	sadd.s32 s28, s5;
	s5 =	sld [smem:$0x7E5]  }
0x38d: {  	[tilespmem:s23], [sflag:$0x2] =	stream.linear.gather [hbm4b:s0+s6], $0x80, $0x38;
	[tilespmem:$0x11700] =	vst v63  }
0x38e: {  	(v2sf) =	vpush v24, $0xC;
	s18 =	sld [smem:$0x7E0];
	s0 =	sadd.s32 s14, s24  }
0x38f: {  	[tilespmem:s22], [sflag:$0x2] =	stream.linear.gather [hbm4b:s0+s6], $0x80, $0x38;
	[tilespmem:$0x11700] =	vst v63  }
0x390: {  	s20 =	sld [smem:$0x7E1];
	s1 =	sshrl.u32 s25, $0x3  }
0x391: {  	[tilespmem:s4], [sflag:$0x1] =	stream.linear.gather [hbm4b:s7+s6], $0x400, $0x38;
	[tilespmem:$0x11700] =	vst v63  }
0x392: {  	s25 =	sld [smem:$0x7E4];
	s0 =	sadd.s32 $0xF4280, s7;
	s9 =	spop (v2sf)  }
0x393: {  	[tilespmem:s8], [sflag:$0x1] =	stream.linear.gather [hbm4b:s0+s6], $0x400, $0x38;
	[tilespmem:$0x11700] =	vst v63  }
0x394: {  	s1 =	sand.u32 $0x1FFFFFF0, s1;
	s11 =	sand.u32 $0x1FFFFF80, s9  }
0x395: {  	s1 =	sadd.s32 s12, s1;
	s23 =	sld [smem:$0x7E3];
	s0 =	sadd.s32 s26, s11  }
0x396: {  	(v2sf) =	vpush v23, $0xD;
	[tilespmem:s10], [sflag:$0x1] =	stream.linear.gather [hbm4b:s0+s6], $0x400, $0x38;
	[tilespmem:$0x11700] =	vst v63  }
0x397: {  	s22 =	sld [smem:$0x7E2];
	s13 =	sshrl.u32 s9, $0x3;
	s0 =	sadd.s32 $0xF4280, s0  }
0x398: {  	[tilespmem:s15], [sflag:$0x1] =	stream.linear.gather [hbm4b:s0+s6], $0x400, $0x38;
	[tilespmem:$0x11700] =	vst v63  }
0x399: {  	s17 =	spop (v2sf);
	s8 =	sld [smem:$0x7E6];
	s2 =	sand.u32 $0x1FFFFFF0, s13  }
0x39a: {  	(v2sf) =	vpush v24, $0xD;
	[tilespmem:s16], [sflag:$0x2] =	stream.linear.gather [hbm4b:s1+s6], $0x80, $0x38;
	[tilespmem:$0x11700] =	vst v63  }
0x39b: {  	s19 =	sand.u32 $0x1FFFFF80, s17;
	s13 =	sld [smem:$0x7E9];
	s2 =	sadd.s32 s14, s2  }
0x39c: {  	[tilespmem:s18], [sflag:$0x2] =	stream.linear.gather [hbm4b:s2+s6], $0x80, $0x38;
	[tilespmem:$0x11700] =	vst v63  }
0x39d: {  	s21 =	spop (v2sf);
	s10 =	sld [smem:$0x7E7];
	s1 =	sadd.s32 s28, s19  }
0x39e: {  	[tilespmem:s20], [sflag:$0x1] =	stream.linear.gather [hbm4b:s1+s6], $0x400, $0x38;
	[tilespmem:$0x11700] =	vst v63  }
0x39f: {  	s24 =	sand.u32 $0x1FFFFF80, s21;
	s15 =	sld [smem:$0x7EB];
	s1 =	sadd.s32 $0xF4280, s1  }
0x3a0: {  	[tilespmem:s22], [sflag:$0x1] =	stream.linear.gather [hbm4b:s1+s6], $0x400, $0x38;
	[tilespmem:$0x11700] =	vst v63  }
0x3a1: {  	s0 =	sshrl.u32 s17, $0x3;
	s17 =	sld [smem:$0x7EC];
	s1 =	sadd.s32 s26, s24  }
0x3a2: {  	(v2sf) =	vpush v23, $0xE;
	[tilespmem:s23], [sflag:$0x1] =	stream.linear.gather [hbm4b:s1+s6], $0x400, $0x38;
	[tilespmem:$0x11700] =	vst v63  }
0x3a3: {  	s0 =	sand.u32 $0x1FFFFFF0, s0;
	s2 =	sshrl.u32 s21, $0x3;
	s1 =	sadd.s32 $0xF4280, s1  }
0x3a4: {  	[tilespmem:s25], [sflag:$0x1] =	stream.linear.gather [hbm4b:s1+s6], $0x400, $0x38;
	[tilespmem:$0x11700] =	vst v63  }
0x3a5: {  	s0 =	sadd.s32 s12, s0;
	s2 =	sand.u32 $0x1FFFFFF0, s2;
	s7 =	spop (v2sf)  }
0x3a6: {  	(v2sf) =	vpush v24, $0xE;
	[tilespmem:s5], [sflag:$0x2] =	stream.linear.gather [hbm4b:s0+s6], $0x80, $0x38;
	[tilespmem:$0x11700] =	vst v63  }
0x3a7: {  	s18 =	sld [smem:$0x7ED];
	s2 =	sadd.s32 s14, s2;
	s9 =	sand.u32 $0x1FFFFF80, s7  }
0x3a8: {  	[tilespmem:s8], [sflag:$0x2] =	stream.linear.gather [hbm4b:s2+s6], $0x80, $0x38;
	[tilespmem:$0x11700] =	vst v63  }
0x3a9: {  	s20 =	sld [smem:$0x7EE];
	s11 =	spop (v2sf);
	s0 =	sadd.s32 s28, s9  }
0x3aa: {  	[tilespmem:s10], [sflag:$0x1] =	stream.linear.gather [hbm4b:s0+s6], $0x400, $0x38;
	[tilespmem:$0x11700] =	vst v63  }
0x3ab: {  	s22 =	sld [smem:$0x7F0];
	s16 =	sand.u32 $0x1FFFFF80, s11;
	s0 =	sadd.s32 $0xF4280, s0  }
0x3ac: {  	[tilespmem:s13], [sflag:$0x1] =	stream.linear.gather [hbm4b:s0+s6], $0x400, $0x38;
	[tilespmem:$0x11700] =	vst v63  }
0x3ad: {  	s23 =	sld [smem:$0x7F2];
	s1 =	sshrl.u32 s7, $0x3;
	s0 =	sadd.s32 s26, s16  }
0x3ae: {  	(v2sf) =	vpush v23, $0xF;
	[tilespmem:s15], [sflag:$0x1] =	stream.linear.gather [hbm4b:s0+s6], $0x400, $0x38;
	[tilespmem:$0x11700] =	vst v63  }
0x3af: {  	s1 =	sand.u32 $0x1FFFFFF0, s1;
	s2 =	sshrl.u32 s11, $0x3;
	s0 =	sadd.s32 $0xF4280, s0  }
0x3b0: {  	[tilespmem:s17], [sflag:$0x1] =	stream.linear.gather [hbm4b:s0+s6], $0x400, $0x38;
	[tilespmem:$0x11700] =	vst v63  }
0x3b1: {  	s19 =	spop (v2sf);
	s1 =	sadd.s32 s12, s1;
	s2 =	sand.u32 $0x1FFFFFF0, s2  }
0x3b2: {  	(v2sf) =	vpush v24, $0xF;
	[tilespmem:s18], [sflag:$0x2] =	stream.linear.gather [hbm4b:s1+s6], $0x80, $0x38;
	[tilespmem:$0x11700] =	vst v63  }
0x3b3: {  	s25 =	sld [smem:$0x7F4];
	s21 =	sand.u32 $0x1FFFFF80, s19;
	s2 =	sadd.s32 s14, s2  }
0x3b4: {  	[tilespmem:s20], [sflag:$0x2] =	stream.linear.gather [hbm4b:s2+s6], $0x80, $0x38;
	[tilespmem:$0x11700] =	vst v63  }
0x3b5: {  	s7 =	sld [smem:$0x7F6];
	s24 =	spop (v2sf);
	s1 =	sadd.s32 s28, s21  }
0x3b6: {  	[tilespmem:s22], [sflag:$0x1] =	stream.linear.gather [hbm4b:s1+s6], $0x400, $0x38;
	[tilespmem:$0x11700] =	vst v63  }
0x3b7: {  	s5 =	sld [smem:$0x7F5];
	s2 =	sand.u32 $0x1FFFFF80, s24;
	s1 =	sadd.s32 $0xF4280, s1  }
0x3b8: {  	[tilespmem:s23], [sflag:$0x1] =	stream.linear.gather [hbm4b:s1+s6], $0x400, $0x38;
	[tilespmem:$0x11700] =	vst v63  }
0x3b9: {  	s9 =	sld [smem:$0x7F7];
	s0 =	sshrl.u32 s19, $0x3;
	s1 =	sadd.s32 s26, s2  }
0x3ba: {  	[tilespmem:s25], [sflag:$0x1] =	stream.linear.gather [hbm4b:s1+s6], $0x400, $0x38;
	[tilespmem:$0x11700] =	vst v63  }
0x3bb: {  	s0 =	sand.u32 $0x1FFFFFF0, s0;
	s3 =	sshrl.u32 s24, $0x3;
	s1 =	sadd.s32 $0xF4280, s1  }
0x3bc: {  	[tilespmem:s5], [sflag:$0x1] =	stream.linear.gather [hbm4b:s1+s6], $0x400, $0x38;
	[tilespmem:$0x11700] =	vst v63  }
0x3bd: {  	s8 =	spop (v2sf);
	s0 =	sadd.s32 s12, s0;
	s2 =	sand.u32 $0x1FFFFFF0, s3  }
0x3be: {  	[tilespmem:s7], [sflag:$0x2] =	stream.linear.gather [hbm4b:s0+s6], $0x80, $0x38;
	[tilespmem:$0x11700] =	vst v63  }
0x3bf: {  	s11 =	sld [smem:$0x7F8];
	s10 =	sand.u32 $0x1FFFFF80, s8;
	s2 =	sadd.s32 s14, s2  }
0x3c0: {  	[tilespmem:s9], [sflag:$0x2] =	stream.linear.gather [hbm4b:s2+s6], $0x80, $0x38;
	[tilespmem:$0x11700] =	vst v63  }
0x3c1: {  	s13 =	sld [smem:$0x7F9];
	s15 =	spop (v2sf);
	s0 =	sadd.s32 s28, s10  }
0x3c2: {  	[tilespmem:s11], [sflag:$0x1] =	stream.linear.gather [hbm4b:s0+s6], $0x400, $0x38;
	[tilespmem:$0x11700] =	vst v63  }
0x3c3: {  	s16 =	sld [smem:$0x7FA];
	s17 =	sand.u32 $0x1FFFFF80, s15;
	s0 =	sadd.s32 $0xF4280, s0  }
0x3c4: {  	[tilespmem:s13], [sflag:$0x1] =	stream.linear.gather [hbm4b:s0+s6], $0x400, $0x38;
	[tilespmem:$0x11700] =	vst v63  }
0x3c5: {  	s18 =	sld [smem:$0x7FB];
	s0 =	sadd.s32 s26, s17  }
0x3c6: {  	[tilespmem:s16], [sflag:$0x1] =	stream.linear.gather [hbm4b:s0+s6], $0x400, $0x38;
	[tilespmem:$0x11700] =	vst v63  }
0x3c7: {  	s19 =	sshrl.u32 s8, $0x3;
	s20 =	sld [smem:$0x7FC];
	s0 =	sadd.s32 $0xF4280, s0  }
0x3c8: {  	[tilespmem:s18], [sflag:$0x1] =	stream.linear.gather [hbm4b:s0+s6], $0x400, $0x38;
	[tilespmem:$0x11700] =	vst v63  }
0x3c9: {  	s0 =	sand.u32 $0x1FFFFFF0, s19  }
0x3ca: {  	s21 =	sshrl.u32 s15, $0x3;
	s22 =	sld [smem:$0x7FD];
	s0 =	sadd.s32 s12, s0  }
0x3cb: {  	[tilespmem:s20], [sflag:$0x2] =	stream.linear.gather [hbm4b:s0+s6], $0x80, $0x38;
	[tilespmem:$0x11700] =	vst v63  }
0x3cc: {  	s0 =	sand.u32 $0x1FFFFFF0, s21  }
0x3cd: {  	s23 =	simm.s32 $0x1;
	s0 =	sadd.s32 s14, s0  }
0x3ce: {  	[tilespmem:s22], [sflag:$0x2] =	stream.linear.gather [hbm4b:s0+s6], $0x80, $0x38;
	[tilespmem:$0x11700] =	vst v63  }
0x3cf: {  	_ =	swait.ge [sflag:s23], $0x8000  }
0x3d0: {  	[sflag:s23] =	ssyncset.done $0x0  }
0x3d1: {  	[sflag:s23] =	ssyncadd.s32 $0xFFFF8000  }
0x3d2: {  	_ =	swait.ge [sflag:s23], $0x8000  }
0x3d3: {  	[sflag:s23] =	ssyncset.done $0x0  }
0x3d4: {  	s24 =	simm.s32 $0x2;
	[sflag:s23] =	ssyncadd.s32 $0xFFFF8000  }
0x3d5: {  	_ =	swait.ge [sflag:s24], $0x800  }
0x3d6: {  	v59 =	vor.u32 v0, v20;
	[sflag:s24] =	ssyncset.done $0x0  }
0x3d7: {  	v60 =	vor.u32 v0, v22;
	[sflag:s24] =	ssyncadd.s32 $0xFFFFF800  }
0x3d8: {  	v27 =	vor.u32 v1, v22;
	_ =	swait.ge [sflag:s24], $0x800  }
0x3d9: {  	v28 =	vor.u32 v1, v20;
	[sflag:s24] =	ssyncset.done $0x0  }
0x3da: {  	v29 =	vor.u32 v2, v20;
	[sflag:s24] =	ssyncadd.s32 $0xFFFFF800  }
0x3db: {  	v30 =	vor.u32 v2, v22;
	v23 =	vld.idx.msk [tilespmem:v59+s29+$0x0], $0xffff  }
0x3dc: {  	v31 =	vor.u32 v3, v20;
	v24 =	vld.idx.msk [tilespmem:v60+s30+$0x0], $0xffff  }
0x3dd: {  	v32 =	vor.u32 v3, v22;
	v27 =	vld.idx.msk [tilespmem:v27+s30+$0x0], $0xffff  }
0x3de: {  	v33 =	vor.u32 v4, v20;
	v28 =	vld.idx.msk [tilespmem:v28+s29+$0x0], $0xffff  }
0x3df: {  	v34 =	vor.u32 v4, v22;
	v29 =	vld.idx.msk [tilespmem:v29+s29+$0x0], $0xffff  }
0x3e0: {  	v35 =	vor.u32 v5, v20;
	v30 =	vld.idx.msk [tilespmem:v30+s30+$0x0], $0xffff  }
0x3e1: {  	v36 =	vor.u32 v5, v22;
	v31 =	vld.idx.msk [tilespmem:v31+s29+$0x0], $0xffff  }
0x3e2: {  	v38 =	vor.u32 v6, v20;
	v32 =	vld.idx.msk [tilespmem:v32+s30+$0x0], $0xffff  }
0x3e3: {  	v39 =	vor.u32 v6, v22;
	v33 =	vld.idx.msk [tilespmem:v33+s29+$0x0], $0xffff;
	v37 =	vmul.f32 v24, v23  }
0x3e4: {  	v41 =	vor.u32 v7, v20;
	v34 =	vld.idx.msk [tilespmem:v34+s30+$0x0], $0xffff  }
0x3e5: {  	v42 =	vor.u32 v7, v22;
	v35 =	vld.idx.msk [tilespmem:v35+s29+$0x0], $0xffff;
	v40 =	vmul.f32 v27, v28;
	v37 =	vadd.f32 $0.0e+00, v37  }
0x3e6: {  	v36 =	vld.idx.msk [tilespmem:v36+s30+$0x0], $0xffff  }
0x3e7: {  	v45 =	vor.u32 v8, v20;
	v38 =	vld.idx.msk [tilespmem:v38+s29+$0x0], $0xffff;
	v43 =	vmul.f32 v30, v29;
	v37 =	vadd.f32 v40, v37  }
0x3e8: {  	v44 =	vor.u32 v15, v20;
	v46 =	vor.u32 v8, v22;
	v48 =	vor.u32 v14, v22;
	v39 =	vld.idx.msk [tilespmem:v39+s30+$0x0], $0xffff  }
0x3e9: {  	v49 =	vor.u32 v9, v20;
	v41 =	vld.idx.msk [tilespmem:v41+s29+$0x0], $0xffff;
	v47 =	vmul.f32 v32, v31;
	v37 =	vadd.f32 v43, v37  }
0x3ea: {  	v50 =	vor.u32 v9, v22;
	v52 =	vor.u32 v13, v22;
	v53 =	vor.u32 v10, v20;
	v42 =	vld.idx.msk [tilespmem:v42+s30+$0x0], $0xffff  }
0x3eb: {  	v54 =	vor.u32 v10, v22;
	v51 =	vmul.f32 v34, v33;
	v37 =	vadd.f32 v47, v37  }
0x3ec: {  	v56 =	vor.u32 v11, v20;
	v57 =	vor.u32 v11, v22;
	v62 =	vor.u32 v12, v20;
	v45 =	vld.idx.msk [tilespmem:v45+s29+$0x0], $0xffff  }
0x3ed: {  	v46 =	vld.idx.msk [tilespmem:v46+s30+$0x0], $0xffff;
	v55 =	vmul.f32 v36, v35;
	v23 =	vmul.f32 v23, v23;
	v37 =	vadd.f32 v51, v37  }
0x3ee: {  	v49 =	vld.idx.msk [tilespmem:v49+s29+$0x0], $0xffff;
	v60 =	vor.u32 v13, v20;
	v61 =	vmul.f32 v39, v38;
	v24 =	vmul.f32 v24, v24  }
0x3ef: {  	v50 =	vld.idx.msk [tilespmem:v50+s30+$0x0], $0xffff;
	v63 =	vmul.f32 v42, v41;
	v28 =	vmul.f32 v28, v28;
	v37 =	vadd.f32 v55, v37  }
0x3f0: {  	v53 =	vld.idx.msk [tilespmem:v53+s29+$0x0], $0xffff;
	v27 =	vmul.f32 v27, v27;
	v21 =	vadd.f32 v23, v21;
	v40 =	vor.u32 v16, v22  }
0x3f1: {  	v54 =	vld.idx.msk [tilespmem:v54+s30+$0x0], $0xffff;
	v47 =	vor.u32 v15, v22;
	v22 =	vor.u32 v12, v22;
	v37 =	vadd.f32 v61, v37  }
0x3f2: {  	v29 =	vmul.f32 v29, v29;
	v30 =	vmul.f32 v30, v30;
	v19 =	vadd.f32 v24, v19;
	v24 =	vld.idx.msk [tilespmem:v56+s29+$0x0], $0xffff  }
0x3f3: {  	v23 =	vld.idx.msk [tilespmem:v62+s29+$0x0], $0xffff;
	v21 =	vadd.f32 v28, v21;
	v61 =	vmul.f32 v46, v45;
	v37 =	vadd.f32 v63, v37  }
0x3f4: {  	v31 =	vmul.f32 v31, v31;
	v62 =	vmul.f32 v50, v49;
	v28 =	vld.idx.msk [tilespmem:v57+s30+$0x0], $0xffff;
	v19 =	vadd.f32 v27, v19  }
0x3f5: {  	v21 =	vadd.f32 v29, v21;
	v51 =	vor.u32 v14, v20;
	v37 =	vadd.f32 v61, v37  }
0x3f6: {  	v32 =	vmul.f32 v32, v32;
	v43 =	vor.u32 v16, v20;
	v19 =	vadd.f32 v30, v19;
	v22 =	vld.idx.msk [tilespmem:v22+s30+$0x0], $0xffff  }
0x3f7: {  	v21 =	vadd.f32 v31, v21;
	v31 =	vld.idx.msk [tilespmem:v52+s30+$0x0], $0xffff;
	v63 =	vmul.f32 v54, v53;
	v27 =	vadd.f32 v62, v37  }
0x3f8: {  	v19 =	vadd.f32 v32, v19;
	v20 =	vld.idx.msk [tilespmem:v60+s29+$0x0], $0xffff;
	v55 =	vmul.f32 v34, v34;
	v37 =	vmul.f32 v33, v33  }
0x3f9: {  	v58 =	vmul.f32 v36, v36;
	v30 =	vld.idx.msk [tilespmem:v48+s30+$0x0], $0xffff;
	v56 =	vmul.f32 v28, v24;
	v27 =	vadd.f32 v63, v27  }
0x3fa: {  	v57 =	vmul.f32 v35, v35;
	v19 =	vadd.f32 v55, v19;
	v34 =	vld.idx.msk [tilespmem:v51+s29+$0x0], $0xffff;
	v21 =	vadd.f32 v37, v21  }
0x3fb: {  	v36 =	vld.idx.msk [tilespmem:v47+s30+$0x0], $0xffff;
	v59 =	vmul.f32 v22, v23;
	v27 =	vadd.f32 v56, v27  }
0x3fc: {  	v60 =	vmul.f32 v38, v38;
	v19 =	vadd.f32 v58, v19;
	v62 =	vld.idx.msk [tilespmem:v44+s29+$0x0], $0xffff;
	v21 =	vadd.f32 v57, v21  }
0x3fd: {  	v61 =	vmul.f32 v39, v39;
	v63 =	vmul.f32 v31, v20;
	v27 =	vadd.f32 v59, v27  }
0x3fe: {  	v41 =	vmul.f32 v41, v41;
	v42 =	vmul.f32 v42, v42;
	v21 =	vadd.f32 v60, v21  }
0x3ff: {  	v19 =	vadd.f32 v61, v19;
	v44 =	vmul.f32 v30, v34;
	v27 =	vadd.f32 v63, v27  }
0x400: {  	v47 =	vld.idx.msk [tilespmem:v43+s31+$0x0], $0xffff;
	v45 =	vmul.f32 v45, v45;
	v46 =	vmul.f32 v46, v46;
	v21 =	vadd.f32 v41, v21  }
0x401: {  	s25 =	simm.s32 $0x10E00;
	v19 =	vadd.f32 v42, v19;
	v48 =	vmul.f32 v36, v62;
	v27 =	vadd.f32 v44, v27  }
0x402: {  	v49 =	vmul.f32 v49, v49;
	v51 =	vld.idx.msk [tilespmem:v40+s25+$0x0], $0xffff;
	v21 =	vadd.f32 v45, v21  }
0x403: {  	s26 =	sld [smem:$0x7B3];
	v52 =	vmul.f32 v50, v50;
	v19 =	vadd.f32 v46, v19;
	v27 =	vadd.f32 v48, v27  }
0x404: {  	v55 =	vmul.f32 v53, v53;
	v21 =	vadd.f32 v49, v21  }
0x405: {  	v56 =	vmul.f32 v54, v54;
	v19 =	vadd.f32 v52, v19;
	v27 =	vadd.f32 v27, v47  }
0x406: {  	v24 =	vmul.f32 v24, v24;
	v57 =	vld [tilespmem:s26+$0x400];
	v21 =	vadd.f32 v55, v21  }
0x407: {  	v28 =	vmul.f32 v28, v28;
	v19 =	vadd.f32 v56, v19;
	v27 =	vadd.f32 v27, v51  }
0x408: {  	v25 =	vsub.f32 v26, v25;
	v23 =	vmul.f32 v23, v23;
	v21 =	vadd.f32 v24, v21  }
0x409: {  	v22 =	vmul.f32 v22, v22;
	v19 =	vadd.f32 v28, v19;
	v17 =	vadd.f32 v27, v17  }
0x40a: {  	v58 =	vmul.f32 v25, v25;
	v20 =	vmul.f32 v20, v20;
	v21 =	vadd.f32 v23, v21  }
0x40b: {  	v59 =	vmul.f32 v31, v31;
	v19 =	vadd.f32 v22, v19;
	v17 =	vsub.f32 v17, v57  }
0x40c: {  	v18 =	vadd.f32 v58, v18;
	v60 =	vmul.f32 v34, v34;
	v20 =	vadd.f32 v20, v21  }
0x40d: {  	v61 =	vmul.f32 v30, v30;
	v19 =	vadd.f32 v59, v19;
	v17 =	vmul.f32 v17, v17  }
0x40e: {  	v62 =	vmul.f32 v62, v62;
	v20 =	vadd.f32 v60, v20  }
0x40f: {  	v63 =	vmul.f32 v36, v36;
	v19 =	vadd.f32 v61, v19;
	v17 =	vadd.f32 v17, v18  }
0x410: {  	v18 =	vadd.f32 v62, v20  }
0x411: {  	v19 =	vadd.f32 v63, v19;
	(xrf2) =	vadd.scan.msk.f32 $0xffff, v17  }
0x412: {  	(xrf2) =	vadd.scan.msk.f32 $0xffff, v18  }
0x413: {  	(xrf2) =	vadd.scan.msk.f32 $0xffff, v19;
	_ =	sdelay $0x7  }
0x414: {  	v17, _, _ =	vpop (xrf2)  }
0x415: {  	v18, _, _ =	vpop (xrf2)  }
0x416: {  	v19, _, _ =	vpop (xrf2)  }
0x417: {  	v19 =	vbroadcast v19, $0xF  }
0x418: {  	v18 =	vbroadcast v18, $0xF  }
0x419: {  	v17 =	vbroadcast v17, $0xF;
	v19 =	vnsel vm0, $0x0, v19  }
0x41a: {  	s28 =	sld [smem:$0x7F1];
	v18 =	vsel vm1, v19, v18  }
0x41b: {  	v17 =	vsel vm2, v18, v17  }
0x41c: {  	s1 =	simm.s32 $0x3;
	s29 =	simm.s32 $0x11680;
	[tilespmem:$0x11680] =	vst v17  }
0x41d: {  	[hbm4b:s28+s6] =	stream.linear.scatter [tilespmem:s29], [sflag:$0x3], $0x80, $0x38;
	[tilespmem:$0x11700] =	vst v63  }
0x41e: {  	_ =	swait.ge [sflag:s1], $0x80  }
0x41f: {  	s30 =	sld [smem:$0x793]  }
0x420: {  	s31 =	sld [smem:$0x7F3];
	_ =	sdelay $0x1  }
0x421: {  	s2 =	sadd.s32 $0x1, s30  }
0x422: {  	p0 =	sne.s32 s2, s31  }
.Ltmp1:
0x423: {  	_ = 	snop;
	(pc) =	sbr.rel @p0 .LBB2_1-.Ltmp1, $3  }
0x424: {  	_ =	sdelay $0x1  }
0x425: {  	[sflag:s1] =	ssyncset.done $0x0  }
0x426: {  	[sflag:s1] =	ssyncadd.s32 $0xFFFFFF80  }
0x427: {  	_ =	sfence.sel $0x180000  }
0x428: {  	[bflag:$0x0] =	sbarrier.arrive $0xFFFF  }
0x429: {  	_ =	strace $0x90000047  }
0x42a: {  	s0 =	stileid.u32;
	[bflag:$0x2] =	sbarrier.arrive $0xFFFF  }
0x42b: {  	p0 =	sne.s32 s0, $0x0;
	s0 =	rddreg [dreg:$0x8]  }
0x42c: {  	s0 =	sadd.s32 @!p0 $0x100000, s0  }
0x42d: {  	[sflag:s0] =	ssyncadd.tile.s32 @!p0 $0x1;
	_ =	shalt  }
.Lfunc_end2:
_tile_overlayer_lowered:
.L_overlay_start_2:
0x42e: {  	(tag) =	ssettag $0x2  }
0x42f: {  	s0 =	rddreg [dreg:$0x0];
	s2 =	stileid.u32  }
0x430: {  	s1 =	rddreg [dreg:$0x1];
	p0 =	sne.s32 s2, $0x0  }
0x431: {  	s3 =	rddreg [dreg:$0x2];
	[bflag:$0x3] =	sbarrier.arrive $0xFFFF;
	s2 =	simm.s32 @!p0 $0x1C03  }
0x432: {  	[timem:s3], [sflag:s2] =	dma.local @!p0 [hbm:s0], s1  }
0x433: {  	s0 =	simm.s32 @!p0 $0x3  }
0x434: {  	_ =	swait.ge @!p0 [sflag:s0], s1  }
0x435: {  	s1 =	ssub.s32 @!p0 $0x0, s1;
	[sflag:s0] =	ssyncset.done @!p0 $0x0  }
0x436: {  	[sflag:s0] =	ssyncadd.s32 @!p0 s1  }
0x437: {  	[bflag:$0x3] =	sbarrier.arrive $0xFFFF  }
0x438: {  	_ =	shalt  }

</sc_bundles>
